<compile_context>
chip_gen: v7x
topology: tpu7x:2x2x1
jax: 0.10.2.dev20260603
libtpu: 0.0.44.dev20260713+nightly
codegen_flags: <defaults>
</compile_context>

<pallas_src>
import functools

import jax
import jax.numpy as jnp
from jax import lax
from jax.experimental import pallas as pl
from jax.experimental.pallas import tpu as pltpu
from jax.experimental.pallas import tpu_sc as plsc

_NUM_CLASSES = 5
_H = _W = 13
_S = _H * _W
_SP = 176
_A = 3
_ANCHOR_W = (0.05, 0.1, 0.15)
_CH = 2 * _NUM_CLASSES
_N = 10
_NSUB = 16
_LN2 = 0.6931471805599453


def _logf(x):
    bits = lax.bitcast_convert_type(x, jnp.int32)
    e = ((bits >> 23) & 0xFF) - 127
    f = lax.bitcast_convert_type((bits & 0x7FFFFF) | 0x3F800000, jnp.float32)
    big = f > 1.41421356
    f = jnp.where(big, f * 0.5, f)
    e = (e + big.astype(jnp.int32)).astype(jnp.float32)
    z = f - 1.0
    y = z * z
    p = jnp.full_like(z, 7.0376836292e-2)
    for c in (-1.1514610310e-1, 1.1676998740e-1, -1.2420140846e-1,
              1.4249322787e-1, -1.6668057665e-1, 2.0000714765e-1,
              -2.4999993993e-1, 3.3333331174e-1):
        p = p * z + c
    return z + z * y * p - 0.5 * y + e * _LN2


def _bce0(x):
    return jnp.maximum(x, 0.0) + _logf(1.0 + jnp.exp(-jnp.abs(x)))


def _splat(vec, j):
    return jnp.full((16,), vec[j], vec.dtype)


def _partials_body(pred_hbm, cx_hbm, cy_hbm, w_hbm, h_hbm, lab_hbm, out_hbm,
                   pred_v, cx_v, cy_v, w_v, h_v, lab_v, part_v):
    cid = lax.axis_index("c")
    sid = lax.axis_index("s")

    @pl.when(cid == 0)
    def _core0():
        lane = lax.iota(jnp.int32, 16)

        def sample_loss(b):
            pltpu.sync_copy(pred_hbm.at[b], pred_v)
            pltpu.sync_copy(cx_hbm.at[b], cx_v)
            pltpu.sync_copy(cy_hbm.at[b], cy_v)
            pltpu.sync_copy(w_hbm.at[b], w_v)
            pltpu.sync_copy(h_hbm.at[b], h_v)
            pltpu.sync_copy(lab_hbm.at[b], lab_v)
            cx = cx_v[...]
            cy = cy_v[...]
            w = w_v[...]
            h = h_v[...]
            lab = lab_v[...]

            valid = (cx > 0) & (cx < 1) & (cy > 0) & (cy < 1) & (w > 0) & (h > 0)
            cxs = cx * _W
            cys = cy * _H
            gx = cxs.astype(jnp.int32)
            gx = gx - (gx.astype(jnp.float32) > cxs).astype(jnp.int32)
            gy = cys.astype(jnp.int32)
            gy = gy - (gy.astype(jnp.float32) > cys).astype(jnp.int32)
            gx = jnp.minimum(jnp.maximum(gx, 0), _W - 1)
            gy = jnp.minimum(jnp.maximum(gy, 0), _H - 1)
            ious = []
            for aw in _ANCHOR_W:
                inter = jnp.minimum(w, aw) * jnp.minimum(h, aw)
                ious.append(inter / (w * h + aw * aw - inter))
            best = jnp.where(ious[1] > ious[0], 1, 0).astype(jnp.int32)
            best = jnp.where(ious[2] > jnp.maximum(ious[0], ious[1]), 2, best)
            awb = jnp.where(best == 0, _ANCHOR_W[0],
                            jnp.where(best == 1, _ANCHOR_W[1], _ANCHOR_W[2]))
            tx = cxs - gx.astype(jnp.float32)
            ty = cys - gy.astype(jnp.float32)
            tw = _logf(w / awb + 1e-16)
            th = _logf(h / awb + 1e-16)
            scell = gy * _W + gx
            boxkey = best * _S + scell
            cls_ok = valid & (lab >= 0) & (lab < _NUM_CLASSES)
            pairkey = boxkey * _NUM_CLASSES + jnp.minimum(
                jnp.maximum(lab, 0), _NUM_CLASSES - 1)

            vval = valid.astype(jnp.int32)
            cval = cls_ok.astype(jnp.int32)
            killed = jnp.zeros((16,), jnp.bool_)
            pkilled = jnp.zeros((16,), jnp.bool_)
            for j in range(1, _N):
                later = lane < j
                killed = killed | ((_splat(vval, j) > 0)
                                   & (boxkey == _splat(boxkey, j)) & later)
                pkilled = pkilled | ((_splat(cval, j) > 0)
                                     & (pairkey == _splat(pairkey, j)) & later)
            win = valid & (~killed)
            winpair = cls_ok & (~pkilled)
            winf = win.astype(jnp.float32)
            cntv = jnp.full((16,), jnp.sum(winf))
            pwv = (float(_A * _S) - cntv) / (cntv + 1e-16)

            dense = jnp.zeros((16,), jnp.float32)
            for a in range(_A):
                def chunk(t, acc):
                    return acc + _bce0(pred_v[a * _CH, pl.ds(t * 16, 16)])
                dense = lax.fori_loop(0, _SP // 16, chunk, dense)
            padv = jnp.where(lane == 0, (_A * (_SP - _S)) * float(_LN2), 0.0)

            chbase = best * _CH
            o = plsc.load_gather(pred_v, [chbase, scell])
            corrv = jnp.where(win, pwv * (_bce0(o) - o) - _bce0(o), 0.0)

            bb = jnp.zeros((16,), jnp.float32)
            for k, val in enumerate((tx, ty, tw, th)):
                pb = plsc.load_gather(pred_v, [chbase + (1 + k), scell])
                d = pb - val
                bb = bb + jnp.where(win, d * d, 0.0)
            clsbce = jnp.zeros((16,), jnp.float32)
            for k in range(_NUM_CLASSES):
                pc = plsc.load_gather(pred_v, [chbase + (_NUM_CLASSES + k), scell])
                clsbce = clsbce + jnp.where(win, _bce0(pc), 0.0)
            pcl = plsc.load_gather(
                pred_v, [chbase + _NUM_CLASSES + jnp.minimum(
                    jnp.maximum(lab, 0), _NUM_CLASSES - 1), scell])
            pairv = jnp.where(winpair, pcl, 0.0)

            hasv = cntv > 0
            w_bb = jnp.where(hasv, 5.0 / (4.0 * cntv + 1e-30), 0.0)
            w_cls = jnp.where(hasv, 2.0 / (float(_NUM_CLASSES) * cntv + 1e-30),
                              0.0)
            return ((dense - padv + corrv) * (2.0 / float(_A * _S))
                    + bb * w_bb + (clsbce - pairv) * w_cls)

        def body(k, acc):
            return acc + sample_loss(sid * 4 + k)

        accv = lax.fori_loop(0, 4, body, jnp.zeros((16,), jnp.float32))
        part_v[...] = accv * (1.0 / 64.0)
        pltpu.sync_copy(part_v, out_hbm.at[sid])


def _reduce_body(parts_hbm, out_hbm, parts_v, res_v):
    cid = lax.axis_index("c")
    sid = lax.axis_index("s")

    @pl.when((cid == 0) & (sid == 0))
    def _t0():
        lane = lax.iota(jnp.int32, 16)
        pltpu.sync_copy(parts_hbm, parts_v)
        acc = parts_v[0]
        for r in range(1, _NSUB):
            acc = acc + parts_v[r]
        res_v[...] = jnp.where(lane == 0, jnp.sum(acc), 0.0)
        pltpu.sync_copy(res_v, out_hbm)


def kernel(predictions, targets_boxes, targets_labels):
    B = predictions.shape[0]
    pred = jnp.pad(predictions.reshape(B, _A * _CH, _S),
                   ((0, 0), (0, 0), (0, _SP - _S)))
    pad10 = ((0, 0), (0, 16 - _N))
    cx = jnp.pad(targets_boxes[:, :, 0], pad10)
    cy = jnp.pad(targets_boxes[:, :, 1], pad10)
    w = jnp.pad(targets_boxes[:, :, 2], pad10)
    h = jnp.pad(targets_boxes[:, :, 3], pad10)
    lab = jnp.pad(targets_labels, pad10)

    mesh = plsc.VectorSubcoreMesh(core_axis_name="c", subcore_axis_name="s")
    parts = functools.partial(
        pl.kernel,
        mesh=mesh,
        compiler_params=pltpu.CompilerParams(needs_layout_passes=False),
        out_type=jax.ShapeDtypeStruct((_NSUB, 16), jnp.float32),
        scratch_types=[
            pltpu.VMEM((_A * _CH, _SP), jnp.float32),
            pltpu.VMEM((16,), jnp.float32),
            pltpu.VMEM((16,), jnp.float32),
            pltpu.VMEM((16,), jnp.float32),
            pltpu.VMEM((16,), jnp.float32),
            pltpu.VMEM((16,), jnp.int32),
            pltpu.VMEM((16,), jnp.float32),
        ],
    )(_partials_body)(pred, cx, cy, w, h, lab)

    out = functools.partial(
        pl.kernel,
        mesh=mesh,
        compiler_params=pltpu.CompilerParams(needs_layout_passes=False),
        out_type=jax.ShapeDtypeStruct((16,), jnp.float32),
        scratch_types=[
            pltpu.VMEM((_NSUB, 16), jnp.float32),
            pltpu.VMEM((16,), jnp.float32),
        ],
    )(_reduce_body)(parts)
    return out[0]

# --- scband reference (transcript-rebuilt; emitter-appended) ---
"""Pipeline reference for scband-sgsnet-loss-44590350467622 (READ-ONLY COPY).

The authoritative reference and input builder live on the scoring server;
editing this copy changes nothing except your own understanding.
"""

import jax, jax.numpy as jnp
import numpy as np

NUM_CLASSES = 5
ANCHORS = np.array([[0.05, 0.05], [0.1, 0.1], [0.15, 0.15]], dtype=np.float32)
H = W = 13  # 416 // 32
A = 3


def _bce_with_logits(x, t):
    # elementwise BCEWithLogitsLoss (reduction='none')
    return jnp.maximum(x, 0.0) - x * t + jnp.log1p(jnp.exp(-jnp.abs(x)))


def _build_targets(boxes, labels):
    target_obj = jnp.zeros((A, H, W), jnp.float32)
    target_bbox = jnp.zeros((A, H, W, 4), jnp.float32)
    target_cls = jnp.zeros((A, H, W, NUM_CLASSES), jnp.float32)
    obj_mask = jnp.zeros((A, H, W), jnp.float32)
    aw_all = jnp.asarray(ANCHORS[:, 0])
    ah_all = jnp.asarray(ANCHORS[:, 1])
    for i in range(boxes.shape[0]):
        cx, cy, w, h = boxes[i, 0], boxes[i, 1], boxes[i, 2], boxes[i, 3]
        valid = (cx > 0) & (cx < 1) & (cy > 0) & (cy < 1) & (w > 0) & (h > 0)
        gx = jnp.clip(jnp.floor(cx * W).astype(jnp.int32), 0, W - 1)
        gy = jnp.clip(jnp.floor(cy * H).astype(jnp.int32), 0, H - 1)
        inter = jnp.minimum(w, aw_all) * jnp.minimum(h, ah_all)
        iou = inter / (w * h + aw_all * ah_all - inter)
        best = jnp.argmax(iou).astype(jnp.int32)
        vals = jnp.stack([
            cx * W - gx,
            cy * H - gy,
            jnp.log(w / aw_all[best] + 1e-16),
            jnp.log(h / ah_all[best] + 1e-16),
        ])
        target_obj = jnp.where(valid, target_obj.at[best, gy, gx].set(1.0), target_obj)
        obj_mask = jnp.where(valid, obj_mask.at[best, gy, gx].set(1.0), obj_mask)
        target_bbox = jnp.where(valid, target_bbox.at[best, gy, gx].set(vals), target_bbox)
        li = labels[i]
        cls_ok = valid & (li >= 0) & (li < NUM_CLASSES)
        target_cls = jnp.where(cls_ok, target_cls.at[best, gy, gx, li].set(1.0), target_cls)
    return target_obj, target_bbox, target_cls, obj_mask


def setup_inputs(seed: int = 0) -> dict:
    key = jax.random.key(seed)
    k1, k2, k3 = jax.random.split(key, 3)
    predictions = jax.random.normal(k1, (64, 30, 13, 13), dtype=jnp.float32)
    targets_boxes = jax.random.uniform(k2, (64, 10, 4), dtype=jnp.float32)
    targets_labels = jax.random.randint(k3, (64, 10), 0, 5, dtype=jnp.int64 if jax.config.jax_enable_x64 else jnp.int32).astype(jnp.int32)
    return {"predictions": predictions, "targets_boxes": targets_boxes, "targets_labels": targets_labels}


def reference(predictions, targets_boxes, targets_labels):
    B = predictions.shape[0]
    preds = predictions.reshape(B, A, 5 + NUM_CLASSES, H, W).transpose(0, 1, 3, 4, 2)
    pred_obj = preds[..., 0]
    pred_bbox = preds[..., 1:5]
    pred_cls = preds[..., 5:]
    total_obj = 0.0
    total_bbox = 0.0
    total_cls = 0.0
    samples = 0
    has_bbox = jnp.asarray(False)
    has_cls = jnp.asarray(False)
    for b in range(B):
        t_obj, t_bbox, t_cls, mask = _build_targets(targets_boxes[b], targets_labels[b])
        if targets_boxes[b].shape[0] == 0:
            total_obj = total_obj + _bce_with_logits(pred_obj[b], t_obj).mean()
            samples += 1
            continue
        cnt = mask.sum()
        pos_weight = (mask == 0).sum() / (cnt + 1e-16)
        ol = _bce_with_logits(pred_obj[b], t_obj)
        ol = jnp.where(mask > 0, ol * pos_weight, ol)
        total_obj = total_obj + ol.mean()
        has = cnt > 0
        bbox_term = jnp.sum(((pred_bbox[b] - t_bbox) ** 2) * mask[..., None]) / (4.0 * cnt)
        total_bbox = total_bbox + jnp.where(has, bbox_term, 0.0)
        has_bbox = has_bbox | has
        cls_term = jnp.sum(_bce_with_logits(pred_cls[b], t_cls) * mask[..., None]) / (float(NUM_CLASSES) * cnt)
        total_cls = total_cls + jnp.where(has, cls_term, 0.0)
        has_cls = has_cls | has
        samples += 1
    total_obj = total_obj / samples
    total_bbox = jnp.where(has_bbox, total_bbox / samples, jnp.asarray(0.0, dtype=jnp.float32))
    total_cls = jnp.where(has_cls, total_cls / samples, jnp.asarray(0.0, dtype=jnp.float32))
    total_loss = 2.0 * total_obj + 5.0 * total_bbox + 2.0 * total_cls
    return total_loss

if __name__ == "__main__":
    import jax
    _d = setup_inputs()
    print(jax.jit(kernel)(*tuple(_d.values())))

</pallas_src>

<mosaic_0001>
#map = affine_map<(d0, d1) -> (0, 0)>
#map1 = affine_map<(d0, d1) -> (0)>
module attributes {stable_mosaic.version = 14 : i64} {
  func.func @_reduce_body(%arg0: i32, %arg1: i32, %arg2: memref<16x16xf32, #tpu.memory_space<hbm>>, %arg3: memref<16xf32, #tpu.memory_space<hbm>>, %arg4: memref<16x16xf32, #tpu.memory_space<vmem>>, %arg5: memref<16xf32, #tpu.memory_space<vmem>>) attributes {dimension_semantics = [#tpu.dimension_semantics<core_parallel>, #tpu.dimension_semantics<subcore_parallel>], iteration_bounds = array<i64: 2, 16>, scalar_prefetch = 0 : i64, scratch_operands = 2 : i64, tpu.core_type = #tpu.core_type<sc_vector_subcore>, window_params = [{transform_indices = #map}, {transform_indices = #map1}]} {
    %eq3A = arith.constant 0 : i32
    %eq3A_0 = arith.cmpi eq, %arg0, %eq3A : i32
    %eq3A_1 = arith.constant 0 : i32
    %eq3A_2 = arith.cmpi eq, %arg1, %eq3A_1 : i32
    %and3A = arith.andi %eq3A_0, %eq3A_2 : i1
    %convert_element_type3A = arith.extui %and3A : i1 to i32
    %cond3A = arith.constant 0 : i32
    %cond3A_3 = arith.cmpi ne, %convert_element_type3A, %cond3A : i32
    scf.if %cond3A_3 {
      %iota3A = tpu.iota {dimensions = array<i32: 0>} : vector<16xi32>
      "tpu.region"() ({
        %run_scoped3A = tpu.sem_alloc : memref<!tpu.dma_semaphore, #tpu.memory_space<semaphore_mem>>
        tpu.enqueue_dma source(%arg2 : memref<16x16xf32, #tpu.memory_space<hbm>>) target(%arg4 : memref<16x16xf32, #tpu.memory_space<vmem>>) target_semaphore(%run_scoped3A : memref<!tpu.dma_semaphore, #tpu.memory_space<semaphore_mem>>)
        tpu.wait_dma2 semaphore(%run_scoped3A : memref<!tpu.dma_semaphore, #tpu.memory_space<semaphore_mem>>) src(%arg2 : memref<16x16xf32, #tpu.memory_space<hbm>>) dst(%arg4 : memref<16x16xf32, #tpu.memory_space<vmem>>)
        tpu.yield
      }) : () -> ()
      %get3A = arith.constant 0 : i32
      %get3A_4 = arith.index_cast %get3A : i32 to index
      %get3A_5 = arith.constant 0 : index
      %get3A_6 = tpu.vector_load %arg4[%get3A_4, %get3A_5] {strides = array<i32>} : memref<16x16xf32, #tpu.memory_space<vmem>>, vector<16xf32>,
      %get3A_7 = arith.constant 1 : i32
      %get3A_8 = arith.index_cast %get3A_7 : i32 to index
      %get3A_9 = arith.constant 0 : index
      %get3A_10 = tpu.vector_load %arg4[%get3A_8, %get3A_9] {strides = array<i32>} : memref<16x16xf32, #tpu.memory_space<vmem>>, vector<16xf32>,
      %add3A = arith.addf %get3A_6, %get3A_10 : vector<16xf32>
      %get3A_11 = arith.constant 2 : i32
      %get3A_12 = arith.index_cast %get3A_11 : i32 to index
      %get3A_13 = arith.constant 0 : index
      %get3A_14 = tpu.vector_load %arg4[%get3A_12, %get3A_13] {strides = array<i32>} : memref<16x16xf32, #tpu.memory_space<vmem>>, vector<16xf32>,
      %add3A_15 = arith.addf %add3A, %get3A_14 : vector<16xf32>
      %get3A_16 = arith.constant 3 : i32
      %get3A_17 = arith.index_cast %get3A_16 : i32 to index
      %get3A_18 = arith.constant 0 : index
      %get3A_19 = tpu.vector_load %arg4[%get3A_17, %get3A_18] {strides = array<i32>} : memref<16x16xf32, #tpu.memory_space<vmem>>, vector<16xf32>,
      %add3A_20 = arith.addf %add3A_15, %get3A_19 : vector<16xf32>
      %get3A_21 = arith.constant 4 : i32
      %get3A_22 = arith.index_cast %get3A_21 : i32 to index
      %get3A_23 = arith.constant 0 : index
      %get3A_24 = tpu.vector_load %arg4[%get3A_22, %get3A_23] {strides = array<i32>} : memref<16x16xf32, #tpu.memory_space<vmem>>, vector<16xf32>,
      %add3A_25 = arith.addf %add3A_20, %get3A_24 : vector<16xf32>
      %get3A_26 = arith.constant 5 : i32
      %get3A_27 = arith.index_cast %get3A_26 : i32 to index
      %get3A_28 = arith.constant 0 : index
      %get3A_29 = tpu.vector_load %arg4[%get3A_27, %get3A_28] {strides = array<i32>} : memref<16x16xf32, #tpu.memory_space<vmem>>, vector<16xf32>,
      %add3A_30 = arith.addf %add3A_25, %get3A_29 : vector<16xf32>
      %get3A_31 = arith.constant 6 : i32
      %get3A_32 = arith.index_cast %get3A_31 : i32 to index
      %get3A_33 = arith.constant 0 : index
      %get3A_34 = tpu.vector_load %arg4[%get3A_32, %get3A_33] {strides = array<i32>} : memref<16x16xf32, #tpu.memory_space<vmem>>, vector<16xf32>,
      %add3A_35 = arith.addf %add3A_30, %get3A_34 : vector<16xf32>
      %get3A_36 = arith.constant 7 : i32
      %get3A_37 = arith.index_cast %get3A_36 : i32 to index
      %get3A_38 = arith.constant 0 : index
      %get3A_39 = tpu.vector_load %arg4[%get3A_37, %get3A_38] {strides = array<i32>} : memref<16x16xf32, #tpu.memory_space<vmem>>, vector<16xf32>,
      %add3A_40 = arith.addf %add3A_35, %get3A_39 : vector<16xf32>
      %get3A_41 = arith.constant 8 : i32
      %get3A_42 = arith.index_cast %get3A_41 : i32 to index
      %get3A_43 = arith.constant 0 : index
      %get3A_44 = tpu.vector_load %arg4[%get3A_42, %get3A_43] {strides = array<i32>} : memref<16x16xf32, #tpu.memory_space<vmem>>, vector<16xf32>,
      %add3A_45 = arith.addf %add3A_40, %get3A_44 : vector<16xf32>
      %get3A_46 = arith.constant 9 : i32
      %get3A_47 = arith.index_cast %get3A_46 : i32 to index
      %get3A_48 = arith.constant 0 : index
      %get3A_49 = tpu.vector_load %arg4[%get3A_47, %get3A_48] {strides = array<i32>} : memref<16x16xf32, #tpu.memory_space<vmem>>, vector<16xf32>,
      %add3A_50 = arith.addf %add3A_45, %get3A_49 : vector<16xf32>
      %get3A_51 = arith.constant 10 : i32
      %get3A_52 = arith.index_cast %get3A_51 : i32 to index
      %get3A_53 = arith.constant 0 : index
      %get3A_54 = tpu.vector_load %arg4[%get3A_52, %get3A_53] {strides = array<i32>} : memref<16x16xf32, #tpu.memory_space<vmem>>, vector<16xf32>,
      %add3A_55 = arith.addf %add3A_50, %get3A_54 : vector<16xf32>
      %get3A_56 = arith.constant 11 : i32
      %get3A_57 = arith.index_cast %get3A_56 : i32 to index
      %get3A_58 = arith.constant 0 : index
      %get3A_59 = tpu.vector_load %arg4[%get3A_57, %get3A_58] {strides = array<i32>} : memref<16x16xf32, #tpu.memory_space<vmem>>, vector<16xf32>,
      %add3A_60 = arith.addf %add3A_55, %get3A_59 : vector<16xf32>
      %get3A_61 = arith.constant 12 : i32
      %get3A_62 = arith.index_cast %get3A_61 : i32 to index
      %get3A_63 = arith.constant 0 : index
      %get3A_64 = tpu.vector_load %arg4[%get3A_62, %get3A_63] {strides = array<i32>} : memref<16x16xf32, #tpu.memory_space<vmem>>, vector<16xf32>,
      %add3A_65 = arith.addf %add3A_60, %get3A_64 : vector<16xf32>
      %get3A_66 = arith.constant 13 : i32
      %get3A_67 = arith.index_cast %get3A_66 : i32 to index
      %get3A_68 = arith.constant 0 : index
      %get3A_69 = tpu.vector_load %arg4[%get3A_67, %get3A_68] {strides = array<i32>} : memref<16x16xf32, #tpu.memory_space<vmem>>, vector<16xf32>,
      %add3A_70 = arith.addf %add3A_65, %get3A_69 : vector<16xf32>
      %get3A_71 = arith.constant 14 : i32
      %get3A_72 = arith.index_cast %get3A_71 : i32 to index
      %get3A_73 = arith.constant 0 : index
      %get3A_74 = tpu.vector_load %arg4[%get3A_72, %get3A_73] {strides = array<i32>} : memref<16x16xf32, #tpu.memory_space<vmem>>, vector<16xf32>,
      %add3A_75 = arith.addf %add3A_70, %get3A_74 : vector<16xf32>
      %get3A_76 = arith.constant 15 : i32
      %get3A_77 = arith.index_cast %get3A_76 : i32 to index
      %get3A_78 = arith.constant 0 : index
      %get3A_79 = tpu.vector_load %arg4[%get3A_77, %get3A_78] {strides = array<i32>} : memref<16x16xf32, #tpu.memory_space<vmem>>, vector<16xf32>,
      %add3A_80 = arith.addf %add3A_75, %get3A_79 : vector<16xf32>
      %eq3A_81 = arith.constant 0 : i32
      %eq3A_82 = vector.broadcast %eq3A_81 : i32 to vector<16xi32>
      %eq3A_83 = arith.cmpi eq, %iota3A, %eq3A_82 : vector<16xi32>
      %reduce_sum3A = arith.constant true
      %reduce_sum3A_84 = vector.broadcast %reduce_sum3A : i1 to vector<16xi1>
      %reduce_sum3A_85 = tpu.scan <sum>, %add3A_80 masked %reduce_sum3A_84 : vector<16xf32>, vector<16xi1> -> vector<16xf32>
      %reduce_sum3A_86 = vector.extract %reduce_sum3A_85[15] : f32 from vector<16xf32>
      %jit3A = arith.constant 0.000000e+00 : f32
      %broadcast_in_dim3A = vector.broadcast %reduce_sum3A_86 : f32 to vector<16xf32>
      %broadcast_in_dim3A_87 = vector.broadcast %jit3A : f32 to vector<16xf32>
      %select_n3A = arith.select %eq3A_83, %broadcast_in_dim3A, %broadcast_in_dim3A_87 : vector<16xi1>, vector<16xf32>
      %swap3A = arith.constant 0 : index
      %swap3A_88 = tpu.vector_load %arg5[%swap3A] {strides = array<i32>} : memref<16xf32, #tpu.memory_space<vmem>>, vector<16xf32>,
      tpu.vector_store %arg5[%swap3A], %select_n3A {strides = array<i32>} : memref<16xf32, #tpu.memory_space<vmem>>, vector<16xf32>,
      "tpu.region"() ({
        %run_scoped3A = tpu.sem_alloc : memref<!tpu.dma_semaphore, #tpu.memory_space<semaphore_mem>>
        tpu.enqueue_dma source(%arg5 : memref<16xf32, #tpu.memory_space<vmem>>) target(%arg3 : memref<16xf32, #tpu.memory_space<hbm>>) target_semaphore(%run_scoped3A : memref<!tpu.dma_semaphore, #tpu.memory_space<semaphore_mem>>)
        tpu.wait_dma2 semaphore(%run_scoped3A : memref<!tpu.dma_semaphore, #tpu.memory_space<semaphore_mem>>) src(%arg5 : memref<16xf32, #tpu.memory_space<vmem>>) dst(%arg3 : memref<16xf32, #tpu.memory_space<hbm>>)
        tpu.yield
      }) : () -> ()
    } else {
    }
    return
  }
}

#map = affine_map<(d0, d1) -> (0, 0, 0)>
#map1 = affine_map<(d0, d1) -> (0, 0)>
module attributes {stable_mosaic.version = 14 : i64} {
  func.func @_partials_body(%arg0: i32, %arg1: i32, %arg2: memref<64x30x176xf32, #tpu.memory_space<hbm>>, %arg3: memref<64x16xf32, #tpu.memory_space<hbm>>, %arg4: memref<64x16xf32, #tpu.memory_space<hbm>>, %arg5: memref<64x16xf32, #tpu.memory_space<hbm>>, %arg6: memref<64x16xf32, #tpu.memory_space<hbm>>, %arg7: memref<64x16xi32, #tpu.memory_space<hbm>>, %arg8: memref<16x16xf32, #tpu.memory_space<hbm>>, %arg9: memref<30x176xf32, #tpu.memory_space<vmem>>, %arg10: memref<16xf32, #tpu.memory_space<vmem>>, %arg11: memref<16xf32, #tpu.memory_space<vmem>>, %arg12: memref<16xf32, #tpu.memory_space<vmem>>, %arg13: memref<16xf32, #tpu.memory_space<vmem>>, %arg14: memref<16xi32, #tpu.memory_space<vmem>>, %arg15: memref<16xf32, #tpu.memory_space<vmem>>) attributes {dimension_semantics = [#tpu.dimension_semantics<core_parallel>, #tpu.dimension_semantics<subcore_parallel>], iteration_bounds = array<i64: 2, 16>, scalar_prefetch = 0 : i64, scratch_operands = 7 : i64, tpu.core_type = #tpu.core_type<sc_vector_subcore>, window_params = [{transform_indices = #map}, {transform_indices = #map1}, {transform_indices = #map1}, {transform_indices = #map1}, {transform_indices = #map1}, {transform_indices = #map1}, {transform_indices = #map1}]} {
    %eq3A = arith.constant 0 : i32
    %eq3A_0 = arith.cmpi eq, %arg0, %eq3A : i32
    %convert_element_type3A = arith.extui %eq3A_0 : i1 to i32
    %cond3A = arith.constant 0 : i32
    %cond3A_1 = arith.cmpi ne, %convert_element_type3A, %cond3A : i32
    scf.if %cond3A_1 {
      %iota3A = tpu.iota {dimensions = array<i32: 0>} : vector<16xi32>
      %broadcast_in_dim3A = arith.constant 0.000000e+00 : f32
      %broadcast_in_dim3A_2 = vector.broadcast %broadcast_in_dim3A : f32 to vector<16xf32>
      %scan3A = arith.constant 0 : i32
      %scan3A_3 = arith.constant 4 : i32
      %scan3A_4 = arith.addi %scan3A, %scan3A_3 : i32
      %scan3A_5 = arith.constant 1 : i32
      %scan3A_6 = scf.for %scan3A_11 = %scan3A to %scan3A_4 step %scan3A_5 iter_args(%scan3A_12 = %broadcast_in_dim3A_2) -> (vector<16xf32>)  : i32 {
        %mul3A_13 = arith.constant 4 : i32
        %mul3A_14 = arith.muli %arg1, %mul3A_13 : i32
        %add3A = arith.addi %mul3A_14, %scan3A_11 : i32
        "tpu.region"() ({
          %run_scoped3A = tpu.sem_alloc : memref<!tpu.dma_semaphore, #tpu.memory_space<semaphore_mem>>
          %dma_start3A = arith.constant 0 : i32
          %dma_start3A_1385 = arith.constant 0 : i32
          %dma_start3A_1386 = tpu.memref_slice %arg2[%add3A, %dma_start3A, %dma_start3A_1385] : memref<64x30x176xf32, #tpu.memory_space<hbm>> -> memref<1x30x176xf32, #tpu.memory_space<hbm>>
          %dma_start3A_1387 = tpu.memref_squeeze %dma_start3A_1386 : memref<1x30x176xf32, #tpu.memory_space<hbm>> -> memref<30x176xf32, #tpu.memory_space<hbm>>
          %dma_start3A_1388 = arith.constant 0 : i32
          %dma_start3A_1389 = arith.constant 0 : i32
          %dma_start3A_1390 = tpu.memref_slice %arg2[%add3A, %dma_start3A_1388, %dma_start3A_1389] : memref<64x30x176xf32, #tpu.memory_space<hbm>> -> memref<1x30x176xf32, #tpu.memory_space<hbm>>
          %dma_start3A_1391 = tpu.memref_squeeze %dma_start3A_1390 : memref<1x30x176xf32, #tpu.memory_space<hbm>> -> memref<30x176xf32, #tpu.memory_space<hbm>>
          tpu.enqueue_dma source(%dma_start3A_1391 : memref<30x176xf32, #tpu.memory_space<hbm>>) target(%arg9 : memref<30x176xf32, #tpu.memory_space<vmem>>) target_semaphore(%run_scoped3A : memref<!tpu.dma_semaphore, #tpu.memory_space<semaphore_mem>>)
          %dma_wait3A = arith.constant 0 : i32
          %dma_wait3A_1392 = arith.constant 0 : i32
          %dma_wait3A_1393 = tpu.memref_slice %arg2[%add3A, %dma_wait3A, %dma_wait3A_1392] : memref<64x30x176xf32, #tpu.memory_space<hbm>> -> memref<1x30x176xf32, #tpu.memory_space<hbm>>
          %dma_wait3A_1394 = tpu.memref_squeeze %dma_wait3A_1393 : memref<1x30x176xf32, #tpu.memory_space<hbm>> -> memref<30x176xf32, #tpu.memory_space<hbm>>
          %dma_wait3A_1395 = arith.constant 0 : i32
          %dma_wait3A_1396 = arith.constant 0 : i32
          %dma_wait3A_1397 = tpu.memref_slice %arg2[%add3A, %dma_wait3A_1395, %dma_wait3A_1396] : memref<64x30x176xf32, #tpu.memory_space<hbm>> -> memref<1x30x176xf32, #tpu.memory_space<hbm>>
          %dma_wait3A_1398 = tpu.memref_squeeze %dma_wait3A_1397 : memref<1x30x176xf32, #tpu.memory_space<hbm>> -> memref<30x176xf32, #tpu.memory_space<hbm>>
          tpu.wait_dma2 semaphore(%run_scoped3A : memref<!tpu.dma_semaphore, #tpu.memory_space<semaphore_mem>>) src(%dma_wait3A_1398 : memref<30x176xf32, #tpu.memory_space<hbm>>) dst(%arg9 : memref<30x176xf32, #tpu.memory_space<vmem>>)
          tpu.yield
        }) : () -> ()
        "tpu.region"() ({
          %run_scoped3A = tpu.sem_alloc : memref<!tpu.dma_semaphore, #tpu.memory_space<semaphore_mem>>
          %dma_start3A = arith.constant 0 : i32
          %dma_start3A_1385 = tpu.memref_slice %arg3[%add3A, %dma_start3A] : memref<64x16xf32, #tpu.memory_space<hbm>> -> memref<1x16xf32, #tpu.memory_space<hbm>>
          %dma_start3A_1386 = tpu.memref_squeeze %dma_start3A_1385 : memref<1x16xf32, #tpu.memory_space<hbm>> -> memref<16xf32, #tpu.memory_space<hbm>>
          %dma_start3A_1387 = arith.constant 0 : i32
          %dma_start3A_1388 = tpu.memref_slice %arg3[%add3A, %dma_start3A_1387] : memref<64x16xf32, #tpu.memory_space<hbm>> -> memref<1x16xf32, #tpu.memory_space<hbm>>
          %dma_start3A_1389 = tpu.memref_squeeze %dma_start3A_1388 : memref<1x16xf32, #tpu.memory_space<hbm>> -> memref<16xf32, #tpu.memory_space<hbm>>
          tpu.enqueue_dma source(%dma_start3A_1389 : memref<16xf32, #tpu.memory_space<hbm>>) target(%arg10 : memref<16xf32, #tpu.memory_space<vmem>>) target_semaphore(%run_scoped3A : memref<!tpu.dma_semaphore, #tpu.memory_space<semaphore_mem>>)
          %dma_wait3A = arith.constant 0 : i32
          %dma_wait3A_1390 = tpu.memref_slice %arg3[%add3A, %dma_wait3A] : memref<64x16xf32, #tpu.memory_space<hbm>> -> memref<1x16xf32, #tpu.memory_space<hbm>>
          %dma_wait3A_1391 = tpu.memref_squeeze %dma_wait3A_1390 : memref<1x16xf32, #tpu.memory_space<hbm>> -> memref<16xf32, #tpu.memory_space<hbm>>
          %dma_wait3A_1392 = arith.constant 0 : i32
          %dma_wait3A_1393 = tpu.memref_slice %arg3[%add3A, %dma_wait3A_1392] : memref<64x16xf32, #tpu.memory_space<hbm>> -> memref<1x16xf32, #tpu.memory_space<hbm>>
          %dma_wait3A_1394 = tpu.memref_squeeze %dma_wait3A_1393 : memref<1x16xf32, #tpu.memory_space<hbm>> -> memref<16xf32, #tpu.memory_space<hbm>>
          tpu.wait_dma2 semaphore(%run_scoped3A : memref<!tpu.dma_semaphore, #tpu.memory_space<semaphore_mem>>) src(%dma_wait3A_1394 : memref<16xf32, #tpu.memory_space<hbm>>) dst(%arg10 : memref<16xf32, #tpu.memory_space<vmem>>)
          tpu.yield
        }) : () -> ()
        "tpu.region"() ({
          %run_scoped3A = tpu.sem_alloc : memref<!tpu.dma_semaphore, #tpu.memory_space<semaphore_mem>>
          %dma_start3A = arith.constant 0 : i32
          %dma_start3A_1385 = tpu.memref_slice %arg4[%add3A, %dma_start3A] : memref<64x16xf32, #tpu.memory_space<hbm>> -> memref<1x16xf32, #tpu.memory_space<hbm>>
          %dma_start3A_1386 = tpu.memref_squeeze %dma_start3A_1385 : memref<1x16xf32, #tpu.memory_space<hbm>> -> memref<16xf32, #tpu.memory_space<hbm>>
          %dma_start3A_1387 = arith.constant 0 : i32
          %dma_start3A_1388 = tpu.memref_slice %arg4[%add3A, %dma_start3A_1387] : memref<64x16xf32, #tpu.memory_space<hbm>> -> memref<1x16xf32, #tpu.memory_space<hbm>>
          %dma_start3A_1389 = tpu.memref_squeeze %dma_start3A_1388 : memref<1x16xf32, #tpu.memory_space<hbm>> -> memref<16xf32, #tpu.memory_space<hbm>>
          tpu.enqueue_dma source(%dma_start3A_1389 : memref<16xf32, #tpu.memory_space<hbm>>) target(%arg11 : memref<16xf32, #tpu.memory_space<vmem>>) target_semaphore(%run_scoped3A : memref<!tpu.dma_semaphore, #tpu.memory_space<semaphore_mem>>)
          %dma_wait3A = arith.constant 0 : i32
          %dma_wait3A_1390 = tpu.memref_slice %arg4[%add3A, %dma_wait3A] : memref<64x16xf32, #tpu.memory_space<hbm>> -> memref<1x16xf32, #tpu.memory_space<hbm>>
          %dma_wait3A_1391 = tpu.memref_squeeze %dma_wait3A_1390 : memref<1x16xf32, #tpu.memory_space<hbm>> -> memref<16xf32, #tpu.memory_space<hbm>>
          %dma_wait3A_1392 = arith.constant 0 : i32
          %dma_wait3A_1393 = tpu.memref_slice %arg4[%add3A, %dma_wait3A_1392] : memref<64x16xf32, #tpu.memory_space<hbm>> -> memref<1x16xf32, #tpu.memory_space<hbm>>
          %dma_wait3A_1394 = tpu.memref_squeeze %dma_wait3A_1393 : memref<1x16xf32, #tpu.memory_space<hbm>> -> memref<16xf32, #tpu.memory_space<hbm>>
          tpu.wait_dma2 semaphore(%run_scoped3A : memref<!tpu.dma_semaphore, #tpu.memory_space<semaphore_mem>>) src(%dma_wait3A_1394 : memref<16xf32, #tpu.memory_space<hbm>>) dst(%arg11 : memref<16xf32, #tpu.memory_space<vmem>>)
          tpu.yield
        }) : () -> ()
        "tpu.region"() ({
          %run_scoped3A = tpu.sem_alloc : memref<!tpu.dma_semaphore, #tpu.memory_space<semaphore_mem>>
          %dma_start3A = arith.constant 0 : i32
          %dma_start3A_1385 = tpu.memref_slice %arg5[%add3A, %dma_start3A] : memref<64x16xf32, #tpu.memory_space<hbm>> -> memref<1x16xf32, #tpu.memory_space<hbm>>
          %dma_start3A_1386 = tpu.memref_squeeze %dma_start3A_1385 : memref<1x16xf32, #tpu.memory_space<hbm>> -> memref<16xf32, #tpu.memory_space<hbm>>
          %dma_start3A_1387 = arith.constant 0 : i32
          %dma_start3A_1388 = tpu.memref_slice %arg5[%add3A, %dma_start3A_1387] : memref<64x16xf32, #tpu.memory_space<hbm>> -> memref<1x16xf32, #tpu.memory_space<hbm>>
          %dma_start3A_1389 = tpu.memref_squeeze %dma_start3A_1388 : memref<1x16xf32, #tpu.memory_space<hbm>> -> memref<16xf32, #tpu.memory_space<hbm>>
          tpu.enqueue_dma source(%dma_start3A_1389 : memref<16xf32, #tpu.memory_space<hbm>>) target(%arg12 : memref<16xf32, #tpu.memory_space<vmem>>) target_semaphore(%run_scoped3A : memref<!tpu.dma_semaphore, #tpu.memory_space<semaphore_mem>>)
          %dma_wait3A = arith.constant 0 : i32
          %dma_wait3A_1390 = tpu.memref_slice %arg5[%add3A, %dma_wait3A] : memref<64x16xf32, #tpu.memory_space<hbm>> -> memref<1x16xf32, #tpu.memory_space<hbm>>
          %dma_wait3A_1391 = tpu.memref_squeeze %dma_wait3A_1390 : memref<1x16xf32, #tpu.memory_space<hbm>> -> memref<16xf32, #tpu.memory_space<hbm>>
          %dma_wait3A_1392 = arith.constant 0 : i32
          %dma_wait3A_1393 = tpu.memref_slice %arg5[%add3A, %dma_wait3A_1392] : memref<64x16xf32, #tpu.memory_space<hbm>> -> memref<1x16xf32, #tpu.memory_space<hbm>>
          %dma_wait3A_1394 = tpu.memref_squeeze %dma_wait3A_1393 : memref<1x16xf32, #tpu.memory_space<hbm>> -> memref<16xf32, #tpu.memory_space<hbm>>
          tpu.wait_dma2 semaphore(%run_scoped3A : memref<!tpu.dma_semaphore, #tpu.memory_space<semaphore_mem>>) src(%dma_wait3A_1394 : memref<16xf32, #tpu.memory_space<hbm>>) dst(%arg12 : memref<16xf32, #tpu.memory_space<vmem>>)
          tpu.yield
        }) : () -> ()
        "tpu.region"() ({
          %run_scoped3A = tpu.sem_alloc : memref<!tpu.dma_semaphore, #tpu.memory_space<semaphore_mem>>
          %dma_start3A = arith.constant 0 : i32
          %dma_start3A_1385 = tpu.memref_slice %arg6[%add3A, %dma_start3A] : memref<64x16xf32, #tpu.memory_space<hbm>> -> memref<1x16xf32, #tpu.memory_space<hbm>>
          %dma_start3A_1386 = tpu.memref_squeeze %dma_start3A_1385 : memref<1x16xf32, #tpu.memory_space<hbm>> -> memref<16xf32, #tpu.memory_space<hbm>>
          %dma_start3A_1387 = arith.constant 0 : i32
          %dma_start3A_1388 = tpu.memref_slice %arg6[%add3A, %dma_start3A_1387] : memref<64x16xf32, #tpu.memory_space<hbm>> -> memref<1x16xf32, #tpu.memory_space<hbm>>
          %dma_start3A_1389 = tpu.memref_squeeze %dma_start3A_1388 : memref<1x16xf32, #tpu.memory_space<hbm>> -> memref<16xf32, #tpu.memory_space<hbm>>
          tpu.enqueue_dma source(%dma_start3A_1389 : memref<16xf32, #tpu.memory_space<hbm>>) target(%arg13 : memref<16xf32, #tpu.memory_space<vmem>>) target_semaphore(%run_scoped3A : memref<!tpu.dma_semaphore, #tpu.memory_space<semaphore_mem>>)
          %dma_wait3A = arith.constant 0 : i32
          %dma_wait3A_1390 = tpu.memref_slice %arg6[%add3A, %dma_wait3A] : memref<64x16xf32, #tpu.memory_space<hbm>> -> memref<1x16xf32, #tpu.memory_space<hbm>>
          %dma_wait3A_1391 = tpu.memref_squeeze %dma_wait3A_1390 : memref<1x16xf32, #tpu.memory_space<hbm>> -> memref<16xf32, #tpu.memory_space<hbm>>
          %dma_wait3A_1392 = arith.constant 0 : i32
          %dma_wait3A_1393 = tpu.memref_slice %arg6[%add3A, %dma_wait3A_1392] : memref<64x16xf32, #tpu.memory_space<hbm>> -> memref<1x16xf32, #tpu.memory_space<hbm>>
          %dma_wait3A_1394 = tpu.memref_squeeze %dma_wait3A_1393 : memref<1x16xf32, #tpu.memory_space<hbm>> -> memref<16xf32, #tpu.memory_space<hbm>>
          tpu.wait_dma2 semaphore(%run_scoped3A : memref<!tpu.dma_semaphore, #tpu.memory_space<semaphore_mem>>) src(%dma_wait3A_1394 : memref<16xf32, #tpu.memory_space<hbm>>) dst(%arg13 : memref<16xf32, #tpu.memory_space<vmem>>)
          tpu.yield
        }) : () -> ()
        "tpu.region"() ({
          %run_scoped3A = tpu.sem_alloc : memref<!tpu.dma_semaphore, #tpu.memory_space<semaphore_mem>>
          %dma_start3A = arith.constant 0 : i32
          %dma_start3A_1385 = tpu.memref_slice %arg7[%add3A, %dma_start3A] : memref<64x16xi32, #tpu.memory_space<hbm>> -> memref<1x16xi32, #tpu.memory_space<hbm>>
          %dma_start3A_1386 = tpu.memref_squeeze %dma_start3A_1385 : memref<1x16xi32, #tpu.memory_space<hbm>> -> memref<16xi32, #tpu.memory_space<hbm>>
          %dma_start3A_1387 = arith.constant 0 : i32
          %dma_start3A_1388 = tpu.memref_slice %arg7[%add3A, %dma_start3A_1387] : memref<64x16xi32, #tpu.memory_space<hbm>> -> memref<1x16xi32, #tpu.memory_space<hbm>>
          %dma_start3A_1389 = tpu.memref_squeeze %dma_start3A_1388 : memref<1x16xi32, #tpu.memory_space<hbm>> -> memref<16xi32, #tpu.memory_space<hbm>>
          tpu.enqueue_dma source(%dma_start3A_1389 : memref<16xi32, #tpu.memory_space<hbm>>) target(%arg14 : memref<16xi32, #tpu.memory_space<vmem>>) target_semaphore(%run_scoped3A : memref<!tpu.dma_semaphore, #tpu.memory_space<semaphore_mem>>)
          %dma_wait3A = arith.constant 0 : i32
          %dma_wait3A_1390 = tpu.memref_slice %arg7[%add3A, %dma_wait3A] : memref<64x16xi32, #tpu.memory_space<hbm>> -> memref<1x16xi32, #tpu.memory_space<hbm>>
          %dma_wait3A_1391 = tpu.memref_squeeze %dma_wait3A_1390 : memref<1x16xi32, #tpu.memory_space<hbm>> -> memref<16xi32, #tpu.memory_space<hbm>>
          %dma_wait3A_1392 = arith.constant 0 : i32
          %dma_wait3A_1393 = tpu.memref_slice %arg7[%add3A, %dma_wait3A_1392] : memref<64x16xi32, #tpu.memory_space<hbm>> -> memref<1x16xi32, #tpu.memory_space<hbm>>
          %dma_wait3A_1394 = tpu.memref_squeeze %dma_wait3A_1393 : memref<1x16xi32, #tpu.memory_space<hbm>> -> memref<16xi32, #tpu.memory_space<hbm>>
          tpu.wait_dma2 semaphore(%run_scoped3A : memref<!tpu.dma_semaphore, #tpu.memory_space<semaphore_mem>>) src(%dma_wait3A_1394 : memref<16xi32, #tpu.memory_space<hbm>>) dst(%arg14 : memref<16xi32, #tpu.memory_space<vmem>>)
          tpu.yield
        }) : () -> ()
        %get3A = arith.constant 0 : index
        %get3A_15 = tpu.vector_load %arg10[%get3A] {strides = array<i32>} : memref<16xf32, #tpu.memory_space<vmem>>, vector<16xf32>,
        %get3A_16 = arith.constant 0 : index
        %get3A_17 = tpu.vector_load %arg11[%get3A_16] {strides = array<i32>} : memref<16xf32, #tpu.memory_space<vmem>>, vector<16xf32>,
        %get3A_18 = arith.constant 0 : index
        %get3A_19 = tpu.vector_load %arg12[%get3A_18] {strides = array<i32>} : memref<16xf32, #tpu.memory_space<vmem>>, vector<16xf32>,
        %get3A_20 = arith.constant 0 : index
        %get3A_21 = tpu.vector_load %arg13[%get3A_20] {strides = array<i32>} : memref<16xf32, #tpu.memory_space<vmem>>, vector<16xf32>,
        %get3A_22 = arith.constant 0 : index
        %get3A_23 = tpu.vector_load %arg14[%get3A_22] {strides = array<i32>} : memref<16xi32, #tpu.memory_space<vmem>>, vector<16xi32>,
        %gt3A = arith.constant 0.000000e+00 : f32
        %gt3A_24 = vector.broadcast %gt3A : f32 to vector<16xf32>
        %gt3A_25 = arith.cmpf ogt, %get3A_15, %gt3A_24 : vector<16xf32>
        %lt3A = arith.constant 1.000000e+00 : f32
        %lt3A_26 = vector.broadcast %lt3A : f32 to vector<16xf32>
        %lt3A_27 = arith.cmpf olt, %get3A_15, %lt3A_26 : vector<16xf32>
        %and3A = arith.andi %gt3A_25, %lt3A_27 : vector<16xi1>
        %gt3A_28 = arith.constant 0.000000e+00 : f32
        %gt3A_29 = vector.broadcast %gt3A_28 : f32 to vector<16xf32>
        %gt3A_30 = arith.cmpf ogt, %get3A_17, %gt3A_29 : vector<16xf32>
        %and3A_31 = arith.andi %and3A, %gt3A_30 : vector<16xi1>
        %lt3A_32 = arith.constant 1.000000e+00 : f32
        %lt3A_33 = vector.broadcast %lt3A_32 : f32 to vector<16xf32>
        %lt3A_34 = arith.cmpf olt, %get3A_17, %lt3A_33 : vector<16xf32>
        %and3A_35 = arith.andi %and3A_31, %lt3A_34 : vector<16xi1>
        %gt3A_36 = arith.constant 0.000000e+00 : f32
        %gt3A_37 = vector.broadcast %gt3A_36 : f32 to vector<16xf32>
        %gt3A_38 = arith.cmpf ogt, %get3A_19, %gt3A_37 : vector<16xf32>
        %and3A_39 = arith.andi %and3A_35, %gt3A_38 : vector<16xi1>
        %gt3A_40 = arith.constant 0.000000e+00 : f32
        %gt3A_41 = vector.broadcast %gt3A_40 : f32 to vector<16xf32>
        %gt3A_42 = arith.cmpf ogt, %get3A_21, %gt3A_41 : vector<16xf32>
        %and3A_43 = arith.andi %and3A_39, %gt3A_42 : vector<16xi1>
        %mul3A_44 = arith.constant 1.300000e+01 : f32
        %mul3A_45 = vector.broadcast %mul3A_44 : f32 to vector<16xf32>
        %mul3A_46 = arith.mulf %get3A_15, %mul3A_45 : vector<16xf32>
        %mul3A_47 = arith.constant 1.300000e+01 : f32
        %mul3A_48 = vector.broadcast %mul3A_47 : f32 to vector<16xf32>
        %mul3A_49 = arith.mulf %get3A_17, %mul3A_48 : vector<16xf32>
        %convert_element_type3A_50 = arith.fptosi %mul3A_46 : vector<16xf32> to vector<16xi32>
        %convert_element_type3A_51 = arith.sitofp %convert_element_type3A_50 : vector<16xi32> to vector<16xf32>
        %gt3A_52 = arith.cmpf ogt, %convert_element_type3A_51, %mul3A_46 : vector<16xf32>
        %convert_element_type3A_53 = arith.extui %gt3A_52 : vector<16xi1> to vector<16xi32>
        %sub3A = arith.subi %convert_element_type3A_50, %convert_element_type3A_53 : vector<16xi32>
        %convert_element_type3A_54 = arith.fptosi %mul3A_49 : vector<16xf32> to vector<16xi32>
        %convert_element_type3A_55 = arith.sitofp %convert_element_type3A_54 : vector<16xi32> to vector<16xf32>
        %gt3A_56 = arith.cmpf ogt, %convert_element_type3A_55, %mul3A_49 : vector<16xf32>
        %convert_element_type3A_57 = arith.extui %gt3A_56 : vector<16xi1> to vector<16xi32>
        %sub3A_58 = arith.subi %convert_element_type3A_54, %convert_element_type3A_57 : vector<16xi32>
        %max3A = arith.constant 0 : i32
        %max3A_59 = vector.broadcast %max3A : i32 to vector<16xi32>
        %max3A_60 = arith.maxsi %sub3A, %max3A_59 : vector<16xi32>
        %min3A = arith.constant 12 : i32
        %min3A_61 = vector.broadcast %min3A : i32 to vector<16xi32>
        %min3A_62 = arith.minsi %max3A_60, %min3A_61 : vector<16xi32>
        %max3A_63 = arith.constant 0 : i32
        %max3A_64 = vector.broadcast %max3A_63 : i32 to vector<16xi32>
        %max3A_65 = arith.maxsi %sub3A_58, %max3A_64 : vector<16xi32>
        %min3A_66 = arith.constant 12 : i32
        %min3A_67 = vector.broadcast %min3A_66 : i32 to vector<16xi32>
        %min3A_68 = arith.minsi %max3A_65, %min3A_67 : vector<16xi32>
        %min3A_69 = arith.constant 5.000000e-02 : f32
        %min3A_70 = vector.broadcast %min3A_69 : f32 to vector<16xf32>
        %min3A_71 = arith.minimumf %get3A_19, %min3A_70 : vector<16xf32>
        %min3A_72 = arith.constant 5.000000e-02 : f32
        %min3A_73 = vector.broadcast %min3A_72 : f32 to vector<16xf32>
        %min3A_74 = arith.minimumf %get3A_21, %min3A_73 : vector<16xf32>
        %mul3A_75 = arith.mulf %min3A_71, %min3A_74 : vector<16xf32>
        %mul3A_76 = arith.mulf %get3A_19, %get3A_21 : vector<16xf32>
        %add3A_77 = arith.constant 2.500000e-03 : f32
        %add3A_78 = vector.broadcast %add3A_77 : f32 to vector<16xf32>
        %add3A_79 = arith.addf %mul3A_76, %add3A_78 : vector<16xf32>
        %sub3A_80 = arith.subf %add3A_79, %mul3A_75 : vector<16xf32>
        %div3A = arith.divf %mul3A_75, %sub3A_80 : vector<16xf32>
        %min3A_81 = arith.constant 1.000000e-01 : f32
        %min3A_82 = vector.broadcast %min3A_81 : f32 to vector<16xf32>
        %min3A_83 = arith.minimumf %get3A_19, %min3A_82 : vector<16xf32>
        %min3A_84 = arith.constant 1.000000e-01 : f32
        %min3A_85 = vector.broadcast %min3A_84 : f32 to vector<16xf32>
        %min3A_86 = arith.minimumf %get3A_21, %min3A_85 : vector<16xf32>
        %mul3A_87 = arith.mulf %min3A_83, %min3A_86 : vector<16xf32>
        %mul3A_88 = arith.mulf %get3A_19, %get3A_21 : vector<16xf32>
        %add3A_89 = arith.constant 0.00999999977 : f32
        %add3A_90 = vector.broadcast %add3A_89 : f32 to vector<16xf32>
        %add3A_91 = arith.addf %mul3A_88, %add3A_90 : vector<16xf32>
        %sub3A_92 = arith.subf %add3A_91, %mul3A_87 : vector<16xf32>
        %div3A_93 = arith.divf %mul3A_87, %sub3A_92 : vector<16xf32>
        %min3A_94 = arith.constant 1.500000e-01 : f32
        %min3A_95 = vector.broadcast %min3A_94 : f32 to vector<16xf32>
        %min3A_96 = arith.minimumf %get3A_19, %min3A_95 : vector<16xf32>
        %min3A_97 = arith.constant 1.500000e-01 : f32
        %min3A_98 = vector.broadcast %min3A_97 : f32 to vector<16xf32>
        %min3A_99 = arith.minimumf %get3A_21, %min3A_98 : vector<16xf32>
        %mul3A_100 = arith.mulf %min3A_96, %min3A_99 : vector<16xf32>
        %mul3A_101 = arith.mulf %get3A_19, %get3A_21 : vector<16xf32>
        %add3A_102 = arith.constant 2.250000e-02 : f32
        %add3A_103 = vector.broadcast %add3A_102 : f32 to vector<16xf32>
        %add3A_104 = arith.addf %mul3A_101, %add3A_103 : vector<16xf32>
        %sub3A_105 = arith.subf %add3A_104, %mul3A_100 : vector<16xf32>
        %div3A_106 = arith.divf %mul3A_100, %sub3A_105 : vector<16xf32>
        %gt3A_107 = arith.cmpf ogt, %div3A_93, %div3A : vector<16xf32>
        %jit3A = arith.constant 1 : i32
        %jit3A_108 = arith.constant 0 : i32
        %broadcast_in_dim3A_109 = vector.broadcast %jit3A : i32 to vector<16xi32>
        %broadcast_in_dim3A_110 = vector.broadcast %jit3A_108 : i32 to vector<16xi32>
        %select_n3A = arith.select %gt3A_107, %broadcast_in_dim3A_109, %broadcast_in_dim3A_110 : vector<16xi1>, vector<16xi32>
        %max3A_111 = arith.maximumf %div3A, %div3A_93 : vector<16xf32>
        %gt3A_112 = arith.cmpf ogt, %div3A_106, %max3A_111 : vector<16xf32>
        %jit3A_113 = arith.constant 2 : i32
        %broadcast_in_dim3A_114 = vector.broadcast %jit3A_113 : i32 to vector<16xi32>
        %select_n3A_115 = arith.select %gt3A_112, %broadcast_in_dim3A_114, %select_n3A : vector<16xi1>, vector<16xi32>
        %eq3A_116 = arith.constant 0 : i32
        %eq3A_117 = vector.broadcast %eq3A_116 : i32 to vector<16xi32>
        %eq3A_118 = arith.cmpi eq, %select_n3A_115, %eq3A_117 : vector<16xi32>
        %eq3A_119 = arith.constant 1 : i32
        %eq3A_120 = vector.broadcast %eq3A_119 : i32 to vector<16xi32>
        %eq3A_121 = arith.cmpi eq, %select_n3A_115, %eq3A_120 : vector<16xi32>
        %jit3A_122 = arith.constant 1.000000e-01 : f32
        %jit3A_123 = arith.constant 1.500000e-01 : f32
        %broadcast_in_dim3A_124 = vector.broadcast %jit3A_122 : f32 to vector<16xf32>
        %broadcast_in_dim3A_125 = vector.broadcast %jit3A_123 : f32 to vector<16xf32>
        %select_n3A_126 = arith.select %eq3A_121, %broadcast_in_dim3A_124, %broadcast_in_dim3A_125 : vector<16xi1>, vector<16xf32>
        %jit3A_127 = arith.constant 5.000000e-02 : f32
        %broadcast_in_dim3A_128 = vector.broadcast %jit3A_127 : f32 to vector<16xf32>
        %select_n3A_129 = arith.select %eq3A_118, %broadcast_in_dim3A_128, %select_n3A_126 : vector<16xi1>, vector<16xf32>
        %convert_element_type3A_130 = arith.sitofp %min3A_62 : vector<16xi32> to vector<16xf32>
        %sub3A_131 = arith.subf %mul3A_46, %convert_element_type3A_130 : vector<16xf32>
        %convert_element_type3A_132 = arith.sitofp %min3A_68 : vector<16xi32> to vector<16xf32>
        %sub3A_133 = arith.subf %mul3A_49, %convert_element_type3A_132 : vector<16xf32>
        %div3A_134 = arith.divf %get3A_19, %select_n3A_129 : vector<16xf32>
        %add3A_135 = arith.constant 1.000000e-16 : f32
        %add3A_136 = vector.broadcast %add3A_135 : f32 to vector<16xf32>
        %add3A_137 = arith.addf %div3A_134, %add3A_136 : vector<16xf32>
        %bitcast_convert_type3A = tpu.bitcast %add3A_137 : vector<16xf32> -> vector<16xi32>
        %shift_right_arithmetic3A = arith.constant 23 : i32
        %shift_right_arithmetic3A_138 = vector.broadcast %shift_right_arithmetic3A : i32 to vector<16xi32>
        %shift_right_arithmetic3A_139 = arith.shrsi %bitcast_convert_type3A, %shift_right_arithmetic3A_138 : vector<16xi32>
        %and3A_140 = arith.constant 255 : i32
        %and3A_141 = vector.broadcast %and3A_140 : i32 to vector<16xi32>
        %and3A_142 = arith.andi %shift_right_arithmetic3A_139, %and3A_141 : vector<16xi32>
        %sub3A_143 = arith.constant 127 : i32
        %sub3A_144 = vector.broadcast %sub3A_143 : i32 to vector<16xi32>
        %sub3A_145 = arith.subi %and3A_142, %sub3A_144 : vector<16xi32>
        %and3A_146 = arith.constant 8388607 : i32
        %and3A_147 = vector.broadcast %and3A_146 : i32 to vector<16xi32>
        %and3A_148 = arith.andi %bitcast_convert_type3A, %and3A_147 : vector<16xi32>
        %or3A = arith.constant 1065353216 : i32
        %or3A_149 = vector.broadcast %or3A : i32 to vector<16xi32>
        %or3A_150 = arith.ori %and3A_148, %or3A_149 : vector<16xi32>
        %bitcast_convert_type3A_151 = tpu.bitcast %or3A_150 : vector<16xi32> -> vector<16xf32>
        %gt3A_152 = arith.constant 1.41421354 : f32
        %gt3A_153 = vector.broadcast %gt3A_152 : f32 to vector<16xf32>
        %gt3A_154 = arith.cmpf ogt, %bitcast_convert_type3A_151, %gt3A_153 : vector<16xf32>
        %mul3A_155 = arith.constant 5.000000e-01 : f32
        %mul3A_156 = vector.broadcast %mul3A_155 : f32 to vector<16xf32>
        %mul3A_157 = arith.mulf %bitcast_convert_type3A_151, %mul3A_156 : vector<16xf32>
        %select_n3A_158 = arith.select %gt3A_154, %mul3A_157, %bitcast_convert_type3A_151 : vector<16xi1>, vector<16xf32>
        %convert_element_type3A_159 = arith.extui %gt3A_154 : vector<16xi1> to vector<16xi32>
        %add3A_160 = arith.addi %sub3A_145, %convert_element_type3A_159 : vector<16xi32>
        %convert_element_type3A_161 = arith.sitofp %add3A_160 : vector<16xi32> to vector<16xf32>
        %sub3A_162 = arith.constant 1.000000e+00 : f32
        %sub3A_163 = vector.broadcast %sub3A_162 : f32 to vector<16xf32>
        %sub3A_164 = arith.subf %select_n3A_158, %sub3A_163 : vector<16xf32>
        %mul3A_165 = arith.mulf %sub3A_164, %sub3A_164 : vector<16xf32>
        %broadcast_in_dim3A_166 = arith.constant 0.0703768358 : f32
        %broadcast_in_dim3A_167 = vector.broadcast %broadcast_in_dim3A_166 : f32 to vector<16xf32>
        %mul3A_168 = arith.mulf %broadcast_in_dim3A_167, %sub3A_164 : vector<16xf32>
        %add3A_169 = arith.constant -0.115146101 : f32
        %add3A_170 = vector.broadcast %add3A_169 : f32 to vector<16xf32>
        %add3A_171 = arith.addf %mul3A_168, %add3A_170 : vector<16xf32>
        %mul3A_172 = arith.mulf %add3A_171, %sub3A_164 : vector<16xf32>
        %add3A_173 = arith.constant 0.116769984 : f32
        %add3A_174 = vector.broadcast %add3A_173 : f32 to vector<16xf32>
        %add3A_175 = arith.addf %mul3A_172, %add3A_174 : vector<16xf32>
        %mul3A_176 = arith.mulf %add3A_175, %sub3A_164 : vector<16xf32>
        %add3A_177 = arith.constant -0.12420141 : f32
        %add3A_178 = vector.broadcast %add3A_177 : f32 to vector<16xf32>
        %add3A_179 = arith.addf %mul3A_176, %add3A_178 : vector<16xf32>
        %mul3A_180 = arith.mulf %add3A_179, %sub3A_164 : vector<16xf32>
        %add3A_181 = arith.constant 0.142493233 : f32
        %add3A_182 = vector.broadcast %add3A_181 : f32 to vector<16xf32>
        %add3A_183 = arith.addf %mul3A_180, %add3A_182 : vector<16xf32>
        %mul3A_184 = arith.mulf %add3A_183, %sub3A_164 : vector<16xf32>
        %add3A_185 = arith.constant -0.166680574 : f32
        %add3A_186 = vector.broadcast %add3A_185 : f32 to vector<16xf32>
        %add3A_187 = arith.addf %mul3A_184, %add3A_186 : vector<16xf32>
        %mul3A_188 = arith.mulf %add3A_187, %sub3A_164 : vector<16xf32>
        %add3A_189 = arith.constant 0.200007141 : f32
        %add3A_190 = vector.broadcast %add3A_189 : f32 to vector<16xf32>
        %add3A_191 = arith.addf %mul3A_188, %add3A_190 : vector<16xf32>
        %mul3A_192 = arith.mulf %add3A_191, %sub3A_164 : vector<16xf32>
        %add3A_193 = arith.constant -0.24999994 : f32
        %add3A_194 = vector.broadcast %add3A_193 : f32 to vector<16xf32>
        %add3A_195 = arith.addf %mul3A_192, %add3A_194 : vector<16xf32>
        %mul3A_196 = arith.mulf %add3A_195, %sub3A_164 : vector<16xf32>
        %add3A_197 = arith.constant 0.333333313 : f32
        %add3A_198 = vector.broadcast %add3A_197 : f32 to vector<16xf32>
        %add3A_199 = arith.addf %mul3A_196, %add3A_198 : vector<16xf32>
        %mul3A_200 = arith.mulf %sub3A_164, %mul3A_165 : vector<16xf32>
        %mul3A_201 = arith.mulf %mul3A_200, %add3A_199 : vector<16xf32>
        %add3A_202 = arith.addf %sub3A_164, %mul3A_201 : vector<16xf32>
        %mul3A_203 = arith.constant 5.000000e-01 : f32
        %mul3A_204 = vector.broadcast %mul3A_203 : f32 to vector<16xf32>
        %mul3A_205 = arith.mulf %mul3A_204, %mul3A_165 : vector<16xf32>
        %sub3A_206 = arith.subf %add3A_202, %mul3A_205 : vector<16xf32>
        %mul3A_207 = arith.constant 0.693147182 : f32
        %mul3A_208 = vector.broadcast %mul3A_207 : f32 to vector<16xf32>
        %mul3A_209 = arith.mulf %convert_element_type3A_161, %mul3A_208 : vector<16xf32>
        %add3A_210 = arith.addf %sub3A_206, %mul3A_209 : vector<16xf32>
        %div3A_211 = arith.divf %get3A_21, %select_n3A_129 : vector<16xf32>
        %add3A_212 = arith.constant 1.000000e-16 : f32
        %add3A_213 = vector.broadcast %add3A_212 : f32 to vector<16xf32>
        %add3A_214 = arith.addf %div3A_211, %add3A_213 : vector<16xf32>
        %bitcast_convert_type3A_215 = tpu.bitcast %add3A_214 : vector<16xf32> -> vector<16xi32>
        %shift_right_arithmetic3A_216 = arith.constant 23 : i32
        %shift_right_arithmetic3A_217 = vector.broadcast %shift_right_arithmetic3A_216 : i32 to vector<16xi32>
        %shift_right_arithmetic3A_218 = arith.shrsi %bitcast_convert_type3A_215, %shift_right_arithmetic3A_217 : vector<16xi32>
        %and3A_219 = arith.constant 255 : i32
        %and3A_220 = vector.broadcast %and3A_219 : i32 to vector<16xi32>
        %and3A_221 = arith.andi %shift_right_arithmetic3A_218, %and3A_220 : vector<16xi32>
        %sub3A_222 = arith.constant 127 : i32
        %sub3A_223 = vector.broadcast %sub3A_222 : i32 to vector<16xi32>
        %sub3A_224 = arith.subi %and3A_221, %sub3A_223 : vector<16xi32>
        %and3A_225 = arith.constant 8388607 : i32
        %and3A_226 = vector.broadcast %and3A_225 : i32 to vector<16xi32>
        %and3A_227 = arith.andi %bitcast_convert_type3A_215, %and3A_226 : vector<16xi32>
        %or3A_228 = arith.constant 1065353216 : i32
        %or3A_229 = vector.broadcast %or3A_228 : i32 to vector<16xi32>
        %or3A_230 = arith.ori %and3A_227, %or3A_229 : vector<16xi32>
        %bitcast_convert_type3A_231 = tpu.bitcast %or3A_230 : vector<16xi32> -> vector<16xf32>
        %gt3A_232 = arith.constant 1.41421354 : f32
        %gt3A_233 = vector.broadcast %gt3A_232 : f32 to vector<16xf32>
        %gt3A_234 = arith.cmpf ogt, %bitcast_convert_type3A_231, %gt3A_233 : vector<16xf32>
        %mul3A_235 = arith.constant 5.000000e-01 : f32
        %mul3A_236 = vector.broadcast %mul3A_235 : f32 to vector<16xf32>
        %mul3A_237 = arith.mulf %bitcast_convert_type3A_231, %mul3A_236 : vector<16xf32>
        %select_n3A_238 = arith.select %gt3A_234, %mul3A_237, %bitcast_convert_type3A_231 : vector<16xi1>, vector<16xf32>
        %convert_element_type3A_239 = arith.extui %gt3A_234 : vector<16xi1> to vector<16xi32>
        %add3A_240 = arith.addi %sub3A_224, %convert_element_type3A_239 : vector<16xi32>
        %convert_element_type3A_241 = arith.sitofp %add3A_240 : vector<16xi32> to vector<16xf32>
        %sub3A_242 = arith.constant 1.000000e+00 : f32
        %sub3A_243 = vector.broadcast %sub3A_242 : f32 to vector<16xf32>
        %sub3A_244 = arith.subf %select_n3A_238, %sub3A_243 : vector<16xf32>
        %mul3A_245 = arith.mulf %sub3A_244, %sub3A_244 : vector<16xf32>
        %broadcast_in_dim3A_246 = arith.constant 0.0703768358 : f32
        %broadcast_in_dim3A_247 = vector.broadcast %broadcast_in_dim3A_246 : f32 to vector<16xf32>
        %mul3A_248 = arith.mulf %broadcast_in_dim3A_247, %sub3A_244 : vector<16xf32>
        %add3A_249 = arith.constant -0.115146101 : f32
        %add3A_250 = vector.broadcast %add3A_249 : f32 to vector<16xf32>
        %add3A_251 = arith.addf %mul3A_248, %add3A_250 : vector<16xf32>
        %mul3A_252 = arith.mulf %add3A_251, %sub3A_244 : vector<16xf32>
        %add3A_253 = arith.constant 0.116769984 : f32
        %add3A_254 = vector.broadcast %add3A_253 : f32 to vector<16xf32>
        %add3A_255 = arith.addf %mul3A_252, %add3A_254 : vector<16xf32>
        %mul3A_256 = arith.mulf %add3A_255, %sub3A_244 : vector<16xf32>
        %add3A_257 = arith.constant -0.12420141 : f32
        %add3A_258 = vector.broadcast %add3A_257 : f32 to vector<16xf32>
        %add3A_259 = arith.addf %mul3A_256, %add3A_258 : vector<16xf32>
        %mul3A_260 = arith.mulf %add3A_259, %sub3A_244 : vector<16xf32>
        %add3A_261 = arith.constant 0.142493233 : f32
        %add3A_262 = vector.broadcast %add3A_261 : f32 to vector<16xf32>
        %add3A_263 = arith.addf %mul3A_260, %add3A_262 : vector<16xf32>
        %mul3A_264 = arith.mulf %add3A_263, %sub3A_244 : vector<16xf32>
        %add3A_265 = arith.constant -0.166680574 : f32
        %add3A_266 = vector.broadcast %add3A_265 : f32 to vector<16xf32>
        %add3A_267 = arith.addf %mul3A_264, %add3A_266 : vector<16xf32>
        %mul3A_268 = arith.mulf %add3A_267, %sub3A_244 : vector<16xf32>
        %add3A_269 = arith.constant 0.200007141 : f32
        %add3A_270 = vector.broadcast %add3A_269 : f32 to vector<16xf32>
        %add3A_271 = arith.addf %mul3A_268, %add3A_270 : vector<16xf32>
        %mul3A_272 = arith.mulf %add3A_271, %sub3A_244 : vector<16xf32>
        %add3A_273 = arith.constant -0.24999994 : f32
        %add3A_274 = vector.broadcast %add3A_273 : f32 to vector<16xf32>
        %add3A_275 = arith.addf %mul3A_272, %add3A_274 : vector<16xf32>
        %mul3A_276 = arith.mulf %add3A_275, %sub3A_244 : vector<16xf32>
        %add3A_277 = arith.constant 0.333333313 : f32
        %add3A_278 = vector.broadcast %add3A_277 : f32 to vector<16xf32>
        %add3A_279 = arith.addf %mul3A_276, %add3A_278 : vector<16xf32>
        %mul3A_280 = arith.mulf %sub3A_244, %mul3A_245 : vector<16xf32>
        %mul3A_281 = arith.mulf %mul3A_280, %add3A_279 : vector<16xf32>
        %add3A_282 = arith.addf %sub3A_244, %mul3A_281 : vector<16xf32>
        %mul3A_283 = arith.constant 5.000000e-01 : f32
        %mul3A_284 = vector.broadcast %mul3A_283 : f32 to vector<16xf32>
        %mul3A_285 = arith.mulf %mul3A_284, %mul3A_245 : vector<16xf32>
        %sub3A_286 = arith.subf %add3A_282, %mul3A_285 : vector<16xf32>
        %mul3A_287 = arith.constant 0.693147182 : f32
        %mul3A_288 = vector.broadcast %mul3A_287 : f32 to vector<16xf32>
        %mul3A_289 = arith.mulf %convert_element_type3A_241, %mul3A_288 : vector<16xf32>
        %add3A_290 = arith.addf %sub3A_286, %mul3A_289 : vector<16xf32>
        %mul3A_291 = arith.constant 13 : i32
        %mul3A_292 = vector.broadcast %mul3A_291 : i32 to vector<16xi32>
        %mul3A_293 = arith.muli %min3A_68, %mul3A_292 : vector<16xi32>
        %add3A_294 = arith.addi %mul3A_293, %min3A_62 : vector<16xi32>
        %mul3A_295 = arith.constant 169 : i32
        %mul3A_296 = vector.broadcast %mul3A_295 : i32 to vector<16xi32>
        %mul3A_297 = arith.muli %select_n3A_115, %mul3A_296 : vector<16xi32>
        %add3A_298 = arith.addi %mul3A_297, %add3A_294 : vector<16xi32>
        %ge3A = arith.constant 0 : i32
        %ge3A_299 = vector.broadcast %ge3A : i32 to vector<16xi32>
        %ge3A_300 = arith.cmpi sge, %get3A_23, %ge3A_299 : vector<16xi32>
        %and3A_301 = arith.andi %and3A_43, %ge3A_300 : vector<16xi1>
        %lt3A_302 = arith.constant 5 : i32
        %lt3A_303 = vector.broadcast %lt3A_302 : i32 to vector<16xi32>
        %lt3A_304 = arith.cmpi slt, %get3A_23, %lt3A_303 : vector<16xi32>
        %and3A_305 = arith.andi %and3A_301, %lt3A_304 : vector<16xi1>
        %mul3A_306 = arith.constant 5 : i32
        %mul3A_307 = vector.broadcast %mul3A_306 : i32 to vector<16xi32>
        %mul3A_308 = arith.muli %add3A_298, %mul3A_307 : vector<16xi32>
        %max3A_309 = arith.constant 0 : i32
        %max3A_310 = vector.broadcast %max3A_309 : i32 to vector<16xi32>
        %max3A_311 = arith.maxsi %get3A_23, %max3A_310 : vector<16xi32>
        %min3A_312 = arith.constant 4 : i32
        %min3A_313 = vector.broadcast %min3A_312 : i32 to vector<16xi32>
        %min3A_314 = arith.minsi %max3A_311, %min3A_313 : vector<16xi32>
        %add3A_315 = arith.addi %mul3A_308, %min3A_314 : vector<16xi32>
        %convert_element_type3A_316 = arith.extui %and3A_43 : vector<16xi1> to vector<16xi32>
        %convert_element_type3A_317 = arith.extui %and3A_305 : vector<16xi1> to vector<16xi32>
        %broadcast_in_dim3A_318 = arith.constant false
        %broadcast_in_dim3A_319 = vector.broadcast %broadcast_in_dim3A_318 : i1 to vector<16xi1>
        %broadcast_in_dim3A_320 = arith.constant false
        %broadcast_in_dim3A_321 = vector.broadcast %broadcast_in_dim3A_320 : i1 to vector<16xi1>
        %lt3A_322 = arith.constant 1 : i32
        %lt3A_323 = vector.broadcast %lt3A_322 : i32 to vector<16xi32>
        %lt3A_324 = arith.cmpi slt, %iota3A, %lt3A_323 : vector<16xi32>
        %slice3A = vector.extract_strided_slice %convert_element_type3A_316 {offsets = [1], sizes = [1], strides = [1]} : vector<16xi32> to vector<1xi32>
        %squeeze3A = vector.extract %slice3A[0] : i32 from vector<1xi32>
        %broadcast_in_dim3A_325 = vector.broadcast %squeeze3A : i32 to vector<16xi32>
        %gt3A_326 = arith.constant 0 : i32
        %gt3A_327 = vector.broadcast %gt3A_326 : i32 to vector<16xi32>
        %gt3A_328 = arith.cmpi sgt, %broadcast_in_dim3A_325, %gt3A_327 : vector<16xi32>
        %slice3A_329 = vector.extract_strided_slice %add3A_298 {offsets = [1], sizes = [1], strides = [1]} : vector<16xi32> to vector<1xi32>
        %squeeze3A_330 = vector.extract %slice3A_329[0] : i32 from vector<1xi32>
        %broadcast_in_dim3A_331 = vector.broadcast %squeeze3A_330 : i32 to vector<16xi32>
        %eq3A_332 = arith.cmpi eq, %add3A_298, %broadcast_in_dim3A_331 : vector<16xi32>
        %and3A_333 = arith.andi %gt3A_328, %eq3A_332 : vector<16xi1>
        %and3A_334 = arith.andi %and3A_333, %lt3A_324 : vector<16xi1>
        %or3A_335 = arith.ori %broadcast_in_dim3A_319, %and3A_334 : vector<16xi1>
        %slice3A_336 = vector.extract_strided_slice %convert_element_type3A_317 {offsets = [1], sizes = [1], strides = [1]} : vector<16xi32> to vector<1xi32>
        %squeeze3A_337 = vector.extract %slice3A_336[0] : i32 from vector<1xi32>
        %broadcast_in_dim3A_338 = vector.broadcast %squeeze3A_337 : i32 to vector<16xi32>
        %gt3A_339 = arith.constant 0 : i32
        %gt3A_340 = vector.broadcast %gt3A_339 : i32 to vector<16xi32>
        %gt3A_341 = arith.cmpi sgt, %broadcast_in_dim3A_338, %gt3A_340 : vector<16xi32>
        %slice3A_342 = vector.extract_strided_slice %add3A_315 {offsets = [1], sizes = [1], strides = [1]} : vector<16xi32> to vector<1xi32>
        %squeeze3A_343 = vector.extract %slice3A_342[0] : i32 from vector<1xi32>
        %broadcast_in_dim3A_344 = vector.broadcast %squeeze3A_343 : i32 to vector<16xi32>
        %eq3A_345 = arith.cmpi eq, %add3A_315, %broadcast_in_dim3A_344 : vector<16xi32>
        %and3A_346 = arith.andi %gt3A_341, %eq3A_345 : vector<16xi1>
        %and3A_347 = arith.andi %and3A_346, %lt3A_324 : vector<16xi1>
        %or3A_348 = arith.ori %broadcast_in_dim3A_321, %and3A_347 : vector<16xi1>
        %lt3A_349 = arith.constant 2 : i32
        %lt3A_350 = vector.broadcast %lt3A_349 : i32 to vector<16xi32>
        %lt3A_351 = arith.cmpi slt, %iota3A, %lt3A_350 : vector<16xi32>
        %slice3A_352 = vector.extract_strided_slice %convert_element_type3A_316 {offsets = [2], sizes = [1], strides = [1]} : vector<16xi32> to vector<1xi32>
        %squeeze3A_353 = vector.extract %slice3A_352[0] : i32 from vector<1xi32>
        %broadcast_in_dim3A_354 = vector.broadcast %squeeze3A_353 : i32 to vector<16xi32>
        %gt3A_355 = arith.constant 0 : i32
        %gt3A_356 = vector.broadcast %gt3A_355 : i32 to vector<16xi32>
        %gt3A_357 = arith.cmpi sgt, %broadcast_in_dim3A_354, %gt3A_356 : vector<16xi32>
        %slice3A_358 = vector.extract_strided_slice %add3A_298 {offsets = [2], sizes = [1], strides = [1]} : vector<16xi32> to vector<1xi32>
        %squeeze3A_359 = vector.extract %slice3A_358[0] : i32 from vector<1xi32>
        %broadcast_in_dim3A_360 = vector.broadcast %squeeze3A_359 : i32 to vector<16xi32>
        %eq3A_361 = arith.cmpi eq, %add3A_298, %broadcast_in_dim3A_360 : vector<16xi32>
        %and3A_362 = arith.andi %gt3A_357, %eq3A_361 : vector<16xi1>
        %and3A_363 = arith.andi %and3A_362, %lt3A_351 : vector<16xi1>
        %or3A_364 = arith.ori %or3A_335, %and3A_363 : vector<16xi1>
        %slice3A_365 = vector.extract_strided_slice %convert_element_type3A_317 {offsets = [2], sizes = [1], strides = [1]} : vector<16xi32> to vector<1xi32>
        %squeeze3A_366 = vector.extract %slice3A_365[0] : i32 from vector<1xi32>
        %broadcast_in_dim3A_367 = vector.broadcast %squeeze3A_366 : i32 to vector<16xi32>
        %gt3A_368 = arith.constant 0 : i32
        %gt3A_369 = vector.broadcast %gt3A_368 : i32 to vector<16xi32>
        %gt3A_370 = arith.cmpi sgt, %broadcast_in_dim3A_367, %gt3A_369 : vector<16xi32>
        %slice3A_371 = vector.extract_strided_slice %add3A_315 {offsets = [2], sizes = [1], strides = [1]} : vector<16xi32> to vector<1xi32>
        %squeeze3A_372 = vector.extract %slice3A_371[0] : i32 from vector<1xi32>
        %broadcast_in_dim3A_373 = vector.broadcast %squeeze3A_372 : i32 to vector<16xi32>
        %eq3A_374 = arith.cmpi eq, %add3A_315, %broadcast_in_dim3A_373 : vector<16xi32>
        %and3A_375 = arith.andi %gt3A_370, %eq3A_374 : vector<16xi1>
        %and3A_376 = arith.andi %and3A_375, %lt3A_351 : vector<16xi1>
        %or3A_377 = arith.ori %or3A_348, %and3A_376 : vector<16xi1>
        %lt3A_378 = arith.constant 3 : i32
        %lt3A_379 = vector.broadcast %lt3A_378 : i32 to vector<16xi32>
        %lt3A_380 = arith.cmpi slt, %iota3A, %lt3A_379 : vector<16xi32>
        %slice3A_381 = vector.extract_strided_slice %convert_element_type3A_316 {offsets = [3], sizes = [1], strides = [1]} : vector<16xi32> to vector<1xi32>
        %squeeze3A_382 = vector.extract %slice3A_381[0] : i32 from vector<1xi32>
        %broadcast_in_dim3A_383 = vector.broadcast %squeeze3A_382 : i32 to vector<16xi32>
        %gt3A_384 = arith.constant 0 : i32
        %gt3A_385 = vector.broadcast %gt3A_384 : i32 to vector<16xi32>
        %gt3A_386 = arith.cmpi sgt, %broadcast_in_dim3A_383, %gt3A_385 : vector<16xi32>
        %slice3A_387 = vector.extract_strided_slice %add3A_298 {offsets = [3], sizes = [1], strides = [1]} : vector<16xi32> to vector<1xi32>
        %squeeze3A_388 = vector.extract %slice3A_387[0] : i32 from vector<1xi32>
        %broadcast_in_dim3A_389 = vector.broadcast %squeeze3A_388 : i32 to vector<16xi32>
        %eq3A_390 = arith.cmpi eq, %add3A_298, %broadcast_in_dim3A_389 : vector<16xi32>
        %and3A_391 = arith.andi %gt3A_386, %eq3A_390 : vector<16xi1>
        %and3A_392 = arith.andi %and3A_391, %lt3A_380 : vector<16xi1>
        %or3A_393 = arith.ori %or3A_364, %and3A_392 : vector<16xi1>
        %slice3A_394 = vector.extract_strided_slice %convert_element_type3A_317 {offsets = [3], sizes = [1], strides = [1]} : vector<16xi32> to vector<1xi32>
        %squeeze3A_395 = vector.extract %slice3A_394[0] : i32 from vector<1xi32>
        %broadcast_in_dim3A_396 = vector.broadcast %squeeze3A_395 : i32 to vector<16xi32>
        %gt3A_397 = arith.constant 0 : i32
        %gt3A_398 = vector.broadcast %gt3A_397 : i32 to vector<16xi32>
        %gt3A_399 = arith.cmpi sgt, %broadcast_in_dim3A_396, %gt3A_398 : vector<16xi32>
        %slice3A_400 = vector.extract_strided_slice %add3A_315 {offsets = [3], sizes = [1], strides = [1]} : vector<16xi32> to vector<1xi32>
        %squeeze3A_401 = vector.extract %slice3A_400[0] : i32 from vector<1xi32>
        %broadcast_in_dim3A_402 = vector.broadcast %squeeze3A_401 : i32 to vector<16xi32>
        %eq3A_403 = arith.cmpi eq, %add3A_315, %broadcast_in_dim3A_402 : vector<16xi32>
        %and3A_404 = arith.andi %gt3A_399, %eq3A_403 : vector<16xi1>
        %and3A_405 = arith.andi %and3A_404, %lt3A_380 : vector<16xi1>
        %or3A_406 = arith.ori %or3A_377, %and3A_405 : vector<16xi1>
        %lt3A_407 = arith.constant 4 : i32
        %lt3A_408 = vector.broadcast %lt3A_407 : i32 to vector<16xi32>
        %lt3A_409 = arith.cmpi slt, %iota3A, %lt3A_408 : vector<16xi32>
        %slice3A_410 = vector.extract_strided_slice %convert_element_type3A_316 {offsets = [4], sizes = [1], strides = [1]} : vector<16xi32> to vector<1xi32>
        %squeeze3A_411 = vector.extract %slice3A_410[0] : i32 from vector<1xi32>
        %broadcast_in_dim3A_412 = vector.broadcast %squeeze3A_411 : i32 to vector<16xi32>
        %gt3A_413 = arith.constant 0 : i32
        %gt3A_414 = vector.broadcast %gt3A_413 : i32 to vector<16xi32>
        %gt3A_415 = arith.cmpi sgt, %broadcast_in_dim3A_412, %gt3A_414 : vector<16xi32>
        %slice3A_416 = vector.extract_strided_slice %add3A_298 {offsets = [4], sizes = [1], strides = [1]} : vector<16xi32> to vector<1xi32>
        %squeeze3A_417 = vector.extract %slice3A_416[0] : i32 from vector<1xi32>
        %broadcast_in_dim3A_418 = vector.broadcast %squeeze3A_417 : i32 to vector<16xi32>
        %eq3A_419 = arith.cmpi eq, %add3A_298, %broadcast_in_dim3A_418 : vector<16xi32>
        %and3A_420 = arith.andi %gt3A_415, %eq3A_419 : vector<16xi1>
        %and3A_421 = arith.andi %and3A_420, %lt3A_409 : vector<16xi1>
        %or3A_422 = arith.ori %or3A_393, %and3A_421 : vector<16xi1>
        %slice3A_423 = vector.extract_strided_slice %convert_element_type3A_317 {offsets = [4], sizes = [1], strides = [1]} : vector<16xi32> to vector<1xi32>
        %squeeze3A_424 = vector.extract %slice3A_423[0] : i32 from vector<1xi32>
        %broadcast_in_dim3A_425 = vector.broadcast %squeeze3A_424 : i32 to vector<16xi32>
        %gt3A_426 = arith.constant 0 : i32
        %gt3A_427 = vector.broadcast %gt3A_426 : i32 to vector<16xi32>
        %gt3A_428 = arith.cmpi sgt, %broadcast_in_dim3A_425, %gt3A_427 : vector<16xi32>
        %slice3A_429 = vector.extract_strided_slice %add3A_315 {offsets = [4], sizes = [1], strides = [1]} : vector<16xi32> to vector<1xi32>
        %squeeze3A_430 = vector.extract %slice3A_429[0] : i32 from vector<1xi32>
        %broadcast_in_dim3A_431 = vector.broadcast %squeeze3A_430 : i32 to vector<16xi32>
        %eq3A_432 = arith.cmpi eq, %add3A_315, %broadcast_in_dim3A_431 : vector<16xi32>
        %and3A_433 = arith.andi %gt3A_428, %eq3A_432 : vector<16xi1>
        %and3A_434 = arith.andi %and3A_433, %lt3A_409 : vector<16xi1>
        %or3A_435 = arith.ori %or3A_406, %and3A_434 : vector<16xi1>
        %lt3A_436 = arith.constant 5 : i32
        %lt3A_437 = vector.broadcast %lt3A_436 : i32 to vector<16xi32>
        %lt3A_438 = arith.cmpi slt, %iota3A, %lt3A_437 : vector<16xi32>
        %slice3A_439 = vector.extract_strided_slice %convert_element_type3A_316 {offsets = [5], sizes = [1], strides = [1]} : vector<16xi32> to vector<1xi32>
        %squeeze3A_440 = vector.extract %slice3A_439[0] : i32 from vector<1xi32>
        %broadcast_in_dim3A_441 = vector.broadcast %squeeze3A_440 : i32 to vector<16xi32>
        %gt3A_442 = arith.constant 0 : i32
        %gt3A_443 = vector.broadcast %gt3A_442 : i32 to vector<16xi32>
        %gt3A_444 = arith.cmpi sgt, %broadcast_in_dim3A_441, %gt3A_443 : vector<16xi32>
        %slice3A_445 = vector.extract_strided_slice %add3A_298 {offsets = [5], sizes = [1], strides = [1]} : vector<16xi32> to vector<1xi32>
        %squeeze3A_446 = vector.extract %slice3A_445[0] : i32 from vector<1xi32>
        %broadcast_in_dim3A_447 = vector.broadcast %squeeze3A_446 : i32 to vector<16xi32>
        %eq3A_448 = arith.cmpi eq, %add3A_298, %broadcast_in_dim3A_447 : vector<16xi32>
        %and3A_449 = arith.andi %gt3A_444, %eq3A_448 : vector<16xi1>
        %and3A_450 = arith.andi %and3A_449, %lt3A_438 : vector<16xi1>
        %or3A_451 = arith.ori %or3A_422, %and3A_450 : vector<16xi1>
        %slice3A_452 = vector.extract_strided_slice %convert_element_type3A_317 {offsets = [5], sizes = [1], strides = [1]} : vector<16xi32> to vector<1xi32>
        %squeeze3A_453 = vector.extract %slice3A_452[0] : i32 from vector<1xi32>
        %broadcast_in_dim3A_454 = vector.broadcast %squeeze3A_453 : i32 to vector<16xi32>
        %gt3A_455 = arith.constant 0 : i32
        %gt3A_456 = vector.broadcast %gt3A_455 : i32 to vector<16xi32>
        %gt3A_457 = arith.cmpi sgt, %broadcast_in_dim3A_454, %gt3A_456 : vector<16xi32>
        %slice3A_458 = vector.extract_strided_slice %add3A_315 {offsets = [5], sizes = [1], strides = [1]} : vector<16xi32> to vector<1xi32>
        %squeeze3A_459 = vector.extract %slice3A_458[0] : i32 from vector<1xi32>
        %broadcast_in_dim3A_460 = vector.broadcast %squeeze3A_459 : i32 to vector<16xi32>
        %eq3A_461 = arith.cmpi eq, %add3A_315, %broadcast_in_dim3A_460 : vector<16xi32>
        %and3A_462 = arith.andi %gt3A_457, %eq3A_461 : vector<16xi1>
        %and3A_463 = arith.andi %and3A_462, %lt3A_438 : vector<16xi1>
        %or3A_464 = arith.ori %or3A_435, %and3A_463 : vector<16xi1>
        %lt3A_465 = arith.constant 6 : i32
        %lt3A_466 = vector.broadcast %lt3A_465 : i32 to vector<16xi32>
        %lt3A_467 = arith.cmpi slt, %iota3A, %lt3A_466 : vector<16xi32>
        %slice3A_468 = vector.extract_strided_slice %convert_element_type3A_316 {offsets = [6], sizes = [1], strides = [1]} : vector<16xi32> to vector<1xi32>
        %squeeze3A_469 = vector.extract %slice3A_468[0] : i32 from vector<1xi32>
        %broadcast_in_dim3A_470 = vector.broadcast %squeeze3A_469 : i32 to vector<16xi32>
        %gt3A_471 = arith.constant 0 : i32
        %gt3A_472 = vector.broadcast %gt3A_471 : i32 to vector<16xi32>
        %gt3A_473 = arith.cmpi sgt, %broadcast_in_dim3A_470, %gt3A_472 : vector<16xi32>
        %slice3A_474 = vector.extract_strided_slice %add3A_298 {offsets = [6], sizes = [1], strides = [1]} : vector<16xi32> to vector<1xi32>
        %squeeze3A_475 = vector.extract %slice3A_474[0] : i32 from vector<1xi32>
        %broadcast_in_dim3A_476 = vector.broadcast %squeeze3A_475 : i32 to vector<16xi32>
        %eq3A_477 = arith.cmpi eq, %add3A_298, %broadcast_in_dim3A_476 : vector<16xi32>
        %and3A_478 = arith.andi %gt3A_473, %eq3A_477 : vector<16xi1>
        %and3A_479 = arith.andi %and3A_478, %lt3A_467 : vector<16xi1>
        %or3A_480 = arith.ori %or3A_451, %and3A_479 : vector<16xi1>
        %slice3A_481 = vector.extract_strided_slice %convert_element_type3A_317 {offsets = [6], sizes = [1], strides = [1]} : vector<16xi32> to vector<1xi32>
        %squeeze3A_482 = vector.extract %slice3A_481[0] : i32 from vector<1xi32>
        %broadcast_in_dim3A_483 = vector.broadcast %squeeze3A_482 : i32 to vector<16xi32>
        %gt3A_484 = arith.constant 0 : i32
        %gt3A_485 = vector.broadcast %gt3A_484 : i32 to vector<16xi32>
        %gt3A_486 = arith.cmpi sgt, %broadcast_in_dim3A_483, %gt3A_485 : vector<16xi32>
        %slice3A_487 = vector.extract_strided_slice %add3A_315 {offsets = [6], sizes = [1], strides = [1]} : vector<16xi32> to vector<1xi32>
        %squeeze3A_488 = vector.extract %slice3A_487[0] : i32 from vector<1xi32>
        %broadcast_in_dim3A_489 = vector.broadcast %squeeze3A_488 : i32 to vector<16xi32>
        %eq3A_490 = arith.cmpi eq, %add3A_315, %broadcast_in_dim3A_489 : vector<16xi32>
        %and3A_491 = arith.andi %gt3A_486, %eq3A_490 : vector<16xi1>
        %and3A_492 = arith.andi %and3A_491, %lt3A_467 : vector<16xi1>
        %or3A_493 = arith.ori %or3A_464, %and3A_492 : vector<16xi1>
        %lt3A_494 = arith.constant 7 : i32
        %lt3A_495 = vector.broadcast %lt3A_494 : i32 to vector<16xi32>
        %lt3A_496 = arith.cmpi slt, %iota3A, %lt3A_495 : vector<16xi32>
        %slice3A_497 = vector.extract_strided_slice %convert_element_type3A_316 {offsets = [7], sizes = [1], strides = [1]} : vector<16xi32> to vector<1xi32>
        %squeeze3A_498 = vector.extract %slice3A_497[0] : i32 from vector<1xi32>
        %broadcast_in_dim3A_499 = vector.broadcast %squeeze3A_498 : i32 to vector<16xi32>
        %gt3A_500 = arith.constant 0 : i32
        %gt3A_501 = vector.broadcast %gt3A_500 : i32 to vector<16xi32>
        %gt3A_502 = arith.cmpi sgt, %broadcast_in_dim3A_499, %gt3A_501 : vector<16xi32>
        %slice3A_503 = vector.extract_strided_slice %add3A_298 {offsets = [7], sizes = [1], strides = [1]} : vector<16xi32> to vector<1xi32>
        %squeeze3A_504 = vector.extract %slice3A_503[0] : i32 from vector<1xi32>
        %broadcast_in_dim3A_505 = vector.broadcast %squeeze3A_504 : i32 to vector<16xi32>
        %eq3A_506 = arith.cmpi eq, %add3A_298, %broadcast_in_dim3A_505 : vector<16xi32>
        %and3A_507 = arith.andi %gt3A_502, %eq3A_506 : vector<16xi1>
        %and3A_508 = arith.andi %and3A_507, %lt3A_496 : vector<16xi1>
        %or3A_509 = arith.ori %or3A_480, %and3A_508 : vector<16xi1>
        %slice3A_510 = vector.extract_strided_slice %convert_element_type3A_317 {offsets = [7], sizes = [1], strides = [1]} : vector<16xi32> to vector<1xi32>
        %squeeze3A_511 = vector.extract %slice3A_510[0] : i32 from vector<1xi32>
        %broadcast_in_dim3A_512 = vector.broadcast %squeeze3A_511 : i32 to vector<16xi32>
        %gt3A_513 = arith.constant 0 : i32
        %gt3A_514 = vector.broadcast %gt3A_513 : i32 to vector<16xi32>
        %gt3A_515 = arith.cmpi sgt, %broadcast_in_dim3A_512, %gt3A_514 : vector<16xi32>
        %slice3A_516 = vector.extract_strided_slice %add3A_315 {offsets = [7], sizes = [1], strides = [1]} : vector<16xi32> to vector<1xi32>
        %squeeze3A_517 = vector.extract %slice3A_516[0] : i32 from vector<1xi32>
        %broadcast_in_dim3A_518 = vector.broadcast %squeeze3A_517 : i32 to vector<16xi32>
        %eq3A_519 = arith.cmpi eq, %add3A_315, %broadcast_in_dim3A_518 : vector<16xi32>
        %and3A_520 = arith.andi %gt3A_515, %eq3A_519 : vector<16xi1>
        %and3A_521 = arith.andi %and3A_520, %lt3A_496 : vector<16xi1>
        %or3A_522 = arith.ori %or3A_493, %and3A_521 : vector<16xi1>
        %lt3A_523 = arith.constant 8 : i32
        %lt3A_524 = vector.broadcast %lt3A_523 : i32 to vector<16xi32>
        %lt3A_525 = arith.cmpi slt, %iota3A, %lt3A_524 : vector<16xi32>
        %slice3A_526 = vector.extract_strided_slice %convert_element_type3A_316 {offsets = [8], sizes = [1], strides = [1]} : vector<16xi32> to vector<1xi32>
        %squeeze3A_527 = vector.extract %slice3A_526[0] : i32 from vector<1xi32>
        %broadcast_in_dim3A_528 = vector.broadcast %squeeze3A_527 : i32 to vector<16xi32>
        %gt3A_529 = arith.constant 0 : i32
        %gt3A_530 = vector.broadcast %gt3A_529 : i32 to vector<16xi32>
        %gt3A_531 = arith.cmpi sgt, %broadcast_in_dim3A_528, %gt3A_530 : vector<16xi32>
        %slice3A_532 = vector.extract_strided_slice %add3A_298 {offsets = [8], sizes = [1], strides = [1]} : vector<16xi32> to vector<1xi32>
        %squeeze3A_533 = vector.extract %slice3A_532[0] : i32 from vector<1xi32>
        %broadcast_in_dim3A_534 = vector.broadcast %squeeze3A_533 : i32 to vector<16xi32>
        %eq3A_535 = arith.cmpi eq, %add3A_298, %broadcast_in_dim3A_534 : vector<16xi32>
        %and3A_536 = arith.andi %gt3A_531, %eq3A_535 : vector<16xi1>
        %and3A_537 = arith.andi %and3A_536, %lt3A_525 : vector<16xi1>
        %or3A_538 = arith.ori %or3A_509, %and3A_537 : vector<16xi1>
        %slice3A_539 = vector.extract_strided_slice %convert_element_type3A_317 {offsets = [8], sizes = [1], strides = [1]} : vector<16xi32> to vector<1xi32>
        %squeeze3A_540 = vector.extract %slice3A_539[0] : i32 from vector<1xi32>
        %broadcast_in_dim3A_541 = vector.broadcast %squeeze3A_540 : i32 to vector<16xi32>
        %gt3A_542 = arith.constant 0 : i32
        %gt3A_543 = vector.broadcast %gt3A_542 : i32 to vector<16xi32>
        %gt3A_544 = arith.cmpi sgt, %broadcast_in_dim3A_541, %gt3A_543 : vector<16xi32>
        %slice3A_545 = vector.extract_strided_slice %add3A_315 {offsets = [8], sizes = [1], strides = [1]} : vector<16xi32> to vector<1xi32>
        %squeeze3A_546 = vector.extract %slice3A_545[0] : i32 from vector<1xi32>
        %broadcast_in_dim3A_547 = vector.broadcast %squeeze3A_546 : i32 to vector<16xi32>
        %eq3A_548 = arith.cmpi eq, %add3A_315, %broadcast_in_dim3A_547 : vector<16xi32>
        %and3A_549 = arith.andi %gt3A_544, %eq3A_548 : vector<16xi1>
        %and3A_550 = arith.andi %and3A_549, %lt3A_525 : vector<16xi1>
        %or3A_551 = arith.ori %or3A_522, %and3A_550 : vector<16xi1>
        %lt3A_552 = arith.constant 9 : i32
        %lt3A_553 = vector.broadcast %lt3A_552 : i32 to vector<16xi32>
        %lt3A_554 = arith.cmpi slt, %iota3A, %lt3A_553 : vector<16xi32>
        %slice3A_555 = vector.extract_strided_slice %convert_element_type3A_316 {offsets = [9], sizes = [1], strides = [1]} : vector<16xi32> to vector<1xi32>
        %squeeze3A_556 = vector.extract %slice3A_555[0] : i32 from vector<1xi32>
        %broadcast_in_dim3A_557 = vector.broadcast %squeeze3A_556 : i32 to vector<16xi32>
        %gt3A_558 = arith.constant 0 : i32
        %gt3A_559 = vector.broadcast %gt3A_558 : i32 to vector<16xi32>
        %gt3A_560 = arith.cmpi sgt, %broadcast_in_dim3A_557, %gt3A_559 : vector<16xi32>
        %slice3A_561 = vector.extract_strided_slice %add3A_298 {offsets = [9], sizes = [1], strides = [1]} : vector<16xi32> to vector<1xi32>
        %squeeze3A_562 = vector.extract %slice3A_561[0] : i32 from vector<1xi32>
        %broadcast_in_dim3A_563 = vector.broadcast %squeeze3A_562 : i32 to vector<16xi32>
        %eq3A_564 = arith.cmpi eq, %add3A_298, %broadcast_in_dim3A_563 : vector<16xi32>
        %and3A_565 = arith.andi %gt3A_560, %eq3A_564 : vector<16xi1>
        %and3A_566 = arith.andi %and3A_565, %lt3A_554 : vector<16xi1>
        %or3A_567 = arith.ori %or3A_538, %and3A_566 : vector<16xi1>
        %slice3A_568 = vector.extract_strided_slice %convert_element_type3A_317 {offsets = [9], sizes = [1], strides = [1]} : vector<16xi32> to vector<1xi32>
        %squeeze3A_569 = vector.extract %slice3A_568[0] : i32 from vector<1xi32>
        %broadcast_in_dim3A_570 = vector.broadcast %squeeze3A_569 : i32 to vector<16xi32>
        %gt3A_571 = arith.constant 0 : i32
        %gt3A_572 = vector.broadcast %gt3A_571 : i32 to vector<16xi32>
        %gt3A_573 = arith.cmpi sgt, %broadcast_in_dim3A_570, %gt3A_572 : vector<16xi32>
        %slice3A_574 = vector.extract_strided_slice %add3A_315 {offsets = [9], sizes = [1], strides = [1]} : vector<16xi32> to vector<1xi32>
        %squeeze3A_575 = vector.extract %slice3A_574[0] : i32 from vector<1xi32>
        %broadcast_in_dim3A_576 = vector.broadcast %squeeze3A_575 : i32 to vector<16xi32>
        %eq3A_577 = arith.cmpi eq, %add3A_315, %broadcast_in_dim3A_576 : vector<16xi32>
        %and3A_578 = arith.andi %gt3A_573, %eq3A_577 : vector<16xi1>
        %and3A_579 = arith.andi %and3A_578, %lt3A_554 : vector<16xi1>
        %or3A_580 = arith.ori %or3A_551, %and3A_579 : vector<16xi1>
        %not3A = arith.constant dense<true> : vector<16xi1>
        %not3A_581 = arith.xori %or3A_567, %not3A : vector<16xi1>
        %and3A_582 = arith.andi %and3A_43, %not3A_581 : vector<16xi1>
        %not3A_583 = arith.constant dense<true> : vector<16xi1>
        %not3A_584 = arith.xori %or3A_580, %not3A_583 : vector<16xi1>
        %and3A_585 = arith.andi %and3A_305, %not3A_584 : vector<16xi1>
        %convert_element_type3A_586 = arith.extui %and3A_582 : vector<16xi1> to vector<16xi32>
        %convert_element_type3A_587 = arith.sitofp %convert_element_type3A_586 : vector<16xi32> to vector<16xf32>
        %reduce_sum3A = arith.constant true
        %reduce_sum3A_588 = vector.broadcast %reduce_sum3A : i1 to vector<16xi1>
        %reduce_sum3A_589 = tpu.scan <sum>, %convert_element_type3A_587 masked %reduce_sum3A_588 : vector<16xf32>, vector<16xi1> -> vector<16xf32>
        %reduce_sum3A_590 = vector.extract %reduce_sum3A_589[15] : f32 from vector<16xf32>
        %broadcast_in_dim3A_591 = vector.broadcast %reduce_sum3A_590 : f32 to vector<16xf32>
        %sub3A_592 = arith.constant 5.070000e+02 : f32
        %sub3A_593 = vector.broadcast %sub3A_592 : f32 to vector<16xf32>
        %sub3A_594 = arith.subf %sub3A_593, %broadcast_in_dim3A_591 : vector<16xf32>
        %add3A_595 = arith.constant 1.000000e-16 : f32
        %add3A_596 = vector.broadcast %add3A_595 : f32 to vector<16xf32>
        %add3A_597 = arith.addf %broadcast_in_dim3A_591, %add3A_596 : vector<16xf32>
        %div3A_598 = arith.divf %sub3A_594, %add3A_597 : vector<16xf32>
        %broadcast_in_dim3A_599 = arith.constant 0.000000e+00 : f32
        %broadcast_in_dim3A_600 = vector.broadcast %broadcast_in_dim3A_599 : f32 to vector<16xf32>
        %scan3A_601 = arith.constant 0 : i32
        %scan3A_602 = arith.constant 11 : i32
        %scan3A_603 = arith.addi %scan3A_601, %scan3A_602 : i32
        %scan3A_604 = arith.constant 1 : i32
        %scan3A_605 = scf.for %scan3A_1385 = %scan3A_601 to %scan3A_603 step %scan3A_604 iter_args(%scan3A_1386 = %broadcast_in_dim3A_600) -> (vector<16xf32>)  : i32 {
          %mul3A_1387 = arith.constant 16 : i32
          %mul3A_1388 = arith.muli %scan3A_1385, %mul3A_1387 : i32
          %get3A_1389 = arith.constant 0 : i32
          %get3A_1390 = arith.index_cast %get3A_1389 : i32 to index
          %get3A_1391 = arith.index_cast %mul3A_1388 : i32 to index
          %get3A_1392 = tpu.vector_load %arg9[%get3A_1390, %get3A_1391] {strides = array<i32>} : memref<30x176xf32, #tpu.memory_space<vmem>>, vector<16xf32>,
          %max3A_1393 = arith.constant 0.000000e+00 : f32
          %max3A_1394 = vector.broadcast %max3A_1393 : f32 to vector<16xf32>
          %max3A_1395 = arith.maximumf %get3A_1392, %max3A_1394 : vector<16xf32>
          %abs3A_1396 = math.absf %get3A_1392 : vector<16xf32>
          %neg3A_1397 = arith.constant 0.000000e+00 : f32
          %neg3A_1398 = vector.broadcast %neg3A_1397 : f32 to vector<16xf32>
          %neg3A_1399 = arith.subf %neg3A_1398, %abs3A_1396 : vector<16xf32>
          %exp3A_1400 = math.exp %neg3A_1399 : vector<16xf32>
          %add3A_1401 = arith.constant 1.000000e+00 : f32
          %add3A_1402 = vector.broadcast %add3A_1401 : f32 to vector<16xf32>
          %add3A_1403 = arith.addf %add3A_1402, %exp3A_1400 : vector<16xf32>
          %bitcast_convert_type3A_1404 = tpu.bitcast %add3A_1403 : vector<16xf32> -> vector<16xi32>
          %shift_right_arithmetic3A_1405 = arith.constant 23 : i32
          %shift_right_arithmetic3A_1406 = vector.broadcast %shift_right_arithmetic3A_1405 : i32 to vector<16xi32>
          %shift_right_arithmetic3A_1407 = arith.shrsi %bitcast_convert_type3A_1404, %shift_right_arithmetic3A_1406 : vector<16xi32>
          %and3A_1408 = arith.constant 255 : i32
          %and3A_1409 = vector.broadcast %and3A_1408 : i32 to vector<16xi32>
          %and3A_1410 = arith.andi %shift_right_arithmetic3A_1407, %and3A_1409 : vector<16xi32>
          %sub3A_1411 = arith.constant 127 : i32
          %sub3A_1412 = vector.broadcast %sub3A_1411 : i32 to vector<16xi32>
          %sub3A_1413 = arith.subi %and3A_1410, %sub3A_1412 : vector<16xi32>
          %and3A_1414 = arith.constant 8388607 : i32
          %and3A_1415 = vector.broadcast %and3A_1414 : i32 to vector<16xi32>
          %and3A_1416 = arith.andi %bitcast_convert_type3A_1404, %and3A_1415 : vector<16xi32>
          %or3A_1417 = arith.constant 1065353216 : i32
          %or3A_1418 = vector.broadcast %or3A_1417 : i32 to vector<16xi32>
          %or3A_1419 = arith.ori %and3A_1416, %or3A_1418 : vector<16xi32>
          %bitcast_convert_type3A_1420 = tpu.bitcast %or3A_1419 : vector<16xi32> -> vector<16xf32>
          %gt3A_1421 = arith.constant 1.41421354 : f32
          %gt3A_1422 = vector.broadcast %gt3A_1421 : f32 to vector<16xf32>
          %gt3A_1423 = arith.cmpf ogt, %bitcast_convert_type3A_1420, %gt3A_1422 : vector<16xf32>
          %mul3A_1424 = arith.constant 5.000000e-01 : f32
          %mul3A_1425 = vector.broadcast %mul3A_1424 : f32 to vector<16xf32>
          %mul3A_1426 = arith.mulf %bitcast_convert_type3A_1420, %mul3A_1425 : vector<16xf32>
          %select_n3A_1427 = arith.select %gt3A_1423, %mul3A_1426, %bitcast_convert_type3A_1420 : vector<16xi1>, vector<16xf32>
          %convert_element_type3A_1428 = arith.extui %gt3A_1423 : vector<16xi1> to vector<16xi32>
          %add3A_1429 = arith.addi %sub3A_1413, %convert_element_type3A_1428 : vector<16xi32>
          %convert_element_type3A_1430 = arith.sitofp %add3A_1429 : vector<16xi32> to vector<16xf32>
          %sub3A_1431 = arith.constant 1.000000e+00 : f32
          %sub3A_1432 = vector.broadcast %sub3A_1431 : f32 to vector<16xf32>
          %sub3A_1433 = arith.subf %select_n3A_1427, %sub3A_1432 : vector<16xf32>
          %mul3A_1434 = arith.mulf %sub3A_1433, %sub3A_1433 : vector<16xf32>
          %broadcast_in_dim3A_1435 = arith.constant 0.0703768358 : f32
          %broadcast_in_dim3A_1436 = vector.broadcast %broadcast_in_dim3A_1435 : f32 to vector<16xf32>
          %mul3A_1437 = arith.mulf %broadcast_in_dim3A_1436, %sub3A_1433 : vector<16xf32>
          %add3A_1438 = arith.constant -0.115146101 : f32
          %add3A_1439 = vector.broadcast %add3A_1438 : f32 to vector<16xf32>
          %add3A_1440 = arith.addf %mul3A_1437, %add3A_1439 : vector<16xf32>
          %mul3A_1441 = arith.mulf %add3A_1440, %sub3A_1433 : vector<16xf32>
          %add3A_1442 = arith.constant 0.116769984 : f32
          %add3A_1443 = vector.broadcast %add3A_1442 : f32 to vector<16xf32>
          %add3A_1444 = arith.addf %mul3A_1441, %add3A_1443 : vector<16xf32>
          %mul3A_1445 = arith.mulf %add3A_1444, %sub3A_1433 : vector<16xf32>
          %add3A_1446 = arith.constant -0.12420141 : f32
          %add3A_1447 = vector.broadcast %add3A_1446 : f32 to vector<16xf32>
          %add3A_1448 = arith.addf %mul3A_1445, %add3A_1447 : vector<16xf32>
          %mul3A_1449 = arith.mulf %add3A_1448, %sub3A_1433 : vector<16xf32>
          %add3A_1450 = arith.constant 0.142493233 : f32
          %add3A_1451 = vector.broadcast %add3A_1450 : f32 to vector<16xf32>
          %add3A_1452 = arith.addf %mul3A_1449, %add3A_1451 : vector<16xf32>
          %mul3A_1453 = arith.mulf %add3A_1452, %sub3A_1433 : vector<16xf32>
          %add3A_1454 = arith.constant -0.166680574 : f32
          %add3A_1455 = vector.broadcast %add3A_1454 : f32 to vector<16xf32>
          %add3A_1456 = arith.addf %mul3A_1453, %add3A_1455 : vector<16xf32>
          %mul3A_1457 = arith.mulf %add3A_1456, %sub3A_1433 : vector<16xf32>
          %add3A_1458 = arith.constant 0.200007141 : f32
          %add3A_1459 = vector.broadcast %add3A_1458 : f32 to vector<16xf32>
          %add3A_1460 = arith.addf %mul3A_1457, %add3A_1459 : vector<16xf32>
          %mul3A_1461 = arith.mulf %add3A_1460, %sub3A_1433 : vector<16xf32>
          %add3A_1462 = arith.constant -0.24999994 : f32
          %add3A_1463 = vector.broadcast %add3A_1462 : f32 to vector<16xf32>
          %add3A_1464 = arith.addf %mul3A_1461, %add3A_1463 : vector<16xf32>
          %mul3A_1465 = arith.mulf %add3A_1464, %sub3A_1433 : vector<16xf32>
          %add3A_1466 = arith.constant 0.333333313 : f32
          %add3A_1467 = vector.broadcast %add3A_1466 : f32 to vector<16xf32>
          %add3A_1468 = arith.addf %mul3A_1465, %add3A_1467 : vector<16xf32>
          %mul3A_1469 = arith.mulf %sub3A_1433, %mul3A_1434 : vector<16xf32>
          %mul3A_1470 = arith.mulf %mul3A_1469, %add3A_1468 : vector<16xf32>
          %add3A_1471 = arith.addf %sub3A_1433, %mul3A_1470 : vector<16xf32>
          %mul3A_1472 = arith.constant 5.000000e-01 : f32
          %mul3A_1473 = vector.broadcast %mul3A_1472 : f32 to vector<16xf32>
          %mul3A_1474 = arith.mulf %mul3A_1473, %mul3A_1434 : vector<16xf32>
          %sub3A_1475 = arith.subf %add3A_1471, %mul3A_1474 : vector<16xf32>
          %mul3A_1476 = arith.constant 0.693147182 : f32
          %mul3A_1477 = vector.broadcast %mul3A_1476 : f32 to vector<16xf32>
          %mul3A_1478 = arith.mulf %convert_element_type3A_1430, %mul3A_1477 : vector<16xf32>
          %add3A_1479 = arith.addf %sub3A_1475, %mul3A_1478 : vector<16xf32>
          %add3A_1480 = arith.addf %max3A_1395, %add3A_1479 : vector<16xf32>
          %add3A_1481 = arith.addf %scan3A_1386, %add3A_1480 : vector<16xf32>
          scf.yield %add3A_1481 : vector<16xf32>
        }
        %scan3A_606 = arith.constant 11 : i32
        %scan3A_607 = arith.constant 0 : i32
        %scan3A_608 = arith.constant 11 : i32
        %scan3A_609 = arith.addi %scan3A_607, %scan3A_608 : i32
        %scan3A_610 = arith.constant 1 : i32
        %scan3A_611 = scf.for %scan3A_1385 = %scan3A_607 to %scan3A_609 step %scan3A_610 iter_args(%scan3A_1386 = %scan3A_605) -> (vector<16xf32>)  : i32 {
          %mul3A_1387 = arith.constant 16 : i32
          %mul3A_1388 = arith.muli %scan3A_1385, %mul3A_1387 : i32
          %get3A_1389 = arith.constant 10 : i32
          %get3A_1390 = arith.index_cast %get3A_1389 : i32 to index
          %get3A_1391 = arith.index_cast %mul3A_1388 : i32 to index
          %get3A_1392 = tpu.vector_load %arg9[%get3A_1390, %get3A_1391] {strides = array<i32>} : memref<30x176xf32, #tpu.memory_space<vmem>>, vector<16xf32>,
          %max3A_1393 = arith.constant 0.000000e+00 : f32
          %max3A_1394 = vector.broadcast %max3A_1393 : f32 to vector<16xf32>
          %max3A_1395 = arith.maximumf %get3A_1392, %max3A_1394 : vector<16xf32>
          %abs3A_1396 = math.absf %get3A_1392 : vector<16xf32>
          %neg3A_1397 = arith.constant 0.000000e+00 : f32
          %neg3A_1398 = vector.broadcast %neg3A_1397 : f32 to vector<16xf32>
          %neg3A_1399 = arith.subf %neg3A_1398, %abs3A_1396 : vector<16xf32>
          %exp3A_1400 = math.exp %neg3A_1399 : vector<16xf32>
          %add3A_1401 = arith.constant 1.000000e+00 : f32
          %add3A_1402 = vector.broadcast %add3A_1401 : f32 to vector<16xf32>
          %add3A_1403 = arith.addf %add3A_1402, %exp3A_1400 : vector<16xf32>
          %bitcast_convert_type3A_1404 = tpu.bitcast %add3A_1403 : vector<16xf32> -> vector<16xi32>
          %shift_right_arithmetic3A_1405 = arith.constant 23 : i32
          %shift_right_arithmetic3A_1406 = vector.broadcast %shift_right_arithmetic3A_1405 : i32 to vector<16xi32>
          %shift_right_arithmetic3A_1407 = arith.shrsi %bitcast_convert_type3A_1404, %shift_right_arithmetic3A_1406 : vector<16xi32>
          %and3A_1408 = arith.constant 255 : i32
          %and3A_1409 = vector.broadcast %and3A_1408 : i32 to vector<16xi32>
          %and3A_1410 = arith.andi %shift_right_arithmetic3A_1407, %and3A_1409 : vector<16xi32>
          %sub3A_1411 = arith.constant 127 : i32
          %sub3A_1412 = vector.broadcast %sub3A_1411 : i32 to vector<16xi32>
          %sub3A_1413 = arith.subi %and3A_1410, %sub3A_1412 : vector<16xi32>
          %and3A_1414 = arith.constant 8388607 : i32
          %and3A_1415 = vector.broadcast %and3A_1414 : i32 to vector<16xi32>
          %and3A_1416 = arith.andi %bitcast_convert_type3A_1404, %and3A_1415 : vector<16xi32>
          %or3A_1417 = arith.constant 1065353216 : i32
          %or3A_1418 = vector.broadcast %or3A_1417 : i32 to vector<16xi32>
          %or3A_1419 = arith.ori %and3A_1416, %or3A_1418 : vector<16xi32>
          %bitcast_convert_type3A_1420 = tpu.bitcast %or3A_1419 : vector<16xi32> -> vector<16xf32>
          %gt3A_1421 = arith.constant 1.41421354 : f32
          %gt3A_1422 = vector.broadcast %gt3A_1421 : f32 to vector<16xf32>
          %gt3A_1423 = arith.cmpf ogt, %bitcast_convert_type3A_1420, %gt3A_1422 : vector<16xf32>
          %mul3A_1424 = arith.constant 5.000000e-01 : f32
          %mul3A_1425 = vector.broadcast %mul3A_1424 : f32 to vector<16xf32>
          %mul3A_1426 = arith.mulf %bitcast_convert_type3A_1420, %mul3A_1425 : vector<16xf32>
          %select_n3A_1427 = arith.select %gt3A_1423, %mul3A_1426, %bitcast_convert_type3A_1420 : vector<16xi1>, vector<16xf32>
          %convert_element_type3A_1428 = arith.extui %gt3A_1423 : vector<16xi1> to vector<16xi32>
          %add3A_1429 = arith.addi %sub3A_1413, %convert_element_type3A_1428 : vector<16xi32>
          %convert_element_type3A_1430 = arith.sitofp %add3A_1429 : vector<16xi32> to vector<16xf32>
          %sub3A_1431 = arith.constant 1.000000e+00 : f32
          %sub3A_1432 = vector.broadcast %sub3A_1431 : f32 to vector<16xf32>
          %sub3A_1433 = arith.subf %select_n3A_1427, %sub3A_1432 : vector<16xf32>
          %mul3A_1434 = arith.mulf %sub3A_1433, %sub3A_1433 : vector<16xf32>
          %broadcast_in_dim3A_1435 = arith.constant 0.0703768358 : f32
          %broadcast_in_dim3A_1436 = vector.broadcast %broadcast_in_dim3A_1435 : f32 to vector<16xf32>
          %mul3A_1437 = arith.mulf %broadcast_in_dim3A_1436, %sub3A_1433 : vector<16xf32>
          %add3A_1438 = arith.constant -0.115146101 : f32
          %add3A_1439 = vector.broadcast %add3A_1438 : f32 to vector<16xf32>
          %add3A_1440 = arith.addf %mul3A_1437, %add3A_1439 : vector<16xf32>
          %mul3A_1441 = arith.mulf %add3A_1440, %sub3A_1433 : vector<16xf32>
          %add3A_1442 = arith.constant 0.116769984 : f32
          %add3A_1443 = vector.broadcast %add3A_1442 : f32 to vector<16xf32>
          %add3A_1444 = arith.addf %mul3A_1441, %add3A_1443 : vector<16xf32>
          %mul3A_1445 = arith.mulf %add3A_1444, %sub3A_1433 : vector<16xf32>
          %add3A_1446 = arith.constant -0.12420141 : f32
          %add3A_1447 = vector.broadcast %add3A_1446 : f32 to vector<16xf32>
          %add3A_1448 = arith.addf %mul3A_1445, %add3A_1447 : vector<16xf32>
          %mul3A_1449 = arith.mulf %add3A_1448, %sub3A_1433 : vector<16xf32>
          %add3A_1450 = arith.constant 0.142493233 : f32
          %add3A_1451 = vector.broadcast %add3A_1450 : f32 to vector<16xf32>
          %add3A_1452 = arith.addf %mul3A_1449, %add3A_1451 : vector<16xf32>
          %mul3A_1453 = arith.mulf %add3A_1452, %sub3A_1433 : vector<16xf32>
          %add3A_1454 = arith.constant -0.166680574 : f32
          %add3A_1455 = vector.broadcast %add3A_1454 : f32 to vector<16xf32>
          %add3A_1456 = arith.addf %mul3A_1453, %add3A_1455 : vector<16xf32>
          %mul3A_1457 = arith.mulf %add3A_1456, %sub3A_1433 : vector<16xf32>
          %add3A_1458 = arith.constant 0.200007141 : f32
          %add3A_1459 = vector.broadcast %add3A_1458 : f32 to vector<16xf32>
          %add3A_1460 = arith.addf %mul3A_1457, %add3A_1459 : vector<16xf32>
          %mul3A_1461 = arith.mulf %add3A_1460, %sub3A_1433 : vector<16xf32>
          %add3A_1462 = arith.constant -0.24999994 : f32
          %add3A_1463 = vector.broadcast %add3A_1462 : f32 to vector<16xf32>
          %add3A_1464 = arith.addf %mul3A_1461, %add3A_1463 : vector<16xf32>
          %mul3A_1465 = arith.mulf %add3A_1464, %sub3A_1433 : vector<16xf32>
          %add3A_1466 = arith.constant 0.333333313 : f32
          %add3A_1467 = vector.broadcast %add3A_1466 : f32 to vector<16xf32>
          %add3A_1468 = arith.addf %mul3A_1465, %add3A_1467 : vector<16xf32>
          %mul3A_1469 = arith.mulf %sub3A_1433, %mul3A_1434 : vector<16xf32>
          %mul3A_1470 = arith.mulf %mul3A_1469, %add3A_1468 : vector<16xf32>
          %add3A_1471 = arith.addf %sub3A_1433, %mul3A_1470 : vector<16xf32>
          %mul3A_1472 = arith.constant 5.000000e-01 : f32
          %mul3A_1473 = vector.broadcast %mul3A_1472 : f32 to vector<16xf32>
          %mul3A_1474 = arith.mulf %mul3A_1473, %mul3A_1434 : vector<16xf32>
          %sub3A_1475 = arith.subf %add3A_1471, %mul3A_1474 : vector<16xf32>
          %mul3A_1476 = arith.constant 0.693147182 : f32
          %mul3A_1477 = vector.broadcast %mul3A_1476 : f32 to vector<16xf32>
          %mul3A_1478 = arith.mulf %convert_element_type3A_1430, %mul3A_1477 : vector<16xf32>
          %add3A_1479 = arith.addf %sub3A_1475, %mul3A_1478 : vector<16xf32>
          %add3A_1480 = arith.addf %max3A_1395, %add3A_1479 : vector<16xf32>
          %add3A_1481 = arith.addf %scan3A_1386, %add3A_1480 : vector<16xf32>
          scf.yield %add3A_1481 : vector<16xf32>
        }
        %scan3A_612 = arith.constant 11 : i32
        %scan3A_613 = arith.constant 0 : i32
        %scan3A_614 = arith.constant 11 : i32
        %scan3A_615 = arith.addi %scan3A_613, %scan3A_614 : i32
        %scan3A_616 = arith.constant 1 : i32
        %scan3A_617 = scf.for %scan3A_1385 = %scan3A_613 to %scan3A_615 step %scan3A_616 iter_args(%scan3A_1386 = %scan3A_611) -> (vector<16xf32>)  : i32 {
          %mul3A_1387 = arith.constant 16 : i32
          %mul3A_1388 = arith.muli %scan3A_1385, %mul3A_1387 : i32
          %get3A_1389 = arith.constant 20 : i32
          %get3A_1390 = arith.index_cast %get3A_1389 : i32 to index
          %get3A_1391 = arith.index_cast %mul3A_1388 : i32 to index
          %get3A_1392 = tpu.vector_load %arg9[%get3A_1390, %get3A_1391] {strides = array<i32>} : memref<30x176xf32, #tpu.memory_space<vmem>>, vector<16xf32>,
          %max3A_1393 = arith.constant 0.000000e+00 : f32
          %max3A_1394 = vector.broadcast %max3A_1393 : f32 to vector<16xf32>
          %max3A_1395 = arith.maximumf %get3A_1392, %max3A_1394 : vector<16xf32>
          %abs3A_1396 = math.absf %get3A_1392 : vector<16xf32>
          %neg3A_1397 = arith.constant 0.000000e+00 : f32
          %neg3A_1398 = vector.broadcast %neg3A_1397 : f32 to vector<16xf32>
          %neg3A_1399 = arith.subf %neg3A_1398, %abs3A_1396 : vector<16xf32>
          %exp3A_1400 = math.exp %neg3A_1399 : vector<16xf32>
          %add3A_1401 = arith.constant 1.000000e+00 : f32
          %add3A_1402 = vector.broadcast %add3A_1401 : f32 to vector<16xf32>
          %add3A_1403 = arith.addf %add3A_1402, %exp3A_1400 : vector<16xf32>
          %bitcast_convert_type3A_1404 = tpu.bitcast %add3A_1403 : vector<16xf32> -> vector<16xi32>
          %shift_right_arithmetic3A_1405 = arith.constant 23 : i32
          %shift_right_arithmetic3A_1406 = vector.broadcast %shift_right_arithmetic3A_1405 : i32 to vector<16xi32>
          %shift_right_arithmetic3A_1407 = arith.shrsi %bitcast_convert_type3A_1404, %shift_right_arithmetic3A_1406 : vector<16xi32>
          %and3A_1408 = arith.constant 255 : i32
          %and3A_1409 = vector.broadcast %and3A_1408 : i32 to vector<16xi32>
          %and3A_1410 = arith.andi %shift_right_arithmetic3A_1407, %and3A_1409 : vector<16xi32>
          %sub3A_1411 = arith.constant 127 : i32
          %sub3A_1412 = vector.broadcast %sub3A_1411 : i32 to vector<16xi32>
          %sub3A_1413 = arith.subi %and3A_1410, %sub3A_1412 : vector<16xi32>
          %and3A_1414 = arith.constant 8388607 : i32
          %and3A_1415 = vector.broadcast %and3A_1414 : i32 to vector<16xi32>
          %and3A_1416 = arith.andi %bitcast_convert_type3A_1404, %and3A_1415 : vector<16xi32>
          %or3A_1417 = arith.constant 1065353216 : i32
          %or3A_1418 = vector.broadcast %or3A_1417 : i32 to vector<16xi32>
          %or3A_1419 = arith.ori %and3A_1416, %or3A_1418 : vector<16xi32>
          %bitcast_convert_type3A_1420 = tpu.bitcast %or3A_1419 : vector<16xi32> -> vector<16xf32>
          %gt3A_1421 = arith.constant 1.41421354 : f32
          %gt3A_1422 = vector.broadcast %gt3A_1421 : f32 to vector<16xf32>
          %gt3A_1423 = arith.cmpf ogt, %bitcast_convert_type3A_1420, %gt3A_1422 : vector<16xf32>
          %mul3A_1424 = arith.constant 5.000000e-01 : f32
          %mul3A_1425 = vector.broadcast %mul3A_1424 : f32 to vector<16xf32>
          %mul3A_1426 = arith.mulf %bitcast_convert_type3A_1420, %mul3A_1425 : vector<16xf32>
          %select_n3A_1427 = arith.select %gt3A_1423, %mul3A_1426, %bitcast_convert_type3A_1420 : vector<16xi1>, vector<16xf32>
          %convert_element_type3A_1428 = arith.extui %gt3A_1423 : vector<16xi1> to vector<16xi32>
          %add3A_1429 = arith.addi %sub3A_1413, %convert_element_type3A_1428 : vector<16xi32>
          %convert_element_type3A_1430 = arith.sitofp %add3A_1429 : vector<16xi32> to vector<16xf32>
          %sub3A_1431 = arith.constant 1.000000e+00 : f32
          %sub3A_1432 = vector.broadcast %sub3A_1431 : f32 to vector<16xf32>
          %sub3A_1433 = arith.subf %select_n3A_1427, %sub3A_1432 : vector<16xf32>
          %mul3A_1434 = arith.mulf %sub3A_1433, %sub3A_1433 : vector<16xf32>
          %broadcast_in_dim3A_1435 = arith.constant 0.0703768358 : f32
          %broadcast_in_dim3A_1436 = vector.broadcast %broadcast_in_dim3A_1435 : f32 to vector<16xf32>
          %mul3A_1437 = arith.mulf %broadcast_in_dim3A_1436, %sub3A_1433 : vector<16xf32>
          %add3A_1438 = arith.constant -0.115146101 : f32
          %add3A_1439 = vector.broadcast %add3A_1438 : f32 to vector<16xf32>
          %add3A_1440 = arith.addf %mul3A_1437, %add3A_1439 : vector<16xf32>
          %mul3A_1441 = arith.mulf %add3A_1440, %sub3A_1433 : vector<16xf32>
          %add3A_1442 = arith.constant 0.116769984 : f32
          %add3A_1443 = vector.broadcast %add3A_1442 : f32 to vector<16xf32>
          %add3A_1444 = arith.addf %mul3A_1441, %add3A_1443 : vector<16xf32>
          %mul3A_1445 = arith.mulf %add3A_1444, %sub3A_1433 : vector<16xf32>
          %add3A_1446 = arith.constant -0.12420141 : f32
          %add3A_1447 = vector.broadcast %add3A_1446 : f32 to vector<16xf32>
          %add3A_1448 = arith.addf %mul3A_1445, %add3A_1447 : vector<16xf32>
          %mul3A_1449 = arith.mulf %add3A_1448, %sub3A_1433 : vector<16xf32>
          %add3A_1450 = arith.constant 0.142493233 : f32
          %add3A_1451 = vector.broadcast %add3A_1450 : f32 to vector<16xf32>
          %add3A_1452 = arith.addf %mul3A_1449, %add3A_1451 : vector<16xf32>
          %mul3A_1453 = arith.mulf %add3A_1452, %sub3A_1433 : vector<16xf32>
          %add3A_1454 = arith.constant -0.166680574 : f32
          %add3A_1455 = vector.broadcast %add3A_1454 : f32 to vector<16xf32>
          %add3A_1456 = arith.addf %mul3A_1453, %add3A_1455 : vector<16xf32>
          %mul3A_1457 = arith.mulf %add3A_1456, %sub3A_1433 : vector<16xf32>
          %add3A_1458 = arith.constant 0.200007141 : f32
          %add3A_1459 = vector.broadcast %add3A_1458 : f32 to vector<16xf32>
          %add3A_1460 = arith.addf %mul3A_1457, %add3A_1459 : vector<16xf32>
          %mul3A_1461 = arith.mulf %add3A_1460, %sub3A_1433 : vector<16xf32>
          %add3A_1462 = arith.constant -0.24999994 : f32
          %add3A_1463 = vector.broadcast %add3A_1462 : f32 to vector<16xf32>
          %add3A_1464 = arith.addf %mul3A_1461, %add3A_1463 : vector<16xf32>
          %mul3A_1465 = arith.mulf %add3A_1464, %sub3A_1433 : vector<16xf32>
          %add3A_1466 = arith.constant 0.333333313 : f32
          %add3A_1467 = vector.broadcast %add3A_1466 : f32 to vector<16xf32>
          %add3A_1468 = arith.addf %mul3A_1465, %add3A_1467 : vector<16xf32>
          %mul3A_1469 = arith.mulf %sub3A_1433, %mul3A_1434 : vector<16xf32>
          %mul3A_1470 = arith.mulf %mul3A_1469, %add3A_1468 : vector<16xf32>
          %add3A_1471 = arith.addf %sub3A_1433, %mul3A_1470 : vector<16xf32>
          %mul3A_1472 = arith.constant 5.000000e-01 : f32
          %mul3A_1473 = vector.broadcast %mul3A_1472 : f32 to vector<16xf32>
          %mul3A_1474 = arith.mulf %mul3A_1473, %mul3A_1434 : vector<16xf32>
          %sub3A_1475 = arith.subf %add3A_1471, %mul3A_1474 : vector<16xf32>
          %mul3A_1476 = arith.constant 0.693147182 : f32
          %mul3A_1477 = vector.broadcast %mul3A_1476 : f32 to vector<16xf32>
          %mul3A_1478 = arith.mulf %convert_element_type3A_1430, %mul3A_1477 : vector<16xf32>
          %add3A_1479 = arith.addf %sub3A_1475, %mul3A_1478 : vector<16xf32>
          %add3A_1480 = arith.addf %max3A_1395, %add3A_1479 : vector<16xf32>
          %add3A_1481 = arith.addf %scan3A_1386, %add3A_1480 : vector<16xf32>
          scf.yield %add3A_1481 : vector<16xf32>
        }
        %scan3A_618 = arith.constant 11 : i32
        %eq3A_619 = arith.constant 0 : i32
        %eq3A_620 = vector.broadcast %eq3A_619 : i32 to vector<16xi32>
        %eq3A_621 = arith.cmpi eq, %iota3A, %eq3A_620 : vector<16xi32>
        %jit3A_622 = arith.constant 14.5560904 : f32
        %jit3A_623 = arith.constant 0.000000e+00 : f32
        %broadcast_in_dim3A_624 = vector.broadcast %jit3A_622 : f32 to vector<16xf32>
        %broadcast_in_dim3A_625 = vector.broadcast %jit3A_623 : f32 to vector<16xf32>
        %select_n3A_626 = arith.select %eq3A_621, %broadcast_in_dim3A_624, %broadcast_in_dim3A_625 : vector<16xi1>, vector<16xf32>
        %mul3A_627 = arith.constant 10 : i32
        %mul3A_628 = vector.broadcast %mul3A_627 : i32 to vector<16xi32>
        %mul3A_629 = arith.muli %select_n3A_115, %mul3A_628 : vector<16xi32>
        %gather3A = tpu.vector_load_idx %arg9[%mul3A_629, %add3A_294] : memref<30x176xf32, #tpu.memory_space<vmem>>[vector<16xi32>, vector<16xi32>], vector<16xf32>,
        %max3A_630 = arith.constant 0.000000e+00 : f32
        %max3A_631 = vector.broadcast %max3A_630 : f32 to vector<16xf32>
        %max3A_632 = arith.maximumf %gather3A, %max3A_631 : vector<16xf32>
        %abs3A = math.absf %gather3A : vector<16xf32>
        %neg3A = arith.constant 0.000000e+00 : f32
        %neg3A_633 = vector.broadcast %neg3A : f32 to vector<16xf32>
        %neg3A_634 = arith.subf %neg3A_633, %abs3A : vector<16xf32>
        %exp3A = math.exp %neg3A_634 : vector<16xf32>
        %add3A_635 = arith.constant 1.000000e+00 : f32
        %add3A_636 = vector.broadcast %add3A_635 : f32 to vector<16xf32>
        %add3A_637 = arith.addf %add3A_636, %exp3A : vector<16xf32>
        %bitcast_convert_type3A_638 = tpu.bitcast %add3A_637 : vector<16xf32> -> vector<16xi32>
        %shift_right_arithmetic3A_639 = arith.constant 23 : i32
        %shift_right_arithmetic3A_640 = vector.broadcast %shift_right_arithmetic3A_639 : i32 to vector<16xi32>
        %shift_right_arithmetic3A_641 = arith.shrsi %bitcast_convert_type3A_638, %shift_right_arithmetic3A_640 : vector<16xi32>
        %and3A_642 = arith.constant 255 : i32
        %and3A_643 = vector.broadcast %and3A_642 : i32 to vector<16xi32>
        %and3A_644 = arith.andi %shift_right_arithmetic3A_641, %and3A_643 : vector<16xi32>
        %sub3A_645 = arith.constant 127 : i32
        %sub3A_646 = vector.broadcast %sub3A_645 : i32 to vector<16xi32>
        %sub3A_647 = arith.subi %and3A_644, %sub3A_646 : vector<16xi32>
        %and3A_648 = arith.constant 8388607 : i32
        %and3A_649 = vector.broadcast %and3A_648 : i32 to vector<16xi32>
        %and3A_650 = arith.andi %bitcast_convert_type3A_638, %and3A_649 : vector<16xi32>
        %or3A_651 = arith.constant 1065353216 : i32
        %or3A_652 = vector.broadcast %or3A_651 : i32 to vector<16xi32>
        %or3A_653 = arith.ori %and3A_650, %or3A_652 : vector<16xi32>
        %bitcast_convert_type3A_654 = tpu.bitcast %or3A_653 : vector<16xi32> -> vector<16xf32>
        %gt3A_655 = arith.constant 1.41421354 : f32
        %gt3A_656 = vector.broadcast %gt3A_655 : f32 to vector<16xf32>
        %gt3A_657 = arith.cmpf ogt, %bitcast_convert_type3A_654, %gt3A_656 : vector<16xf32>
        %mul3A_658 = arith.constant 5.000000e-01 : f32
        %mul3A_659 = vector.broadcast %mul3A_658 : f32 to vector<16xf32>
        %mul3A_660 = arith.mulf %bitcast_convert_type3A_654, %mul3A_659 : vector<16xf32>
        %select_n3A_661 = arith.select %gt3A_657, %mul3A_660, %bitcast_convert_type3A_654 : vector<16xi1>, vector<16xf32>
        %convert_element_type3A_662 = arith.extui %gt3A_657 : vector<16xi1> to vector<16xi32>
        %add3A_663 = arith.addi %sub3A_647, %convert_element_type3A_662 : vector<16xi32>
        %convert_element_type3A_664 = arith.sitofp %add3A_663 : vector<16xi32> to vector<16xf32>
        %sub3A_665 = arith.constant 1.000000e+00 : f32
        %sub3A_666 = vector.broadcast %sub3A_665 : f32 to vector<16xf32>
        %sub3A_667 = arith.subf %select_n3A_661, %sub3A_666 : vector<16xf32>
        %mul3A_668 = arith.mulf %sub3A_667, %sub3A_667 : vector<16xf32>
        %broadcast_in_dim3A_669 = arith.constant 0.0703768358 : f32
        %broadcast_in_dim3A_670 = vector.broadcast %broadcast_in_dim3A_669 : f32 to vector<16xf32>
        %mul3A_671 = arith.mulf %broadcast_in_dim3A_670, %sub3A_667 : vector<16xf32>
        %add3A_672 = arith.constant -0.115146101 : f32
        %add3A_673 = vector.broadcast %add3A_672 : f32 to vector<16xf32>
        %add3A_674 = arith.addf %mul3A_671, %add3A_673 : vector<16xf32>
        %mul3A_675 = arith.mulf %add3A_674, %sub3A_667 : vector<16xf32>
        %add3A_676 = arith.constant 0.116769984 : f32
        %add3A_677 = vector.broadcast %add3A_676 : f32 to vector<16xf32>
        %add3A_678 = arith.addf %mul3A_675, %add3A_677 : vector<16xf32>
        %mul3A_679 = arith.mulf %add3A_678, %sub3A_667 : vector<16xf32>
        %add3A_680 = arith.constant -0.12420141 : f32
        %add3A_681 = vector.broadcast %add3A_680 : f32 to vector<16xf32>
        %add3A_682 = arith.addf %mul3A_679, %add3A_681 : vector<16xf32>
        %mul3A_683 = arith.mulf %add3A_682, %sub3A_667 : vector<16xf32>
        %add3A_684 = arith.constant 0.142493233 : f32
        %add3A_685 = vector.broadcast %add3A_684 : f32 to vector<16xf32>
        %add3A_686 = arith.addf %mul3A_683, %add3A_685 : vector<16xf32>
        %mul3A_687 = arith.mulf %add3A_686, %sub3A_667 : vector<16xf32>
        %add3A_688 = arith.constant -0.166680574 : f32
        %add3A_689 = vector.broadcast %add3A_688 : f32 to vector<16xf32>
        %add3A_690 = arith.addf %mul3A_687, %add3A_689 : vector<16xf32>
        %mul3A_691 = arith.mulf %add3A_690, %sub3A_667 : vector<16xf32>
        %add3A_692 = arith.constant 0.200007141 : f32
        %add3A_693 = vector.broadcast %add3A_692 : f32 to vector<16xf32>
        %add3A_694 = arith.addf %mul3A_691, %add3A_693 : vector<16xf32>
        %mul3A_695 = arith.mulf %add3A_694, %sub3A_667 : vector<16xf32>
        %add3A_696 = arith.constant -0.24999994 : f32
        %add3A_697 = vector.broadcast %add3A_696 : f32 to vector<16xf32>
        %add3A_698 = arith.addf %mul3A_695, %add3A_697 : vector<16xf32>
        %mul3A_699 = arith.mulf %add3A_698, %sub3A_667 : vector<16xf32>
        %add3A_700 = arith.constant 0.333333313 : f32
        %add3A_701 = vector.broadcast %add3A_700 : f32 to vector<16xf32>
        %add3A_702 = arith.addf %mul3A_699, %add3A_701 : vector<16xf32>
        %mul3A_703 = arith.mulf %sub3A_667, %mul3A_668 : vector<16xf32>
        %mul3A_704 = arith.mulf %mul3A_703, %add3A_702 : vector<16xf32>
        %add3A_705 = arith.addf %sub3A_667, %mul3A_704 : vector<16xf32>
        %mul3A_706 = arith.constant 5.000000e-01 : f32
        %mul3A_707 = vector.broadcast %mul3A_706 : f32 to vector<16xf32>
        %mul3A_708 = arith.mulf %mul3A_707, %mul3A_668 : vector<16xf32>
        %sub3A_709 = arith.subf %add3A_705, %mul3A_708 : vector<16xf32>
        %mul3A_710 = arith.constant 0.693147182 : f32
        %mul3A_711 = vector.broadcast %mul3A_710 : f32 to vector<16xf32>
        %mul3A_712 = arith.mulf %convert_element_type3A_664, %mul3A_711 : vector<16xf32>
        %add3A_713 = arith.addf %sub3A_709, %mul3A_712 : vector<16xf32>
        %add3A_714 = arith.addf %max3A_632, %add3A_713 : vector<16xf32>
        %sub3A_715 = arith.subf %add3A_714, %gather3A : vector<16xf32>
        %mul3A_716 = arith.mulf %div3A_598, %sub3A_715 : vector<16xf32>
        %max3A_717 = arith.constant 0.000000e+00 : f32
        %max3A_718 = vector.broadcast %max3A_717 : f32 to vector<16xf32>
        %max3A_719 = arith.maximumf %gather3A, %max3A_718 : vector<16xf32>
        %abs3A_720 = math.absf %gather3A : vector<16xf32>
        %neg3A_721 = arith.constant 0.000000e+00 : f32
        %neg3A_722 = vector.broadcast %neg3A_721 : f32 to vector<16xf32>
        %neg3A_723 = arith.subf %neg3A_722, %abs3A_720 : vector<16xf32>
        %exp3A_724 = math.exp %neg3A_723 : vector<16xf32>
        %add3A_725 = arith.constant 1.000000e+00 : f32
        %add3A_726 = vector.broadcast %add3A_725 : f32 to vector<16xf32>
        %add3A_727 = arith.addf %add3A_726, %exp3A_724 : vector<16xf32>
        %bitcast_convert_type3A_728 = tpu.bitcast %add3A_727 : vector<16xf32> -> vector<16xi32>
        %shift_right_arithmetic3A_729 = arith.constant 23 : i32
        %shift_right_arithmetic3A_730 = vector.broadcast %shift_right_arithmetic3A_729 : i32 to vector<16xi32>
        %shift_right_arithmetic3A_731 = arith.shrsi %bitcast_convert_type3A_728, %shift_right_arithmetic3A_730 : vector<16xi32>
        %and3A_732 = arith.constant 255 : i32
        %and3A_733 = vector.broadcast %and3A_732 : i32 to vector<16xi32>
        %and3A_734 = arith.andi %shift_right_arithmetic3A_731, %and3A_733 : vector<16xi32>
        %sub3A_735 = arith.constant 127 : i32
        %sub3A_736 = vector.broadcast %sub3A_735 : i32 to vector<16xi32>
        %sub3A_737 = arith.subi %and3A_734, %sub3A_736 : vector<16xi32>
        %and3A_738 = arith.constant 8388607 : i32
        %and3A_739 = vector.broadcast %and3A_738 : i32 to vector<16xi32>
        %and3A_740 = arith.andi %bitcast_convert_type3A_728, %and3A_739 : vector<16xi32>
        %or3A_741 = arith.constant 1065353216 : i32
        %or3A_742 = vector.broadcast %or3A_741 : i32 to vector<16xi32>
        %or3A_743 = arith.ori %and3A_740, %or3A_742 : vector<16xi32>
        %bitcast_convert_type3A_744 = tpu.bitcast %or3A_743 : vector<16xi32> -> vector<16xf32>
        %gt3A_745 = arith.constant 1.41421354 : f32
        %gt3A_746 = vector.broadcast %gt3A_745 : f32 to vector<16xf32>
        %gt3A_747 = arith.cmpf ogt, %bitcast_convert_type3A_744, %gt3A_746 : vector<16xf32>
        %mul3A_748 = arith.constant 5.000000e-01 : f32
        %mul3A_749 = vector.broadcast %mul3A_748 : f32 to vector<16xf32>
        %mul3A_750 = arith.mulf %bitcast_convert_type3A_744, %mul3A_749 : vector<16xf32>
        %select_n3A_751 = arith.select %gt3A_747, %mul3A_750, %bitcast_convert_type3A_744 : vector<16xi1>, vector<16xf32>
        %convert_element_type3A_752 = arith.extui %gt3A_747 : vector<16xi1> to vector<16xi32>
        %add3A_753 = arith.addi %sub3A_737, %convert_element_type3A_752 : vector<16xi32>
        %convert_element_type3A_754 = arith.sitofp %add3A_753 : vector<16xi32> to vector<16xf32>
        %sub3A_755 = arith.constant 1.000000e+00 : f32
        %sub3A_756 = vector.broadcast %sub3A_755 : f32 to vector<16xf32>
        %sub3A_757 = arith.subf %select_n3A_751, %sub3A_756 : vector<16xf32>
        %mul3A_758 = arith.mulf %sub3A_757, %sub3A_757 : vector<16xf32>
        %broadcast_in_dim3A_759 = arith.constant 0.0703768358 : f32
        %broadcast_in_dim3A_760 = vector.broadcast %broadcast_in_dim3A_759 : f32 to vector<16xf32>
        %mul3A_761 = arith.mulf %broadcast_in_dim3A_760, %sub3A_757 : vector<16xf32>
        %add3A_762 = arith.constant -0.115146101 : f32
        %add3A_763 = vector.broadcast %add3A_762 : f32 to vector<16xf32>
        %add3A_764 = arith.addf %mul3A_761, %add3A_763 : vector<16xf32>
        %mul3A_765 = arith.mulf %add3A_764, %sub3A_757 : vector<16xf32>
        %add3A_766 = arith.constant 0.116769984 : f32
        %add3A_767 = vector.broadcast %add3A_766 : f32 to vector<16xf32>
        %add3A_768 = arith.addf %mul3A_765, %add3A_767 : vector<16xf32>
        %mul3A_769 = arith.mulf %add3A_768, %sub3A_757 : vector<16xf32>
        %add3A_770 = arith.constant -0.12420141 : f32
        %add3A_771 = vector.broadcast %add3A_770 : f32 to vector<16xf32>
        %add3A_772 = arith.addf %mul3A_769, %add3A_771 : vector<16xf32>
        %mul3A_773 = arith.mulf %add3A_772, %sub3A_757 : vector<16xf32>
        %add3A_774 = arith.constant 0.142493233 : f32
        %add3A_775 = vector.broadcast %add3A_774 : f32 to vector<16xf32>
        %add3A_776 = arith.addf %mul3A_773, %add3A_775 : vector<16xf32>
        %mul3A_777 = arith.mulf %add3A_776, %sub3A_757 : vector<16xf32>
        %add3A_778 = arith.constant -0.166680574 : f32
        %add3A_779 = vector.broadcast %add3A_778 : f32 to vector<16xf32>
        %add3A_780 = arith.addf %mul3A_777, %add3A_779 : vector<16xf32>
        %mul3A_781 = arith.mulf %add3A_780, %sub3A_757 : vector<16xf32>
        %add3A_782 = arith.constant 0.200007141 : f32
        %add3A_783 = vector.broadcast %add3A_782 : f32 to vector<16xf32>
        %add3A_784 = arith.addf %mul3A_781, %add3A_783 : vector<16xf32>
        %mul3A_785 = arith.mulf %add3A_784, %sub3A_757 : vector<16xf32>
        %add3A_786 = arith.constant -0.24999994 : f32
        %add3A_787 = vector.broadcast %add3A_786 : f32 to vector<16xf32>
        %add3A_788 = arith.addf %mul3A_785, %add3A_787 : vector<16xf32>
        %mul3A_789 = arith.mulf %add3A_788, %sub3A_757 : vector<16xf32>
        %add3A_790 = arith.constant 0.333333313 : f32
        %add3A_791 = vector.broadcast %add3A_790 : f32 to vector<16xf32>
        %add3A_792 = arith.addf %mul3A_789, %add3A_791 : vector<16xf32>
        %mul3A_793 = arith.mulf %sub3A_757, %mul3A_758 : vector<16xf32>
        %mul3A_794 = arith.mulf %mul3A_793, %add3A_792 : vector<16xf32>
        %add3A_795 = arith.addf %sub3A_757, %mul3A_794 : vector<16xf32>
        %mul3A_796 = arith.constant 5.000000e-01 : f32
        %mul3A_797 = vector.broadcast %mul3A_796 : f32 to vector<16xf32>
        %mul3A_798 = arith.mulf %mul3A_797, %mul3A_758 : vector<16xf32>
        %sub3A_799 = arith.subf %add3A_795, %mul3A_798 : vector<16xf32>
        %mul3A_800 = arith.constant 0.693147182 : f32
        %mul3A_801 = vector.broadcast %mul3A_800 : f32 to vector<16xf32>
        %mul3A_802 = arith.mulf %convert_element_type3A_754, %mul3A_801 : vector<16xf32>
        %add3A_803 = arith.addf %sub3A_799, %mul3A_802 : vector<16xf32>
        %add3A_804 = arith.addf %max3A_719, %add3A_803 : vector<16xf32>
        %sub3A_805 = arith.subf %mul3A_716, %add3A_804 : vector<16xf32>
        %jit3A_806 = arith.constant 0.000000e+00 : f32
        %broadcast_in_dim3A_807 = vector.broadcast %jit3A_806 : f32 to vector<16xf32>
        %select_n3A_808 = arith.select %and3A_582, %sub3A_805, %broadcast_in_dim3A_807 : vector<16xi1>, vector<16xf32>
        %broadcast_in_dim3A_809 = arith.constant 0.000000e+00 : f32
        %broadcast_in_dim3A_810 = vector.broadcast %broadcast_in_dim3A_809 : f32 to vector<16xf32>
        %add3A_811 = arith.constant 1 : i32
        %add3A_812 = vector.broadcast %add3A_811 : i32 to vector<16xi32>
        %add3A_813 = arith.addi %mul3A_629, %add3A_812 : vector<16xi32>
        %gather3A_814 = tpu.vector_load_idx %arg9[%add3A_813, %add3A_294] : memref<30x176xf32, #tpu.memory_space<vmem>>[vector<16xi32>, vector<16xi32>], vector<16xf32>,
        %sub3A_815 = arith.subf %gather3A_814, %sub3A_131 : vector<16xf32>
        %mul3A_816 = arith.mulf %sub3A_815, %sub3A_815 : vector<16xf32>
        %jit3A_817 = arith.constant 0.000000e+00 : f32
        %broadcast_in_dim3A_818 = vector.broadcast %jit3A_817 : f32 to vector<16xf32>
        %select_n3A_819 = arith.select %and3A_582, %mul3A_816, %broadcast_in_dim3A_818 : vector<16xi1>, vector<16xf32>
        %add3A_820 = arith.addf %broadcast_in_dim3A_810, %select_n3A_819 : vector<16xf32>
        %add3A_821 = arith.constant 2 : i32
        %add3A_822 = vector.broadcast %add3A_821 : i32 to vector<16xi32>
        %add3A_823 = arith.addi %mul3A_629, %add3A_822 : vector<16xi32>
        %gather3A_824 = tpu.vector_load_idx %arg9[%add3A_823, %add3A_294] : memref<30x176xf32, #tpu.memory_space<vmem>>[vector<16xi32>, vector<16xi32>], vector<16xf32>,
        %sub3A_825 = arith.subf %gather3A_824, %sub3A_133 : vector<16xf32>
        %mul3A_826 = arith.mulf %sub3A_825, %sub3A_825 : vector<16xf32>
        %jit3A_827 = arith.constant 0.000000e+00 : f32
        %broadcast_in_dim3A_828 = vector.broadcast %jit3A_827 : f32 to vector<16xf32>
        %select_n3A_829 = arith.select %and3A_582, %mul3A_826, %broadcast_in_dim3A_828 : vector<16xi1>, vector<16xf32>
        %add3A_830 = arith.addf %add3A_820, %select_n3A_829 : vector<16xf32>
        %add3A_831 = arith.constant 3 : i32
        %add3A_832 = vector.broadcast %add3A_831 : i32 to vector<16xi32>
        %add3A_833 = arith.addi %mul3A_629, %add3A_832 : vector<16xi32>
        %gather3A_834 = tpu.vector_load_idx %arg9[%add3A_833, %add3A_294] : memref<30x176xf32, #tpu.memory_space<vmem>>[vector<16xi32>, vector<16xi32>], vector<16xf32>,
        %sub3A_835 = arith.subf %gather3A_834, %add3A_210 : vector<16xf32>
        %mul3A_836 = arith.mulf %sub3A_835, %sub3A_835 : vector<16xf32>
        %jit3A_837 = arith.constant 0.000000e+00 : f32
        %broadcast_in_dim3A_838 = vector.broadcast %jit3A_837 : f32 to vector<16xf32>
        %select_n3A_839 = arith.select %and3A_582, %mul3A_836, %broadcast_in_dim3A_838 : vector<16xi1>, vector<16xf32>
        %add3A_840 = arith.addf %add3A_830, %select_n3A_839 : vector<16xf32>
        %add3A_841 = arith.constant 4 : i32
        %add3A_842 = vector.broadcast %add3A_841 : i32 to vector<16xi32>
        %add3A_843 = arith.addi %mul3A_629, %add3A_842 : vector<16xi32>
        %gather3A_844 = tpu.vector_load_idx %arg9[%add3A_843, %add3A_294] : memref<30x176xf32, #tpu.memory_space<vmem>>[vector<16xi32>, vector<16xi32>], vector<16xf32>,
        %sub3A_845 = arith.subf %gather3A_844, %add3A_290 : vector<16xf32>
        %mul3A_846 = arith.mulf %sub3A_845, %sub3A_845 : vector<16xf32>
        %jit3A_847 = arith.constant 0.000000e+00 : f32
        %broadcast_in_dim3A_848 = vector.broadcast %jit3A_847 : f32 to vector<16xf32>
        %select_n3A_849 = arith.select %and3A_582, %mul3A_846, %broadcast_in_dim3A_848 : vector<16xi1>, vector<16xf32>
        %add3A_850 = arith.addf %add3A_840, %select_n3A_849 : vector<16xf32>
        %broadcast_in_dim3A_851 = arith.constant 0.000000e+00 : f32
        %broadcast_in_dim3A_852 = vector.broadcast %broadcast_in_dim3A_851 : f32 to vector<16xf32>
        %add3A_853 = arith.constant 5 : i32
        %add3A_854 = vector.broadcast %add3A_853 : i32 to vector<16xi32>
        %add3A_855 = arith.addi %mul3A_629, %add3A_854 : vector<16xi32>
        %gather3A_856 = tpu.vector_load_idx %arg9[%add3A_855, %add3A_294] : memref<30x176xf32, #tpu.memory_space<vmem>>[vector<16xi32>, vector<16xi32>], vector<16xf32>,
        %max3A_857 = arith.constant 0.000000e+00 : f32
        %max3A_858 = vector.broadcast %max3A_857 : f32 to vector<16xf32>
        %max3A_859 = arith.maximumf %gather3A_856, %max3A_858 : vector<16xf32>
        %abs3A_860 = math.absf %gather3A_856 : vector<16xf32>
        %neg3A_861 = arith.constant 0.000000e+00 : f32
        %neg3A_862 = vector.broadcast %neg3A_861 : f32 to vector<16xf32>
        %neg3A_863 = arith.subf %neg3A_862, %abs3A_860 : vector<16xf32>
        %exp3A_864 = math.exp %neg3A_863 : vector<16xf32>
        %add3A_865 = arith.constant 1.000000e+00 : f32
        %add3A_866 = vector.broadcast %add3A_865 : f32 to vector<16xf32>
        %add3A_867 = arith.addf %add3A_866, %exp3A_864 : vector<16xf32>
        %bitcast_convert_type3A_868 = tpu.bitcast %add3A_867 : vector<16xf32> -> vector<16xi32>
        %shift_right_arithmetic3A_869 = arith.constant 23 : i32
        %shift_right_arithmetic3A_870 = vector.broadcast %shift_right_arithmetic3A_869 : i32 to vector<16xi32>
        %shift_right_arithmetic3A_871 = arith.shrsi %bitcast_convert_type3A_868, %shift_right_arithmetic3A_870 : vector<16xi32>
        %and3A_872 = arith.constant 255 : i32
        %and3A_873 = vector.broadcast %and3A_872 : i32 to vector<16xi32>
        %and3A_874 = arith.andi %shift_right_arithmetic3A_871, %and3A_873 : vector<16xi32>
        %sub3A_875 = arith.constant 127 : i32
        %sub3A_876 = vector.broadcast %sub3A_875 : i32 to vector<16xi32>
        %sub3A_877 = arith.subi %and3A_874, %sub3A_876 : vector<16xi32>
        %and3A_878 = arith.constant 8388607 : i32
        %and3A_879 = vector.broadcast %and3A_878 : i32 to vector<16xi32>
        %and3A_880 = arith.andi %bitcast_convert_type3A_868, %and3A_879 : vector<16xi32>
        %or3A_881 = arith.constant 1065353216 : i32
        %or3A_882 = vector.broadcast %or3A_881 : i32 to vector<16xi32>
        %or3A_883 = arith.ori %and3A_880, %or3A_882 : vector<16xi32>
        %bitcast_convert_type3A_884 = tpu.bitcast %or3A_883 : vector<16xi32> -> vector<16xf32>
        %gt3A_885 = arith.constant 1.41421354 : f32
        %gt3A_886 = vector.broadcast %gt3A_885 : f32 to vector<16xf32>
        %gt3A_887 = arith.cmpf ogt, %bitcast_convert_type3A_884, %gt3A_886 : vector<16xf32>
        %mul3A_888 = arith.constant 5.000000e-01 : f32
        %mul3A_889 = vector.broadcast %mul3A_888 : f32 to vector<16xf32>
        %mul3A_890 = arith.mulf %bitcast_convert_type3A_884, %mul3A_889 : vector<16xf32>
        %select_n3A_891 = arith.select %gt3A_887, %mul3A_890, %bitcast_convert_type3A_884 : vector<16xi1>, vector<16xf32>
        %convert_element_type3A_892 = arith.extui %gt3A_887 : vector<16xi1> to vector<16xi32>
        %add3A_893 = arith.addi %sub3A_877, %convert_element_type3A_892 : vector<16xi32>
        %convert_element_type3A_894 = arith.sitofp %add3A_893 : vector<16xi32> to vector<16xf32>
        %sub3A_895 = arith.constant 1.000000e+00 : f32
        %sub3A_896 = vector.broadcast %sub3A_895 : f32 to vector<16xf32>
        %sub3A_897 = arith.subf %select_n3A_891, %sub3A_896 : vector<16xf32>
        %mul3A_898 = arith.mulf %sub3A_897, %sub3A_897 : vector<16xf32>
        %broadcast_in_dim3A_899 = arith.constant 0.0703768358 : f32
        %broadcast_in_dim3A_900 = vector.broadcast %broadcast_in_dim3A_899 : f32 to vector<16xf32>
        %mul3A_901 = arith.mulf %broadcast_in_dim3A_900, %sub3A_897 : vector<16xf32>
        %add3A_902 = arith.constant -0.115146101 : f32
        %add3A_903 = vector.broadcast %add3A_902 : f32 to vector<16xf32>
        %add3A_904 = arith.addf %mul3A_901, %add3A_903 : vector<16xf32>
        %mul3A_905 = arith.mulf %add3A_904, %sub3A_897 : vector<16xf32>
        %add3A_906 = arith.constant 0.116769984 : f32
        %add3A_907 = vector.broadcast %add3A_906 : f32 to vector<16xf32>
        %add3A_908 = arith.addf %mul3A_905, %add3A_907 : vector<16xf32>
        %mul3A_909 = arith.mulf %add3A_908, %sub3A_897 : vector<16xf32>
        %add3A_910 = arith.constant -0.12420141 : f32
        %add3A_911 = vector.broadcast %add3A_910 : f32 to vector<16xf32>
        %add3A_912 = arith.addf %mul3A_909, %add3A_911 : vector<16xf32>
        %mul3A_913 = arith.mulf %add3A_912, %sub3A_897 : vector<16xf32>
        %add3A_914 = arith.constant 0.142493233 : f32
        %add3A_915 = vector.broadcast %add3A_914 : f32 to vector<16xf32>
        %add3A_916 = arith.addf %mul3A_913, %add3A_915 : vector<16xf32>
        %mul3A_917 = arith.mulf %add3A_916, %sub3A_897 : vector<16xf32>
        %add3A_918 = arith.constant -0.166680574 : f32
        %add3A_919 = vector.broadcast %add3A_918 : f32 to vector<16xf32>
        %add3A_920 = arith.addf %mul3A_917, %add3A_919 : vector<16xf32>
        %mul3A_921 = arith.mulf %add3A_920, %sub3A_897 : vector<16xf32>
        %add3A_922 = arith.constant 0.200007141 : f32
        %add3A_923 = vector.broadcast %add3A_922 : f32 to vector<16xf32>
        %add3A_924 = arith.addf %mul3A_921, %add3A_923 : vector<16xf32>
        %mul3A_925 = arith.mulf %add3A_924, %sub3A_897 : vector<16xf32>
        %add3A_926 = arith.constant -0.24999994 : f32
        %add3A_927 = vector.broadcast %add3A_926 : f32 to vector<16xf32>
        %add3A_928 = arith.addf %mul3A_925, %add3A_927 : vector<16xf32>
        %mul3A_929 = arith.mulf %add3A_928, %sub3A_897 : vector<16xf32>
        %add3A_930 = arith.constant 0.333333313 : f32
        %add3A_931 = vector.broadcast %add3A_930 : f32 to vector<16xf32>
        %add3A_932 = arith.addf %mul3A_929, %add3A_931 : vector<16xf32>
        %mul3A_933 = arith.mulf %sub3A_897, %mul3A_898 : vector<16xf32>
        %mul3A_934 = arith.mulf %mul3A_933, %add3A_932 : vector<16xf32>
        %add3A_935 = arith.addf %sub3A_897, %mul3A_934 : vector<16xf32>
        %mul3A_936 = arith.constant 5.000000e-01 : f32
        %mul3A_937 = vector.broadcast %mul3A_936 : f32 to vector<16xf32>
        %mul3A_938 = arith.mulf %mul3A_937, %mul3A_898 : vector<16xf32>
        %sub3A_939 = arith.subf %add3A_935, %mul3A_938 : vector<16xf32>
        %mul3A_940 = arith.constant 0.693147182 : f32
        %mul3A_941 = vector.broadcast %mul3A_940 : f32 to vector<16xf32>
        %mul3A_942 = arith.mulf %convert_element_type3A_894, %mul3A_941 : vector<16xf32>
        %add3A_943 = arith.addf %sub3A_939, %mul3A_942 : vector<16xf32>
        %add3A_944 = arith.addf %max3A_859, %add3A_943 : vector<16xf32>
        %jit3A_945 = arith.constant 0.000000e+00 : f32
        %broadcast_in_dim3A_946 = vector.broadcast %jit3A_945 : f32 to vector<16xf32>
        %select_n3A_947 = arith.select %and3A_582, %add3A_944, %broadcast_in_dim3A_946 : vector<16xi1>, vector<16xf32>
        %add3A_948 = arith.addf %broadcast_in_dim3A_852, %select_n3A_947 : vector<16xf32>
        %add3A_949 = arith.constant 6 : i32
        %add3A_950 = vector.broadcast %add3A_949 : i32 to vector<16xi32>
        %add3A_951 = arith.addi %mul3A_629, %add3A_950 : vector<16xi32>
        %gather3A_952 = tpu.vector_load_idx %arg9[%add3A_951, %add3A_294] : memref<30x176xf32, #tpu.memory_space<vmem>>[vector<16xi32>, vector<16xi32>], vector<16xf32>,
        %max3A_953 = arith.constant 0.000000e+00 : f32
        %max3A_954 = vector.broadcast %max3A_953 : f32 to vector<16xf32>
        %max3A_955 = arith.maximumf %gather3A_952, %max3A_954 : vector<16xf32>
        %abs3A_956 = math.absf %gather3A_952 : vector<16xf32>
        %neg3A_957 = arith.constant 0.000000e+00 : f32
        %neg3A_958 = vector.broadcast %neg3A_957 : f32 to vector<16xf32>
        %neg3A_959 = arith.subf %neg3A_958, %abs3A_956 : vector<16xf32>
        %exp3A_960 = math.exp %neg3A_959 : vector<16xf32>
        %add3A_961 = arith.constant 1.000000e+00 : f32
        %add3A_962 = vector.broadcast %add3A_961 : f32 to vector<16xf32>
        %add3A_963 = arith.addf %add3A_962, %exp3A_960 : vector<16xf32>
        %bitcast_convert_type3A_964 = tpu.bitcast %add3A_963 : vector<16xf32> -> vector<16xi32>
        %shift_right_arithmetic3A_965 = arith.constant 23 : i32
        %shift_right_arithmetic3A_966 = vector.broadcast %shift_right_arithmetic3A_965 : i32 to vector<16xi32>
        %shift_right_arithmetic3A_967 = arith.shrsi %bitcast_convert_type3A_964, %shift_right_arithmetic3A_966 : vector<16xi32>
        %and3A_968 = arith.constant 255 : i32
        %and3A_969 = vector.broadcast %and3A_968 : i32 to vector<16xi32>
        %and3A_970 = arith.andi %shift_right_arithmetic3A_967, %and3A_969 : vector<16xi32>
        %sub3A_971 = arith.constant 127 : i32
        %sub3A_972 = vector.broadcast %sub3A_971 : i32 to vector<16xi32>
        %sub3A_973 = arith.subi %and3A_970, %sub3A_972 : vector<16xi32>
        %and3A_974 = arith.constant 8388607 : i32
        %and3A_975 = vector.broadcast %and3A_974 : i32 to vector<16xi32>
        %and3A_976 = arith.andi %bitcast_convert_type3A_964, %and3A_975 : vector<16xi32>
        %or3A_977 = arith.constant 1065353216 : i32
        %or3A_978 = vector.broadcast %or3A_977 : i32 to vector<16xi32>
        %or3A_979 = arith.ori %and3A_976, %or3A_978 : vector<16xi32>
        %bitcast_convert_type3A_980 = tpu.bitcast %or3A_979 : vector<16xi32> -> vector<16xf32>
        %gt3A_981 = arith.constant 1.41421354 : f32
        %gt3A_982 = vector.broadcast %gt3A_981 : f32 to vector<16xf32>
        %gt3A_983 = arith.cmpf ogt, %bitcast_convert_type3A_980, %gt3A_982 : vector<16xf32>
        %mul3A_984 = arith.constant 5.000000e-01 : f32
        %mul3A_985 = vector.broadcast %mul3A_984 : f32 to vector<16xf32>
        %mul3A_986 = arith.mulf %bitcast_convert_type3A_980, %mul3A_985 : vector<16xf32>
        %select_n3A_987 = arith.select %gt3A_983, %mul3A_986, %bitcast_convert_type3A_980 : vector<16xi1>, vector<16xf32>
        %convert_element_type3A_988 = arith.extui %gt3A_983 : vector<16xi1> to vector<16xi32>
        %add3A_989 = arith.addi %sub3A_973, %convert_element_type3A_988 : vector<16xi32>
        %convert_element_type3A_990 = arith.sitofp %add3A_989 : vector<16xi32> to vector<16xf32>
        %sub3A_991 = arith.constant 1.000000e+00 : f32
        %sub3A_992 = vector.broadcast %sub3A_991 : f32 to vector<16xf32>
        %sub3A_993 = arith.subf %select_n3A_987, %sub3A_992 : vector<16xf32>
        %mul3A_994 = arith.mulf %sub3A_993, %sub3A_993 : vector<16xf32>
        %broadcast_in_dim3A_995 = arith.constant 0.0703768358 : f32
        %broadcast_in_dim3A_996 = vector.broadcast %broadcast_in_dim3A_995 : f32 to vector<16xf32>
        %mul3A_997 = arith.mulf %broadcast_in_dim3A_996, %sub3A_993 : vector<16xf32>
        %add3A_998 = arith.constant -0.115146101 : f32
        %add3A_999 = vector.broadcast %add3A_998 : f32 to vector<16xf32>
        %add3A_1000 = arith.addf %mul3A_997, %add3A_999 : vector<16xf32>
        %mul3A_1001 = arith.mulf %add3A_1000, %sub3A_993 : vector<16xf32>
        %add3A_1002 = arith.constant 0.116769984 : f32
        %add3A_1003 = vector.broadcast %add3A_1002 : f32 to vector<16xf32>
        %add3A_1004 = arith.addf %mul3A_1001, %add3A_1003 : vector<16xf32>
        %mul3A_1005 = arith.mulf %add3A_1004, %sub3A_993 : vector<16xf32>
        %add3A_1006 = arith.constant -0.12420141 : f32
        %add3A_1007 = vector.broadcast %add3A_1006 : f32 to vector<16xf32>
        %add3A_1008 = arith.addf %mul3A_1005, %add3A_1007 : vector<16xf32>
        %mul3A_1009 = arith.mulf %add3A_1008, %sub3A_993 : vector<16xf32>
        %add3A_1010 = arith.constant 0.142493233 : f32
        %add3A_1011 = vector.broadcast %add3A_1010 : f32 to vector<16xf32>
        %add3A_1012 = arith.addf %mul3A_1009, %add3A_1011 : vector<16xf32>
        %mul3A_1013 = arith.mulf %add3A_1012, %sub3A_993 : vector<16xf32>
        %add3A_1014 = arith.constant -0.166680574 : f32
        %add3A_1015 = vector.broadcast %add3A_1014 : f32 to vector<16xf32>
        %add3A_1016 = arith.addf %mul3A_1013, %add3A_1015 : vector<16xf32>
        %mul3A_1017 = arith.mulf %add3A_1016, %sub3A_993 : vector<16xf32>
        %add3A_1018 = arith.constant 0.200007141 : f32
        %add3A_1019 = vector.broadcast %add3A_1018 : f32 to vector<16xf32>
        %add3A_1020 = arith.addf %mul3A_1017, %add3A_1019 : vector<16xf32>
        %mul3A_1021 = arith.mulf %add3A_1020, %sub3A_993 : vector<16xf32>
        %add3A_1022 = arith.constant -0.24999994 : f32
        %add3A_1023 = vector.broadcast %add3A_1022 : f32 to vector<16xf32>
        %add3A_1024 = arith.addf %mul3A_1021, %add3A_1023 : vector<16xf32>
        %mul3A_1025 = arith.mulf %add3A_1024, %sub3A_993 : vector<16xf32>
        %add3A_1026 = arith.constant 0.333333313 : f32
        %add3A_1027 = vector.broadcast %add3A_1026 : f32 to vector<16xf32>
        %add3A_1028 = arith.addf %mul3A_1025, %add3A_1027 : vector<16xf32>
        %mul3A_1029 = arith.mulf %sub3A_993, %mul3A_994 : vector<16xf32>
        %mul3A_1030 = arith.mulf %mul3A_1029, %add3A_1028 : vector<16xf32>
        %add3A_1031 = arith.addf %sub3A_993, %mul3A_1030 : vector<16xf32>
        %mul3A_1032 = arith.constant 5.000000e-01 : f32
        %mul3A_1033 = vector.broadcast %mul3A_1032 : f32 to vector<16xf32>
        %mul3A_1034 = arith.mulf %mul3A_1033, %mul3A_994 : vector<16xf32>
        %sub3A_1035 = arith.subf %add3A_1031, %mul3A_1034 : vector<16xf32>
        %mul3A_1036 = arith.constant 0.693147182 : f32
        %mul3A_1037 = vector.broadcast %mul3A_1036 : f32 to vector<16xf32>
        %mul3A_1038 = arith.mulf %convert_element_type3A_990, %mul3A_1037 : vector<16xf32>
        %add3A_1039 = arith.addf %sub3A_1035, %mul3A_1038 : vector<16xf32>
        %add3A_1040 = arith.addf %max3A_955, %add3A_1039 : vector<16xf32>
        %jit3A_1041 = arith.constant 0.000000e+00 : f32
        %broadcast_in_dim3A_1042 = vector.broadcast %jit3A_1041 : f32 to vector<16xf32>
        %select_n3A_1043 = arith.select %and3A_582, %add3A_1040, %broadcast_in_dim3A_1042 : vector<16xi1>, vector<16xf32>
        %add3A_1044 = arith.addf %add3A_948, %select_n3A_1043 : vector<16xf32>
        %add3A_1045 = arith.constant 7 : i32
        %add3A_1046 = vector.broadcast %add3A_1045 : i32 to vector<16xi32>
        %add3A_1047 = arith.addi %mul3A_629, %add3A_1046 : vector<16xi32>
        %gather3A_1048 = tpu.vector_load_idx %arg9[%add3A_1047, %add3A_294] : memref<30x176xf32, #tpu.memory_space<vmem>>[vector<16xi32>, vector<16xi32>], vector<16xf32>,
        %max3A_1049 = arith.constant 0.000000e+00 : f32
        %max3A_1050 = vector.broadcast %max3A_1049 : f32 to vector<16xf32>
        %max3A_1051 = arith.maximumf %gather3A_1048, %max3A_1050 : vector<16xf32>
        %abs3A_1052 = math.absf %gather3A_1048 : vector<16xf32>
        %neg3A_1053 = arith.constant 0.000000e+00 : f32
        %neg3A_1054 = vector.broadcast %neg3A_1053 : f32 to vector<16xf32>
        %neg3A_1055 = arith.subf %neg3A_1054, %abs3A_1052 : vector<16xf32>
        %exp3A_1056 = math.exp %neg3A_1055 : vector<16xf32>
        %add3A_1057 = arith.constant 1.000000e+00 : f32
        %add3A_1058 = vector.broadcast %add3A_1057 : f32 to vector<16xf32>
        %add3A_1059 = arith.addf %add3A_1058, %exp3A_1056 : vector<16xf32>
        %bitcast_convert_type3A_1060 = tpu.bitcast %add3A_1059 : vector<16xf32> -> vector<16xi32>
        %shift_right_arithmetic3A_1061 = arith.constant 23 : i32
        %shift_right_arithmetic3A_1062 = vector.broadcast %shift_right_arithmetic3A_1061 : i32 to vector<16xi32>
        %shift_right_arithmetic3A_1063 = arith.shrsi %bitcast_convert_type3A_1060, %shift_right_arithmetic3A_1062 : vector<16xi32>
        %and3A_1064 = arith.constant 255 : i32
        %and3A_1065 = vector.broadcast %and3A_1064 : i32 to vector<16xi32>
        %and3A_1066 = arith.andi %shift_right_arithmetic3A_1063, %and3A_1065 : vector<16xi32>
        %sub3A_1067 = arith.constant 127 : i32
        %sub3A_1068 = vector.broadcast %sub3A_1067 : i32 to vector<16xi32>
        %sub3A_1069 = arith.subi %and3A_1066, %sub3A_1068 : vector<16xi32>
        %and3A_1070 = arith.constant 8388607 : i32
        %and3A_1071 = vector.broadcast %and3A_1070 : i32 to vector<16xi32>
        %and3A_1072 = arith.andi %bitcast_convert_type3A_1060, %and3A_1071 : vector<16xi32>
        %or3A_1073 = arith.constant 1065353216 : i32
        %or3A_1074 = vector.broadcast %or3A_1073 : i32 to vector<16xi32>
        %or3A_1075 = arith.ori %and3A_1072, %or3A_1074 : vector<16xi32>
        %bitcast_convert_type3A_1076 = tpu.bitcast %or3A_1075 : vector<16xi32> -> vector<16xf32>
        %gt3A_1077 = arith.constant 1.41421354 : f32
        %gt3A_1078 = vector.broadcast %gt3A_1077 : f32 to vector<16xf32>
        %gt3A_1079 = arith.cmpf ogt, %bitcast_convert_type3A_1076, %gt3A_1078 : vector<16xf32>
        %mul3A_1080 = arith.constant 5.000000e-01 : f32
        %mul3A_1081 = vector.broadcast %mul3A_1080 : f32 to vector<16xf32>
        %mul3A_1082 = arith.mulf %bitcast_convert_type3A_1076, %mul3A_1081 : vector<16xf32>
        %select_n3A_1083 = arith.select %gt3A_1079, %mul3A_1082, %bitcast_convert_type3A_1076 : vector<16xi1>, vector<16xf32>
        %convert_element_type3A_1084 = arith.extui %gt3A_1079 : vector<16xi1> to vector<16xi32>
        %add3A_1085 = arith.addi %sub3A_1069, %convert_element_type3A_1084 : vector<16xi32>
        %convert_element_type3A_1086 = arith.sitofp %add3A_1085 : vector<16xi32> to vector<16xf32>
        %sub3A_1087 = arith.constant 1.000000e+00 : f32
        %sub3A_1088 = vector.broadcast %sub3A_1087 : f32 to vector<16xf32>
        %sub3A_1089 = arith.subf %select_n3A_1083, %sub3A_1088 : vector<16xf32>
        %mul3A_1090 = arith.mulf %sub3A_1089, %sub3A_1089 : vector<16xf32>
        %broadcast_in_dim3A_1091 = arith.constant 0.0703768358 : f32
        %broadcast_in_dim3A_1092 = vector.broadcast %broadcast_in_dim3A_1091 : f32 to vector<16xf32>
        %mul3A_1093 = arith.mulf %broadcast_in_dim3A_1092, %sub3A_1089 : vector<16xf32>
        %add3A_1094 = arith.constant -0.115146101 : f32
        %add3A_1095 = vector.broadcast %add3A_1094 : f32 to vector<16xf32>
        %add3A_1096 = arith.addf %mul3A_1093, %add3A_1095 : vector<16xf32>
        %mul3A_1097 = arith.mulf %add3A_1096, %sub3A_1089 : vector<16xf32>
        %add3A_1098 = arith.constant 0.116769984 : f32
        %add3A_1099 = vector.broadcast %add3A_1098 : f32 to vector<16xf32>
        %add3A_1100 = arith.addf %mul3A_1097, %add3A_1099 : vector<16xf32>
        %mul3A_1101 = arith.mulf %add3A_1100, %sub3A_1089 : vector<16xf32>
        %add3A_1102 = arith.constant -0.12420141 : f32
        %add3A_1103 = vector.broadcast %add3A_1102 : f32 to vector<16xf32>
        %add3A_1104 = arith.addf %mul3A_1101, %add3A_1103 : vector<16xf32>
        %mul3A_1105 = arith.mulf %add3A_1104, %sub3A_1089 : vector<16xf32>
        %add3A_1106 = arith.constant 0.142493233 : f32
        %add3A_1107 = vector.broadcast %add3A_1106 : f32 to vector<16xf32>
        %add3A_1108 = arith.addf %mul3A_1105, %add3A_1107 : vector<16xf32>
        %mul3A_1109 = arith.mulf %add3A_1108, %sub3A_1089 : vector<16xf32>
        %add3A_1110 = arith.constant -0.166680574 : f32
        %add3A_1111 = vector.broadcast %add3A_1110 : f32 to vector<16xf32>
        %add3A_1112 = arith.addf %mul3A_1109, %add3A_1111 : vector<16xf32>
        %mul3A_1113 = arith.mulf %add3A_1112, %sub3A_1089 : vector<16xf32>
        %add3A_1114 = arith.constant 0.200007141 : f32
        %add3A_1115 = vector.broadcast %add3A_1114 : f32 to vector<16xf32>
        %add3A_1116 = arith.addf %mul3A_1113, %add3A_1115 : vector<16xf32>
        %mul3A_1117 = arith.mulf %add3A_1116, %sub3A_1089 : vector<16xf32>
        %add3A_1118 = arith.constant -0.24999994 : f32
        %add3A_1119 = vector.broadcast %add3A_1118 : f32 to vector<16xf32>
        %add3A_1120 = arith.addf %mul3A_1117, %add3A_1119 : vector<16xf32>
        %mul3A_1121 = arith.mulf %add3A_1120, %sub3A_1089 : vector<16xf32>
        %add3A_1122 = arith.constant 0.333333313 : f32
        %add3A_1123 = vector.broadcast %add3A_1122 : f32 to vector<16xf32>
        %add3A_1124 = arith.addf %mul3A_1121, %add3A_1123 : vector<16xf32>
        %mul3A_1125 = arith.mulf %sub3A_1089, %mul3A_1090 : vector<16xf32>
        %mul3A_1126 = arith.mulf %mul3A_1125, %add3A_1124 : vector<16xf32>
        %add3A_1127 = arith.addf %sub3A_1089, %mul3A_1126 : vector<16xf32>
        %mul3A_1128 = arith.constant 5.000000e-01 : f32
        %mul3A_1129 = vector.broadcast %mul3A_1128 : f32 to vector<16xf32>
        %mul3A_1130 = arith.mulf %mul3A_1129, %mul3A_1090 : vector<16xf32>
        %sub3A_1131 = arith.subf %add3A_1127, %mul3A_1130 : vector<16xf32>
        %mul3A_1132 = arith.constant 0.693147182 : f32
        %mul3A_1133 = vector.broadcast %mul3A_1132 : f32 to vector<16xf32>
        %mul3A_1134 = arith.mulf %convert_element_type3A_1086, %mul3A_1133 : vector<16xf32>
        %add3A_1135 = arith.addf %sub3A_1131, %mul3A_1134 : vector<16xf32>
        %add3A_1136 = arith.addf %max3A_1051, %add3A_1135 : vector<16xf32>
        %jit3A_1137 = arith.constant 0.000000e+00 : f32
        %broadcast_in_dim3A_1138 = vector.broadcast %jit3A_1137 : f32 to vector<16xf32>
        %select_n3A_1139 = arith.select %and3A_582, %add3A_1136, %broadcast_in_dim3A_1138 : vector<16xi1>, vector<16xf32>
        %add3A_1140 = arith.addf %add3A_1044, %select_n3A_1139 : vector<16xf32>
        %add3A_1141 = arith.constant 8 : i32
        %add3A_1142 = vector.broadcast %add3A_1141 : i32 to vector<16xi32>
        %add3A_1143 = arith.addi %mul3A_629, %add3A_1142 : vector<16xi32>
        %gather3A_1144 = tpu.vector_load_idx %arg9[%add3A_1143, %add3A_294] : memref<30x176xf32, #tpu.memory_space<vmem>>[vector<16xi32>, vector<16xi32>], vector<16xf32>,
        %max3A_1145 = arith.constant 0.000000e+00 : f32
        %max3A_1146 = vector.broadcast %max3A_1145 : f32 to vector<16xf32>
        %max3A_1147 = arith.maximumf %gather3A_1144, %max3A_1146 : vector<16xf32>
        %abs3A_1148 = math.absf %gather3A_1144 : vector<16xf32>
        %neg3A_1149 = arith.constant 0.000000e+00 : f32
        %neg3A_1150 = vector.broadcast %neg3A_1149 : f32 to vector<16xf32>
        %neg3A_1151 = arith.subf %neg3A_1150, %abs3A_1148 : vector<16xf32>
        %exp3A_1152 = math.exp %neg3A_1151 : vector<16xf32>
        %add3A_1153 = arith.constant 1.000000e+00 : f32
        %add3A_1154 = vector.broadcast %add3A_1153 : f32 to vector<16xf32>
        %add3A_1155 = arith.addf %add3A_1154, %exp3A_1152 : vector<16xf32>
        %bitcast_convert_type3A_1156 = tpu.bitcast %add3A_1155 : vector<16xf32> -> vector<16xi32>
        %shift_right_arithmetic3A_1157 = arith.constant 23 : i32
        %shift_right_arithmetic3A_1158 = vector.broadcast %shift_right_arithmetic3A_1157 : i32 to vector<16xi32>
        %shift_right_arithmetic3A_1159 = arith.shrsi %bitcast_convert_type3A_1156, %shift_right_arithmetic3A_1158 : vector<16xi32>
        %and3A_1160 = arith.constant 255 : i32
        %and3A_1161 = vector.broadcast %and3A_1160 : i32 to vector<16xi32>
        %and3A_1162 = arith.andi %shift_right_arithmetic3A_1159, %and3A_1161 : vector<16xi32>
        %sub3A_1163 = arith.constant 127 : i32
        %sub3A_1164 = vector.broadcast %sub3A_1163 : i32 to vector<16xi32>
        %sub3A_1165 = arith.subi %and3A_1162, %sub3A_1164 : vector<16xi32>
        %and3A_1166 = arith.constant 8388607 : i32
        %and3A_1167 = vector.broadcast %and3A_1166 : i32 to vector<16xi32>
        %and3A_1168 = arith.andi %bitcast_convert_type3A_1156, %and3A_1167 : vector<16xi32>
        %or3A_1169 = arith.constant 1065353216 : i32
        %or3A_1170 = vector.broadcast %or3A_1169 : i32 to vector<16xi32>
        %or3A_1171 = arith.ori %and3A_1168, %or3A_1170 : vector<16xi32>
        %bitcast_convert_type3A_1172 = tpu.bitcast %or3A_1171 : vector<16xi32> -> vector<16xf32>
        %gt3A_1173 = arith.constant 1.41421354 : f32
        %gt3A_1174 = vector.broadcast %gt3A_1173 : f32 to vector<16xf32>
        %gt3A_1175 = arith.cmpf ogt, %bitcast_convert_type3A_1172, %gt3A_1174 : vector<16xf32>
        %mul3A_1176 = arith.constant 5.000000e-01 : f32
        %mul3A_1177 = vector.broadcast %mul3A_1176 : f32 to vector<16xf32>
        %mul3A_1178 = arith.mulf %bitcast_convert_type3A_1172, %mul3A_1177 : vector<16xf32>
        %select_n3A_1179 = arith.select %gt3A_1175, %mul3A_1178, %bitcast_convert_type3A_1172 : vector<16xi1>, vector<16xf32>
        %convert_element_type3A_1180 = arith.extui %gt3A_1175 : vector<16xi1> to vector<16xi32>
        %add3A_1181 = arith.addi %sub3A_1165, %convert_element_type3A_1180 : vector<16xi32>
        %convert_element_type3A_1182 = arith.sitofp %add3A_1181 : vector<16xi32> to vector<16xf32>
        %sub3A_1183 = arith.constant 1.000000e+00 : f32
        %sub3A_1184 = vector.broadcast %sub3A_1183 : f32 to vector<16xf32>
        %sub3A_1185 = arith.subf %select_n3A_1179, %sub3A_1184 : vector<16xf32>
        %mul3A_1186 = arith.mulf %sub3A_1185, %sub3A_1185 : vector<16xf32>
        %broadcast_in_dim3A_1187 = arith.constant 0.0703768358 : f32
        %broadcast_in_dim3A_1188 = vector.broadcast %broadcast_in_dim3A_1187 : f32 to vector<16xf32>
        %mul3A_1189 = arith.mulf %broadcast_in_dim3A_1188, %sub3A_1185 : vector<16xf32>
        %add3A_1190 = arith.constant -0.115146101 : f32
        %add3A_1191 = vector.broadcast %add3A_1190 : f32 to vector<16xf32>
        %add3A_1192 = arith.addf %mul3A_1189, %add3A_1191 : vector<16xf32>
        %mul3A_1193 = arith.mulf %add3A_1192, %sub3A_1185 : vector<16xf32>
        %add3A_1194 = arith.constant 0.116769984 : f32
        %add3A_1195 = vector.broadcast %add3A_1194 : f32 to vector<16xf32>
        %add3A_1196 = arith.addf %mul3A_1193, %add3A_1195 : vector<16xf32>
        %mul3A_1197 = arith.mulf %add3A_1196, %sub3A_1185 : vector<16xf32>
        %add3A_1198 = arith.constant -0.12420141 : f32
        %add3A_1199 = vector.broadcast %add3A_1198 : f32 to vector<16xf32>
        %add3A_1200 = arith.addf %mul3A_1197, %add3A_1199 : vector<16xf32>
        %mul3A_1201 = arith.mulf %add3A_1200, %sub3A_1185 : vector<16xf32>
        %add3A_1202 = arith.constant 0.142493233 : f32
        %add3A_1203 = vector.broadcast %add3A_1202 : f32 to vector<16xf32>
        %add3A_1204 = arith.addf %mul3A_1201, %add3A_1203 : vector<16xf32>
        %mul3A_1205 = arith.mulf %add3A_1204, %sub3A_1185 : vector<16xf32>
        %add3A_1206 = arith.constant -0.166680574 : f32
        %add3A_1207 = vector.broadcast %add3A_1206 : f32 to vector<16xf32>
        %add3A_1208 = arith.addf %mul3A_1205, %add3A_1207 : vector<16xf32>
        %mul3A_1209 = arith.mulf %add3A_1208, %sub3A_1185 : vector<16xf32>
        %add3A_1210 = arith.constant 0.200007141 : f32
        %add3A_1211 = vector.broadcast %add3A_1210 : f32 to vector<16xf32>
        %add3A_1212 = arith.addf %mul3A_1209, %add3A_1211 : vector<16xf32>
        %mul3A_1213 = arith.mulf %add3A_1212, %sub3A_1185 : vector<16xf32>
        %add3A_1214 = arith.constant -0.24999994 : f32
        %add3A_1215 = vector.broadcast %add3A_1214 : f32 to vector<16xf32>
        %add3A_1216 = arith.addf %mul3A_1213, %add3A_1215 : vector<16xf32>
        %mul3A_1217 = arith.mulf %add3A_1216, %sub3A_1185 : vector<16xf32>
        %add3A_1218 = arith.constant 0.333333313 : f32
        %add3A_1219 = vector.broadcast %add3A_1218 : f32 to vector<16xf32>
        %add3A_1220 = arith.addf %mul3A_1217, %add3A_1219 : vector<16xf32>
        %mul3A_1221 = arith.mulf %sub3A_1185, %mul3A_1186 : vector<16xf32>
        %mul3A_1222 = arith.mulf %mul3A_1221, %add3A_1220 : vector<16xf32>
        %add3A_1223 = arith.addf %sub3A_1185, %mul3A_1222 : vector<16xf32>
        %mul3A_1224 = arith.constant 5.000000e-01 : f32
        %mul3A_1225 = vector.broadcast %mul3A_1224 : f32 to vector<16xf32>
        %mul3A_1226 = arith.mulf %mul3A_1225, %mul3A_1186 : vector<16xf32>
        %sub3A_1227 = arith.subf %add3A_1223, %mul3A_1226 : vector<16xf32>
        %mul3A_1228 = arith.constant 0.693147182 : f32
        %mul3A_1229 = vector.broadcast %mul3A_1228 : f32 to vector<16xf32>
        %mul3A_1230 = arith.mulf %convert_element_type3A_1182, %mul3A_1229 : vector<16xf32>
        %add3A_1231 = arith.addf %sub3A_1227, %mul3A_1230 : vector<16xf32>
        %add3A_1232 = arith.addf %max3A_1147, %add3A_1231 : vector<16xf32>
        %jit3A_1233 = arith.constant 0.000000e+00 : f32
        %broadcast_in_dim3A_1234 = vector.broadcast %jit3A_1233 : f32 to vector<16xf32>
        %select_n3A_1235 = arith.select %and3A_582, %add3A_1232, %broadcast_in_dim3A_1234 : vector<16xi1>, vector<16xf32>
        %add3A_1236 = arith.addf %add3A_1140, %select_n3A_1235 : vector<16xf32>
        %add3A_1237 = arith.constant 9 : i32
        %add3A_1238 = vector.broadcast %add3A_1237 : i32 to vector<16xi32>
        %add3A_1239 = arith.addi %mul3A_629, %add3A_1238 : vector<16xi32>
        %gather3A_1240 = tpu.vector_load_idx %arg9[%add3A_1239, %add3A_294] : memref<30x176xf32, #tpu.memory_space<vmem>>[vector<16xi32>, vector<16xi32>], vector<16xf32>,
        %max3A_1241 = arith.constant 0.000000e+00 : f32
        %max3A_1242 = vector.broadcast %max3A_1241 : f32 to vector<16xf32>
        %max3A_1243 = arith.maximumf %gather3A_1240, %max3A_1242 : vector<16xf32>
        %abs3A_1244 = math.absf %gather3A_1240 : vector<16xf32>
        %neg3A_1245 = arith.constant 0.000000e+00 : f32
        %neg3A_1246 = vector.broadcast %neg3A_1245 : f32 to vector<16xf32>
        %neg3A_1247 = arith.subf %neg3A_1246, %abs3A_1244 : vector<16xf32>
        %exp3A_1248 = math.exp %neg3A_1247 : vector<16xf32>
        %add3A_1249 = arith.constant 1.000000e+00 : f32
        %add3A_1250 = vector.broadcast %add3A_1249 : f32 to vector<16xf32>
        %add3A_1251 = arith.addf %add3A_1250, %exp3A_1248 : vector<16xf32>
        %bitcast_convert_type3A_1252 = tpu.bitcast %add3A_1251 : vector<16xf32> -> vector<16xi32>
        %shift_right_arithmetic3A_1253 = arith.constant 23 : i32
        %shift_right_arithmetic3A_1254 = vector.broadcast %shift_right_arithmetic3A_1253 : i32 to vector<16xi32>
        %shift_right_arithmetic3A_1255 = arith.shrsi %bitcast_convert_type3A_1252, %shift_right_arithmetic3A_1254 : vector<16xi32>
        %and3A_1256 = arith.constant 255 : i32
        %and3A_1257 = vector.broadcast %and3A_1256 : i32 to vector<16xi32>
        %and3A_1258 = arith.andi %shift_right_arithmetic3A_1255, %and3A_1257 : vector<16xi32>
        %sub3A_1259 = arith.constant 127 : i32
        %sub3A_1260 = vector.broadcast %sub3A_1259 : i32 to vector<16xi32>
        %sub3A_1261 = arith.subi %and3A_1258, %sub3A_1260 : vector<16xi32>
        %and3A_1262 = arith.constant 8388607 : i32
        %and3A_1263 = vector.broadcast %and3A_1262 : i32 to vector<16xi32>
        %and3A_1264 = arith.andi %bitcast_convert_type3A_1252, %and3A_1263 : vector<16xi32>
        %or3A_1265 = arith.constant 1065353216 : i32
        %or3A_1266 = vector.broadcast %or3A_1265 : i32 to vector<16xi32>
        %or3A_1267 = arith.ori %and3A_1264, %or3A_1266 : vector<16xi32>
        %bitcast_convert_type3A_1268 = tpu.bitcast %or3A_1267 : vector<16xi32> -> vector<16xf32>
        %gt3A_1269 = arith.constant 1.41421354 : f32
        %gt3A_1270 = vector.broadcast %gt3A_1269 : f32 to vector<16xf32>
        %gt3A_1271 = arith.cmpf ogt, %bitcast_convert_type3A_1268, %gt3A_1270 : vector<16xf32>
        %mul3A_1272 = arith.constant 5.000000e-01 : f32
        %mul3A_1273 = vector.broadcast %mul3A_1272 : f32 to vector<16xf32>
        %mul3A_1274 = arith.mulf %bitcast_convert_type3A_1268, %mul3A_1273 : vector<16xf32>
        %select_n3A_1275 = arith.select %gt3A_1271, %mul3A_1274, %bitcast_convert_type3A_1268 : vector<16xi1>, vector<16xf32>
        %convert_element_type3A_1276 = arith.extui %gt3A_1271 : vector<16xi1> to vector<16xi32>
        %add3A_1277 = arith.addi %sub3A_1261, %convert_element_type3A_1276 : vector<16xi32>
        %convert_element_type3A_1278 = arith.sitofp %add3A_1277 : vector<16xi32> to vector<16xf32>
        %sub3A_1279 = arith.constant 1.000000e+00 : f32
        %sub3A_1280 = vector.broadcast %sub3A_1279 : f32 to vector<16xf32>
        %sub3A_1281 = arith.subf %select_n3A_1275, %sub3A_1280 : vector<16xf32>
        %mul3A_1282 = arith.mulf %sub3A_1281, %sub3A_1281 : vector<16xf32>
        %broadcast_in_dim3A_1283 = arith.constant 0.0703768358 : f32
        %broadcast_in_dim3A_1284 = vector.broadcast %broadcast_in_dim3A_1283 : f32 to vector<16xf32>
        %mul3A_1285 = arith.mulf %broadcast_in_dim3A_1284, %sub3A_1281 : vector<16xf32>
        %add3A_1286 = arith.constant -0.115146101 : f32
        %add3A_1287 = vector.broadcast %add3A_1286 : f32 to vector<16xf32>
        %add3A_1288 = arith.addf %mul3A_1285, %add3A_1287 : vector<16xf32>
        %mul3A_1289 = arith.mulf %add3A_1288, %sub3A_1281 : vector<16xf32>
        %add3A_1290 = arith.constant 0.116769984 : f32
        %add3A_1291 = vector.broadcast %add3A_1290 : f32 to vector<16xf32>
        %add3A_1292 = arith.addf %mul3A_1289, %add3A_1291 : vector<16xf32>
        %mul3A_1293 = arith.mulf %add3A_1292, %sub3A_1281 : vector<16xf32>
        %add3A_1294 = arith.constant -0.12420141 : f32
        %add3A_1295 = vector.broadcast %add3A_1294 : f32 to vector<16xf32>
        %add3A_1296 = arith.addf %mul3A_1293, %add3A_1295 : vector<16xf32>
        %mul3A_1297 = arith.mulf %add3A_1296, %sub3A_1281 : vector<16xf32>
        %add3A_1298 = arith.constant 0.142493233 : f32
        %add3A_1299 = vector.broadcast %add3A_1298 : f32 to vector<16xf32>
        %add3A_1300 = arith.addf %mul3A_1297, %add3A_1299 : vector<16xf32>
        %mul3A_1301 = arith.mulf %add3A_1300, %sub3A_1281 : vector<16xf32>
        %add3A_1302 = arith.constant -0.166680574 : f32
        %add3A_1303 = vector.broadcast %add3A_1302 : f32 to vector<16xf32>
        %add3A_1304 = arith.addf %mul3A_1301, %add3A_1303 : vector<16xf32>
        %mul3A_1305 = arith.mulf %add3A_1304, %sub3A_1281 : vector<16xf32>
        %add3A_1306 = arith.constant 0.200007141 : f32
        %add3A_1307 = vector.broadcast %add3A_1306 : f32 to vector<16xf32>
        %add3A_1308 = arith.addf %mul3A_1305, %add3A_1307 : vector<16xf32>
        %mul3A_1309 = arith.mulf %add3A_1308, %sub3A_1281 : vector<16xf32>
        %add3A_1310 = arith.constant -0.24999994 : f32
        %add3A_1311 = vector.broadcast %add3A_1310 : f32 to vector<16xf32>
        %add3A_1312 = arith.addf %mul3A_1309, %add3A_1311 : vector<16xf32>
        %mul3A_1313 = arith.mulf %add3A_1312, %sub3A_1281 : vector<16xf32>
        %add3A_1314 = arith.constant 0.333333313 : f32
        %add3A_1315 = vector.broadcast %add3A_1314 : f32 to vector<16xf32>
        %add3A_1316 = arith.addf %mul3A_1313, %add3A_1315 : vector<16xf32>
        %mul3A_1317 = arith.mulf %sub3A_1281, %mul3A_1282 : vector<16xf32>
        %mul3A_1318 = arith.mulf %mul3A_1317, %add3A_1316 : vector<16xf32>
        %add3A_1319 = arith.addf %sub3A_1281, %mul3A_1318 : vector<16xf32>
        %mul3A_1320 = arith.constant 5.000000e-01 : f32
        %mul3A_1321 = vector.broadcast %mul3A_1320 : f32 to vector<16xf32>
        %mul3A_1322 = arith.mulf %mul3A_1321, %mul3A_1282 : vector<16xf32>
        %sub3A_1323 = arith.subf %add3A_1319, %mul3A_1322 : vector<16xf32>
        %mul3A_1324 = arith.constant 0.693147182 : f32
        %mul3A_1325 = vector.broadcast %mul3A_1324 : f32 to vector<16xf32>
        %mul3A_1326 = arith.mulf %convert_element_type3A_1278, %mul3A_1325 : vector<16xf32>
        %add3A_1327 = arith.addf %sub3A_1323, %mul3A_1326 : vector<16xf32>
        %add3A_1328 = arith.addf %max3A_1243, %add3A_1327 : vector<16xf32>
        %jit3A_1329 = arith.constant 0.000000e+00 : f32
        %broadcast_in_dim3A_1330 = vector.broadcast %jit3A_1329 : f32 to vector<16xf32>
        %select_n3A_1331 = arith.select %and3A_582, %add3A_1328, %broadcast_in_dim3A_1330 : vector<16xi1>, vector<16xf32>
        %add3A_1332 = arith.addf %add3A_1236, %select_n3A_1331 : vector<16xf32>
        %add3A_1333 = arith.constant 5 : i32
        %add3A_1334 = vector.broadcast %add3A_1333 : i32 to vector<16xi32>
        %add3A_1335 = arith.addi %mul3A_629, %add3A_1334 : vector<16xi32>
        %max3A_1336 = arith.constant 0 : i32
        %max3A_1337 = vector.broadcast %max3A_1336 : i32 to vector<16xi32>
        %max3A_1338 = arith.maxsi %get3A_23, %max3A_1337 : vector<16xi32>
        %min3A_1339 = arith.constant 4 : i32
        %min3A_1340 = vector.broadcast %min3A_1339 : i32 to vector<16xi32>
        %min3A_1341 = arith.minsi %max3A_1338, %min3A_1340 : vector<16xi32>
        %add3A_1342 = arith.addi %add3A_1335, %min3A_1341 : vector<16xi32>
        %gather3A_1343 = tpu.vector_load_idx %arg9[%add3A_1342, %add3A_294] : memref<30x176xf32, #tpu.memory_space<vmem>>[vector<16xi32>, vector<16xi32>], vector<16xf32>,
        %jit3A_1344 = arith.constant 0.000000e+00 : f32
        %broadcast_in_dim3A_1345 = vector.broadcast %jit3A_1344 : f32 to vector<16xf32>
        %select_n3A_1346 = arith.select %and3A_585, %gather3A_1343, %broadcast_in_dim3A_1345 : vector<16xi1>, vector<16xf32>
        %gt3A_1347 = arith.constant 0.000000e+00 : f32
        %gt3A_1348 = vector.broadcast %gt3A_1347 : f32 to vector<16xf32>
        %gt3A_1349 = arith.cmpf ogt, %broadcast_in_dim3A_591, %gt3A_1348 : vector<16xf32>
        %mul3A_1350 = arith.constant 4.000000e+00 : f32
        %mul3A_1351 = vector.broadcast %mul3A_1350 : f32 to vector<16xf32>
        %mul3A_1352 = arith.mulf %mul3A_1351, %broadcast_in_dim3A_591 : vector<16xf32>
        %add3A_1353 = arith.constant 1.000000e-30 : f32
        %add3A_1354 = vector.broadcast %add3A_1353 : f32 to vector<16xf32>
        %add3A_1355 = arith.addf %mul3A_1352, %add3A_1354 : vector<16xf32>
        %div3A_1356 = arith.constant 5.000000e+00 : f32
        %div3A_1357 = vector.broadcast %div3A_1356 : f32 to vector<16xf32>
        %div3A_1358 = arith.divf %div3A_1357, %add3A_1355 : vector<16xf32>
        %jit3A_1359 = arith.constant 0.000000e+00 : f32
        %broadcast_in_dim3A_1360 = vector.broadcast %jit3A_1359 : f32 to vector<16xf32>
        %select_n3A_1361 = arith.select %gt3A_1349, %div3A_1358, %broadcast_in_dim3A_1360 : vector<16xi1>, vector<16xf32>
        %mul3A_1362 = arith.constant 5.000000e+00 : f32
        %mul3A_1363 = vector.broadcast %mul3A_1362 : f32 to vector<16xf32>
        %mul3A_1364 = arith.mulf %mul3A_1363, %broadcast_in_dim3A_591 : vector<16xf32>
        %add3A_1365 = arith.constant 1.000000e-30 : f32
        %add3A_1366 = vector.broadcast %add3A_1365 : f32 to vector<16xf32>
        %add3A_1367 = arith.addf %mul3A_1364, %add3A_1366 : vector<16xf32>
        %div3A_1368 = arith.constant 2.000000e+00 : f32
        %div3A_1369 = vector.broadcast %div3A_1368 : f32 to vector<16xf32>
        %div3A_1370 = arith.divf %div3A_1369, %add3A_1367 : vector<16xf32>
        %jit3A_1371 = arith.constant 0.000000e+00 : f32
        %broadcast_in_dim3A_1372 = vector.broadcast %jit3A_1371 : f32 to vector<16xf32>
        %select_n3A_1373 = arith.select %gt3A_1349, %div3A_1370, %broadcast_in_dim3A_1372 : vector<16xi1>, vector<16xf32>
        %sub3A_1374 = arith.subf %scan3A_617, %select_n3A_626 : vector<16xf32>
        %add3A_1375 = arith.addf %sub3A_1374, %select_n3A_808 : vector<16xf32>
        %mul3A_1376 = arith.constant 0.00394477323 : f32
        %mul3A_1377 = vector.broadcast %mul3A_1376 : f32 to vector<16xf32>
        %mul3A_1378 = arith.mulf %add3A_1375, %mul3A_1377 : vector<16xf32>
        %mul3A_1379 = arith.mulf %add3A_850, %select_n3A_1361 : vector<16xf32>
        %add3A_1380 = arith.addf %mul3A_1378, %mul3A_1379 : vector<16xf32>
        %sub3A_1381 = arith.subf %add3A_1332, %select_n3A_1346 : vector<16xf32>
        %mul3A_1382 = arith.mulf %sub3A_1381, %select_n3A_1373 : vector<16xf32>
        %add3A_1383 = arith.addf %add3A_1380, %mul3A_1382 : vector<16xf32>
        %add3A_1384 = arith.addf %scan3A_12, %add3A_1383 : vector<16xf32>
        scf.yield %add3A_1384 : vector<16xf32>
      }
      %scan3A_7 = arith.constant 4 : i32
      %mul3A = arith.constant 1.562500e-02 : f32
      %mul3A_8 = vector.broadcast %mul3A : f32 to vector<16xf32>
      %mul3A_9 = arith.mulf %scan3A_6, %mul3A_8 : vector<16xf32>
      %swap3A = arith.constant 0 : index
      %swap3A_10 = tpu.vector_load %arg15[%swap3A] {strides = array<i32>} : memref<16xf32, #tpu.memory_space<vmem>>, vector<16xf32>,
      tpu.vector_store %arg15[%swap3A], %mul3A_9 {strides = array<i32>} : memref<16xf32, #tpu.memory_space<vmem>>, vector<16xf32>,
      "tpu.region"() ({
        %run_scoped3A = tpu.sem_alloc : memref<!tpu.dma_semaphore, #tpu.memory_space<semaphore_mem>>
        %dma_start3A = arith.constant 0 : i32
        %dma_start3A_11 = tpu.memref_slice %arg8[%arg1, %dma_start3A] : memref<16x16xf32, #tpu.memory_space<hbm>> -> memref<1x16xf32, #tpu.memory_space<hbm>>
        %dma_start3A_12 = tpu.memref_squeeze %dma_start3A_11 : memref<1x16xf32, #tpu.memory_space<hbm>> -> memref<16xf32, #tpu.memory_space<hbm>>
        %dma_start3A_13 = arith.constant 0 : i32
        %dma_start3A_14 = tpu.memref_slice %arg8[%arg1, %dma_start3A_13] : memref<16x16xf32, #tpu.memory_space<hbm>> -> memref<1x16xf32, #tpu.memory_space<hbm>>
        %dma_start3A_15 = tpu.memref_squeeze %dma_start3A_14 : memref<1x16xf32, #tpu.memory_space<hbm>> -> memref<16xf32, #tpu.memory_space<hbm>>
        tpu.enqueue_dma source(%arg15 : memref<16xf32, #tpu.memory_space<vmem>>) target(%dma_start3A_15 : memref<16xf32, #tpu.memory_space<hbm>>) target_semaphore(%run_scoped3A : memref<!tpu.dma_semaphore, #tpu.memory_space<semaphore_mem>>)
        %dma_wait3A = arith.constant 0 : i32
        %dma_wait3A_16 = tpu.memref_slice %arg8[%arg1, %dma_wait3A] : memref<16x16xf32, #tpu.memory_space<hbm>> -> memref<1x16xf32, #tpu.memory_space<hbm>>
        %dma_wait3A_17 = tpu.memref_squeeze %dma_wait3A_16 : memref<1x16xf32, #tpu.memory_space<hbm>> -> memref<16xf32, #tpu.memory_space<hbm>>
        %dma_wait3A_18 = arith.constant 0 : i32
        %dma_wait3A_19 = tpu.memref_slice %arg8[%arg1, %dma_wait3A_18] : memref<16x16xf32, #tpu.memory_space<hbm>> -> memref<1x16xf32, #tpu.memory_space<hbm>>
        %dma_wait3A_20 = tpu.memref_squeeze %dma_wait3A_19 : memref<1x16xf32, #tpu.memory_space<hbm>> -> memref<16xf32, #tpu.memory_space<hbm>>
        tpu.wait_dma2 semaphore(%run_scoped3A : memref<!tpu.dma_semaphore, #tpu.memory_space<semaphore_mem>>) src(%arg15 : memref<16xf32, #tpu.memory_space<vmem>>) dst(%dma_wait3A_20 : memref<16xf32, #tpu.memory_space<hbm>>)
        tpu.yield
      }) : () -> ()
    } else {
    }
    return
  }
}

</mosaic_0001>

<sc_bundles>
// kernel: kernel.4.cloned.1.call-start
scs
__scs_entry_jumppad:
0x0: {  	(pc) =	sbr.rel $0x88, $3  }
0x1: {  	(tag) =	ssettag $0x0;
	lr =	simm.s32 $0x1  }
0x2: {  	[smem:$0x3F9E] =	sst lr;
	_ =	strace $0xD0000000  }
0x3: {  	_ = 	snop  }
0x4: {  	_ = 	snop  }
0x5: {  	_ = 	snop  }
0x6: {  	_ = 	snop  }
0x7: {  	_ = 	snop  }
__scs_overlays_trampoline_lowered:
0x8: {  	[smem:$0x3FAD] =	sst s0  }
0x9: {  	[smem:$0x3FAE] =	sst s1  }
0xa: {  	[smem:$0x3FAF] =	sst s2  }
0xb: {  	[smem:$0x3FB0] =	sst s3  }
0xc: {  	[smem:$0x3FB1] =	sst s4  }
0xd: {  	[smem:$0x3FB2] =	sst s5  }
0xe: {  	[smem:$0x3FB3] =	sst s6  }
0xf: {  	[smem:$0x3FB4] =	sst s7  }
0x10: {  	[smem:$0x3FB5] =	sst s8  }
0x11: {  	[smem:$0x3FB6] =	sst s9;
	s0 =	simm.s32 @!p0 $0x0  }
0x12: {  	s1 =	sld [smem:$0x3F9C];
	s0 =	simm.s32 @p0 $0x1  }
0x13: {  	[smem:$0x3FB7] =	sst s0;
	s0 =	simm.s32 @!p1 $0x0  }
0x14: {  	s2 =	sld [smem:$0x3F9B];
	s0 =	simm.s32 @p1 $0x1  }
0x15: {  	[smem:$0x3FB8] =	sst s0;
	s0 =	simm.s32 @!p2 $0x0  }
0x16: {  	s3 =	sld [smem:$0x3FDB];
	s0 =	simm.s32 @p2 $0x1  }
0x17: {  	s4 =	simm.s32 $0x1BF5;
	[smem:$0x3FBA] =	sst s0  }
0x18: {  	s0 =	sld [smem:$0x3F9D];
	_ =	swait.ge [sflag:s4], $0x0  }
0x19: {  	s7 =	sld [smem:$0x3F9E]  }
0x1a: {  	s8 =	sadd.s32 $0xFFFFE003, lr  }
0x1b: {  	s9 =	sadd.s32 $0xFFFFFEF7, lr;
	s5 =	simm.s32 $0xFFFFFFFF;
	p2 =	slt.u32 s8, $0xFFFFF086  }
0x1c: {  	p1 =	slt.u32 s9, $0xF7A;
	s5 =	simm.s32 @!p2 $0x0  }
0x1d: {  	s5 =	simm.s32 @p1 $0x1;
	p0 =	seq.s32 s7, s2  }
0x1e: {  	s7 =	smul.u32 @!p0 $0xF7A, s2;
	p2 =	seq.s32 @!p0 s5, $0x0  }
0x1f: {  	s9 =	smul.u32 $0xF7A, s1;
	s8 =	simm.s32 @!p0 $0x1BF5;
	p2 =	por !p2, p0  }
0x20: {  	[sflag:s8] =	ssyncset.s32 @!p0 $0xFFFFF086;
	s6 =	sadd.s32 @!p0 s3, s7;
	s7 =	simm.s32 @!p0 $0x108  }
0x21: {  	s3 =	sadd.s32 s3, s9;
	s6 =	sadd.s32 @!p0 $0x88, s6;
	s7 =	simm.s32 @p2 $0x1082  }
0x22: {  	[simem:s7], [sflag:s8] =	dma.local @!p0 [hbm:s6], $0xF7A  }
0x23: {  	s9 =	sor.u32 $0xD0000000, s2;
	s6 =	simm.s32 $0x108;
	_ =	swait.ge @!p0 [sflag:s8], $0x0  }
0x24: {  	s3 =	sadd.s32 $0x88, s3;
	s6 =	simm.s32 @!p1 $0x1082;
	[sflag:s4] =	ssyncset.s32 $0xFFFFF086  }
0x25: {  	[simem:s6], [sflag:s4] =	dma.local [hbm:s3], $0xF7A  }
0x26: {  	[smem:$0x3F9E] =	sst s1;
	(tag) =	ssettag s2;
	_ =	strace s9  }
0x27: {  	s1 =	sld [smem:$0x3FAE]  }
0x28: {  	s2 =	sld [smem:$0x3FAF]  }
0x29: {  	s4 =	sld [smem:$0x3FB1]  }
0x2a: {  	p0 =	seq.s32 s5, $0x0;
	s5 =	sld [smem:$0x3FB2]  }
0x2b: {  	s6 =	sld [smem:$0x3FB3]  }
0x2c: {  	s7 =	sld [smem:$0x3FB4]  }
0x2d: {  	s3 =	simm.s32 $0x108;
	s8 =	sld [smem:$0x3FB5]  }
0x2e: {  	s3 =	simm.s32 @!p0 $0x1082;
	s9 =	sld [smem:$0x3FB6]  }
0x2f: {  	lr =	sadd.s32 s0, s3;
	s0 =	sld [smem:$0x3FAD]  }
0x30: {  	s3 =	sld [smem:$0x3FB0]  }
0x31: {  	[smem:$0x3FB9] =	sst s10  }
0x32: {  	s10 =	sld [smem:$0x3FB7];
	_ =	sdelay $0x3  }
0x33: {  	p0 =	seq.s32 s10, $0x1;
	s10 =	sld [smem:$0x3FB9];
	_ =	sdelay $0x3  }
0x34: {  	[smem:$0x3FB9] =	sst s10  }
0x35: {  	s10 =	sld [smem:$0x3FB8];
	_ =	sdelay $0x3  }
0x36: {  	p1 =	seq.s32 s10, $0x1;
	s10 =	sld [smem:$0x3FB9];
	_ =	sdelay $0x3  }
0x37: {  	[smem:$0x3FB9] =	sst s10  }
0x38: {  	s10 =	sld [smem:$0x3FBA]  }
0x39: {  	_ = 	snop;
	(pc) =	sbr.ind lr, $3  }
0x3a: {  	_ = 	snop  }
0x3b: {  	_ = 	snop  }
0x3c: {  	p2 =	seq.s32 s10, $0x1;
	s10 =	sld [smem:$0x3FB9]  }
0x3d: {  	_ =	shalt  }
0x3e: {  	_ =	shalt  }
0x3f: {  	_ =	shalt  }
0x40: {  	_ =	shalt  }
0x41: {  	_ =	shalt  }
0x42: {  	_ =	shalt  }
0x43: {  	_ =	shalt  }
0x44: {  	_ =	shalt  }
0x45: {  	_ =	shalt  }
0x46: {  	_ =	shalt  }
0x47: {  	_ =	shalt  }
0x48: {  	_ =	shalt  }
0x49: {  	_ =	shalt  }
0x4a: {  	_ =	shalt  }
0x4b: {  	_ =	shalt  }
0x4c: {  	_ =	shalt  }
0x4d: {  	_ =	shalt  }
0x4e: {  	_ =	shalt  }
0x4f: {  	_ =	shalt  }
0x50: {  	_ =	shalt  }
0x51: {  	_ =	shalt  }
0x52: {  	_ =	shalt  }
0x53: {  	_ =	shalt  }
0x54: {  	_ =	shalt  }
0x55: {  	_ =	shalt  }
0x56: {  	_ =	shalt  }
0x57: {  	_ =	shalt  }
0x58: {  	_ =	shalt  }
0x59: {  	_ =	shalt  }
0x5a: {  	_ =	shalt  }
0x5b: {  	_ =	shalt  }
0x5c: {  	_ =	shalt  }
0x5d: {  	_ =	shalt  }
0x5e: {  	_ =	shalt  }
0x5f: {  	_ =	shalt  }
0x60: {  	_ =	shalt  }
0x61: {  	_ =	shalt  }
0x62: {  	_ =	shalt  }
0x63: {  	_ =	shalt  }
0x64: {  	_ =	shalt  }
0x65: {  	_ =	shalt  }
0x66: {  	_ =	shalt  }
0x67: {  	_ =	shalt  }
0x68: {  	_ =	shalt  }
0x69: {  	_ =	shalt  }
0x6a: {  	_ =	shalt  }
0x6b: {  	_ =	shalt  }
0x6c: {  	_ =	shalt  }
0x6d: {  	_ =	shalt  }
0x6e: {  	_ =	shalt  }
0x6f: {  	_ =	shalt  }
0x70: {  	_ =	shalt  }
0x71: {  	_ =	shalt  }
0x72: {  	_ =	shalt  }
0x73: {  	_ =	shalt  }
0x74: {  	_ =	shalt  }
0x75: {  	_ =	shalt  }
0x76: {  	_ =	shalt  }
0x77: {  	_ =	shalt  }
0x78: {  	_ =	shalt  }
0x79: {  	_ =	shalt  }
0x7a: {  	_ =	shalt  }
0x7b: {  	_ =	shalt  }
0x7c: {  	_ =	shalt  }
0x7d: {  	_ =	shalt  }
0x7e: {  	_ =	shalt  }
0x7f: {  	_ =	shalt  }
0x80: {  	_ =	shalt  }
0x81: {  	_ =	shalt  }
0x82: {  	_ =	shalt  }
0x83: {  	_ =	shalt  }
0x84: {  	_ =	shalt  }
0x85: {  	_ =	shalt  }
0x86: {  	_ =	shalt  }
0x87: {  	_ =	shalt  }
.Lfunc_end0:
.L_simem_size_0:
called_computation_lowered:
.L_overlay_start_0:
0x88: {  	s2 =	sld [smem:$0x3FD9]  }
0x89: {  	s3 =	sld [smem:$0x3FFE];
	_ =	sdelay $0x1  }
0x8a: {  	s1 =	srdreg.scid  }
0x8b: {  	s0 =	sand.u32 $0x1, s1  }
0x8c: {  	s16 =	sshll.u32 s0, $0xA;
	s2 =	sadd.s32 s3, s2  }
0x8d: {  	s2 =	sadd.s32 s2, s16  }
0x8e: {  	[smem:$0x3FC5] =	sst s2  }
0x8f: {  	_ = 	snop  }
0x90: {  	(tm) =	ssettm $0x1  }
0x91: {  	s17 =	sld [smem:$0x3FFB];
	_ =	sdelay $0x3  }
0x92: {  	_ =	strace s17  }
0x93: {  	s2 =	sld [smem:$0x3FFC];
	_ =	sdelay $0x3  }
0x94: {  	_ =	strace s2  }
0x95: {  	s2 =	sld [smem:$0x3FFD];
	_ =	sdelay $0x3  }
0x96: {  	_ =	strace s2  }
0x97: {  	_ =	strace $0x8FFFFFFF  }
0x98: {  	s18 =	sld [smem:$0x3FDB];
	_ =	sdelay $0x1  }
0x99: {  	s19 =	simm.s32 $_scs_section_size  }
0x9a: {  	s4 =	simm.s32 $_size__tile_overlayer_lowered;
	s5 =	simm.s32 $_tile_overlayer_lowered  }
0x9b: {  	s22 =	simm.s32 $0x1BFF;
	s21 =	sshll.u32 s5, $0x1;
	s2 =	sadd.s32 s19, s18  }
0x9c: {  	s6 =	simm.s32 $0x0;
	s20 =	sshll.u32 s4, $0x1;
	s4 =	sadd.s32 s21, s2  }
0x9d: {  	[timem:s6], [sflag:s22] =	dma.local [hbm:s4], s20  }
0x9e: {  	_ =	swait.ge [sflag:s22], s20  }
0x9f: {  	s3 =	ssub.s32 $0x0, s20;
	[sflag:s22] =	ssyncset.done $0x0  }
0xa0: {  	[sflag:s22] =	ssyncadd.s32 s3;
	_ =	sdelay $0x1  }
0xa1: {  	s23 =	simm.s32 $0x1B8B  }
0xa2: {  	_ =	swait.ge [sflag:s23], $0x1  }
0xa3: {  	[sflag:s23] =	ssyncset.done $0x0  }
0xa4: {  	s25 =	simm.s32 $0x1B8E;
	s24 =	sld [smem:$0x3FFE];
	[sflag:s23] =	ssyncadd.s32 $0xFFFFFFFF  }
0xa5: {  	s26 =	simm.s32 $execute0_lowered;
	[smem:$0x3FD2] =	sst s25  }
0xa6: {  	s4 =	sshll.u32 s26, $0x1;
	_ =	strace $0x80000046;
	[dreg:$0x1] =	wrdreg $0xFFFFFFFF  }
0xa7: {  	s28 =	simm.s32 $_size_execute0_lowered;
	s2 =	sadd.s32 s2, s4;
	[dreg:$0x0] =	wrdreg $0x0  }
0xa8: {  	s4 =	sshll.u32 s28, $0x1;
	[dreg:$0x2] =	wrdreg s2  }
0xa9: {  	[dreg:$0x3] =	wrdreg s4  }
0xaa: {  	[dreg:$0x4] =	wrdreg $0xC0  }
0xab: {  	_ =	task [dreg:s6], $0x5FFFF  }
0xac: {  	[dreg:$0x1] =	wrdreg $0xFFFFFFFF  }
0xad: {  	[dreg:$0x0] =	wrdreg $0x60  }
0xae: {  	[dreg:$0x2] =	wrdreg s24  }
0xaf: {  	[dreg:$0x3] =	wrdreg $0x9  }
0xb0: {  	_ =	task.clear_ibuf [dreg:s6], $0x4FFFF;
	_ =	strace $0x90000046  }
0xb1: {  	s29 =	simm.s32 $0x9;
	_ =	strace $0x80000048  }
0xb2: {  	_ =	swait.ge [sflag:s29], $0x1  }
0xb3: {  	[sflag:s29] =	ssyncadd.s32 $0xFFFFFFFF  }
0xb4: {  	_ =	strace $0x90000048  }
0xb5: {  	_ =	sfence  }
0xb6: {  	s30 =	sld [smem:$0x0];
	_ =	sdelay $0x2  }
0xb7: {  	s31 =	sshll.u32 s1, $0xD;
	s1 =	sshrl.u32 s1, $0x2  }
0xb8: {  	s3 =	sand.u32 $0x4000, s31;
	s1 =	sadd.s32 s1, s30  }
0xb9: {  	s0 =	sor.u32 s3, s0;
	s1 =	sshll.u32 s1, $0x11  }
0xba: {  	s0 =	sor.u32 s1, s0  }
0xbb: {  	s0 =	sadd.s32 $0x8F2B, s0  }
0xbc: {  	[sflag:s0] =	ssyncadd.remote.s32 $0x1  }
0xbd: {  	_ =	sfence.sel $0xFFFF  }
0xbe: {  	[dreg:$0x0] =	wrdreg $0xFFFFFFFF;
	(pc) =	sbr.abs _section_cstart, $3  }
0xbf: {  	[dreg:$0x1] =	wrdreg $0xFFFFFFFF  }
0xc0: {  	_ =	task.clear_ibuf [dreg:s6], $0x2FFFF;
	_ =	strace $0x9FFFFFFF  }
0xc1: {  	(tm) =	ssettm $0x7FFFFFFF  }
tec
execute0_lowered:
.L_overlay_start_1:
0x0: {  	(tag) =	ssettag $0x1  }
0x1: {  	s1 =	srdreg.scid  }
0x2: {  	s1 =	sand.u32 $0x1, s1  }
0x3: {  	p0 =	seq.s32 s1, $0x1  }
.Ltmp0:
0x4: {  	_ = 	snop;
	(pc) =	sbr.rel @p0 .LBB2_10-.Ltmp0, $4  }
0x5: {  	_ = 	snop  }
0x6: {  	s9 =	rddreg [dreg:$0x0];
	s2 =	simm.s32 $0x0  }
0x7: {  	[smem:$0x7FF] =	sst s2  }
0x8: {  	s0 =	rddreg [dreg:$0x1];
	_ =	strace $0x80000047;
	s1 =	stileid.u32  }
0x9: {  	s3 =	sadd.s32 $0xE00, s9  }
0xa: {  	s4 =	sadd.s32 $0x10E00, s9;
	s5 =	sadd.s32 $0x11200, s9;
	s6 =	sadd.s32 $0x11600, s9;
	v0 =	vimm.f32 $0.0e+00  }
0xb: {  	s7 =	sadd.s32 $0x11A00, s9;
	s8 =	sadd.s32 $0x11E00, s9;
	s10 =	sshll.u32 s1, $0x4;
	v1 =	vimm.s32 $0x0;
	v2 =	vimm.f32 $1.500000060e-01;
	vm0 =	vmmov $0x1  }
0xc: {  	s11 =	sshll.u32 s1, $0x6;
	vm1 =	vmmov $0x3;
	vm2 =	vmmov $0x7;
	vm3 =	vmmov $0xf;
	s12 =	simm.s32 $0x1;
	s13 =	simm.s32 $0x2000  }
0xd: {  	vm4 =	vmmov $0x1f;
	vm5 =	vmmov $0x3f;
	vm6 =	vmmov $0x7f;
	s14 =	simm.s32 $0x2080;
	s15 =	simm.s32 $0x2100;
	s16 =	simm.s32 $0x2180  }
0xe: {  	vm7 =	vmmov $0xff;
	v3 =	vimm.f32 $-0.0e+00;
	vm10 =	vcmask $0x300;
	s17 =	simm.s32 $0x2200;
	s18 =	simm.s32 $0x0;
	s10 =	sadd.s32 s10, s9  }
0xf: {  	vm8 =	vmxor vm8, vm8;
	vm9 =	vmmov $0x1ff;
	s9 =	sshll.u32 s1, $0x2;
	s11 =	sand.u32 $0x380, s11;
	v3 =	vsel vm10, $0xC168E5BF, v3;
	s10 =	sadd.s32 $0x12200, s10  }
.LBB2_2:
0x10: {  	s19 =	sadd.s32 s9, s18  }
0x11: {  	s20 =	sshll.u32 s19, $0xA  }
0x12: {  	s21 =	simm.s32 $0x0;
	s19 =	sshll.u32 s19, $0x4;
	s20 =	sadd.s32 s3, s20  }
0x13: {  	[tilespmem:s21], [sflag:$0x1] =	stream.linear.gather [hbm4b:s20+s21], $0x2000, $0x38;
	[tilespmem:$0x2300] =	vst v63  }
0x14: {  	s19 =	sand.u32 $0x70, s19;
	_ =	swait.ge [sflag:s12], $0x2000  }
0x15: {  	s19 =	sor.u32 s11, s19;
	[sflag:s12] =	ssyncset.done $0x0  }
0x16: {  	s28 =	sadd.s32 s4, s19;
	[sflag:s12] =	ssyncadd.s32 $0xFFFFE000  }
0x17: {  	[tilespmem:s13], [sflag:$0x1] =	stream.linear.gather [hbm4b:s28+s21], $0x80, $0x38;
	[tilespmem:$0x2300] =	vst v63  }
0x18: {  	_ =	swait.ge [sflag:s12], $0x80  }
0x19: {  	[sflag:s12] =	ssyncset.done $0x0  }
0x1a: {  	s29 =	sadd.s32 s5, s19;
	[sflag:s12] =	ssyncadd.s32 $0xFFFFFF80  }
0x1b: {  	[tilespmem:s14], [sflag:$0x1] =	stream.linear.gather [hbm4b:s29+s21], $0x80, $0x38;
	[tilespmem:$0x2300] =	vst v63  }
0x1c: {  	_ =	swait.ge [sflag:s12], $0x80  }
0x1d: {  	[sflag:s12] =	ssyncset.done $0x0  }
0x1e: {  	s30 =	sadd.s32 s6, s19;
	[sflag:s12] =	ssyncadd.s32 $0xFFFFFF80  }
0x1f: {  	[tilespmem:s15], [sflag:$0x1] =	stream.linear.gather [hbm4b:s30+s21], $0x80, $0x38;
	[tilespmem:$0x2300] =	vst v63  }
0x20: {  	_ =	swait.ge [sflag:s12], $0x80  }
0x21: {  	[sflag:s12] =	ssyncset.done $0x0  }
0x22: {  	s31 =	sadd.s32 s7, s19;
	[sflag:s12] =	ssyncadd.s32 $0xFFFFFF80  }
0x23: {  	[tilespmem:s16], [sflag:$0x1] =	stream.linear.gather [hbm4b:s31+s21], $0x80, $0x38;
	[tilespmem:$0x2300] =	vst v63  }
0x24: {  	_ =	swait.ge [sflag:s12], $0x80  }
0x25: {  	[sflag:s12] =	ssyncset.done $0x0  }
0x26: {  	s19 =	sadd.s32 s8, s19;
	[sflag:s12] =	ssyncadd.s32 $0xFFFFFF80  }
0x27: {  	[tilespmem:s17], [sflag:$0x1] =	stream.linear.gather [hbm4b:s19+s21], $0x80, $0x38;
	[tilespmem:$0x2300] =	vst v63  }
0x28: {  	_ =	swait.ge [sflag:s12], $0x80  }
0x29: {  	s22 =	sand.u32 $0x70, s21;
	s23 =	sand.u32 $0x400, s21;
	[sflag:s12] =	ssyncset.done $0x0  }
0x2a: {  	s23 =	sor.u32 s22, s23;
	[sflag:s12] =	ssyncadd.s32 $0xFFFFFF80  }
0x2b: {  	v11 =	vld [tilespmem:s23+$0x0];
	_ =	sdelay $0x4  }
0x2c: {  	v4 =	vand.u32 $0x7FFFFFFF, v11  }
0x2d: {  	v4 =	vsub.f32 $0.0e+00, v4;
	_ =	sdelay $0x1  }
0x2e: {  	v4 =	vmul.f32 $1.442695020e+00, v4;
	_ =	sdelay $0x1  }
0x2f: {  	(erf) = vpow2.f32 v4  }
0x30: {  	s24 =	simm.s32 $0x10;
	s25 =	simm.s32 $0x80  }
0x31: {  	s20 =	sand.u32 $0x400, s25;
	s19 =	sand.u32 $0x70, s24  }
0x32: {  	s22 =	sor.u32 s19, s20  }
0x33: {  	v10 =	vld [tilespmem:s22+$0x0];
	_ =	sdelay $0x4  }
0x34: {  	v4 =	vand.u32 $0x7FFFFFFF, v10;
	v5 =	vpop (erf)  }
0x35: {  	v4 =	vsub.f32 $0.0e+00, v4;
	v13 =	vadd.f32 $1.000000000e+00, v5;
	_ =	sdelay $0x1  }
0x36: {  	v4 =	vmul.f32 $1.442695020e+00, v4;
	v5 =	vand.u32 $0x7FFFFF, v13  }
0x37: {  	v5 =	vor.u32 $0x3F800000, v5  }
0x38: {  	(erf) = vpow2.f32 v4;
	v4 =	vmul.f32 $5.000000000e-01, v5  }
0x39: {  	s26 =	simm.s32 $0x20;
	s28 =	simm.s32 $0x100;
	vm10 =	vgt.f32 v5, $1.414213540e+00  }
0x3a: {  	s19 =	sand.u32 $0x70, s26;
	s20 =	sand.u32 $0x400, s28;
	v4 =	vsel vm10, v4, v5  }
0x3b: {  	s21 =	sor.u32 s19, s20;
	v17 =	vadd.f32 $-1.000000000e+00, v4  }
0x3c: {  	v12 =	vld [tilespmem:s21+$0x0]  }
0x3d: {  	v4 =	vmul.f32 $7.037683580e-02, v17;
	_ =	sdelay $0x1  }
0x3e: {  	v4 =	vadd.f32 $-1.151461010e-01, v4;
	_ =	sdelay $0x1  }
0x3f: {  	v6 =	vand.u32 $0x7FFFFFFF, v12;
	v5 =	vpop (erf);
	v4 =	vmul.f32 v4, v17  }
0x40: {  	v15 =	vadd.f32 $1.000000000e+00, v5;
	v5 =	vsub.f32 $0.0e+00, v6  }
0x41: {  	v4 =	vadd.f32 $1.167699840e-01, v4  }
0x42: {  	v6 =	vand.u32 $0x7FFFFF, v15;
	v5 =	vmul.f32 $1.442695020e+00, v5  }
0x43: {  	v6 =	vor.u32 $0x3F800000, v6;
	v4 =	vmul.f32 v4, v17  }
0x44: {  	v7 =	vmul.f32 $5.000000000e-01, v6;
	(erf) = vpow2.f32 v5  }
0x45: {  	vm11 =	vgt.f32 v6, $1.414213540e+00;
	v4 =	vadd.f32 $-1.242014100e-01, v4  }
0x46: {  	v5 =	vsel vm11, v7, v6  }
0x47: {  	s29 =	simm.s32 $0x30;
	s30 =	simm.s32 $0x180;
	v16 =	vadd.f32 $-1.000000000e+00, v5;
	v4 =	vmul.f32 v4, v17  }
0x48: {  	s19 =	sand.u32 $0x70, s29;
	s20 =	sand.u32 $0x400, s30  }
0x49: {  	s19 =	sor.u32 s19, s20;
	v5 =	vmul.f32 $7.037683580e-02, v16;
	v4 =	vadd.f32 $1.424932330e-01, v4  }
0x4a: {  	v9 =	vld [tilespmem:s19+$0x0]  }
0x4b: {  	v5 =	vadd.f32 $-1.151461010e-01, v5;
	v4 =	vmul.f32 v4, v17;
	_ =	sdelay $0x1  }
0x4c: {  	v5 =	vmul.f32 v5, v16;
	v6 =	vpop (erf);
	v4 =	vadd.f32 $-1.666805740e-01, v4  }
0x4d: {  	v14 =	vadd.f32 $1.000000000e+00, v6  }
0x4e: {  	v6 =	vand.u32 $0x7FFFFFFF, v9;
	v5 =	vadd.f32 $1.167699840e-01, v5;
	v4 =	vmul.f32 v4, v17  }
0x4f: {  	vm10 =	vmmov vm10;
	v8 =	vsub.f32 $0.0e+00, v6  }
0x50: {  	v7 =	vand.u32 $0x7FFFFF, v14;
	v5 =	vmul.f32 v5, v16;
	v4 =	vadd.f32 $2.000071410e-01, v4  }
0x51: {  	vm12 =	vmmov vm10;
	v18 =	vor.u32 $0x3F800000, v7;
	v20 =	vmul.f32 $1.442695020e+00, v8  }
0x52: {  	v19 =	vmul.f32 $5.000000000e-01, v18;
	v5 =	vadd.f32 $-1.242014100e-01, v5;
	v4 =	vmul.f32 v4, v17  }
0x53: {  	s31 =	simm.s32 $0x40;
	s24 =	simm.s32 $0x200;
	vm10 =	vmmov vm11;
	v6 =	vld [tilespmem:$0x2000];
	vm11 =	vgt.f32 v18, $1.414213540e+00;
	(erf) = vpow2.f32 v20  }
0x54: {  	s25 =	sand.u32 $0x400, s24;
	s20 =	sand.u32 $0x70, s31;
	v7 =	vld [tilespmem:$0x2080];
	v22 =	vadd.f32 $-2.499999400e-01, v4;
	v4 =	vsel vm11, v19, v18;
	v18 =	vmul.f32 v5, v16  }
0x55: {  	s25 =	sor.u32 s20, s25;
	v8 =	vld [tilespmem:$0x2100]  }
0x56: {  	v24 =	vsel vm12, $0x1, v1;
	v20 =	vshrl.u32 v13, $0x17;
	v13 =	vld [tilespmem:s25+$0x0]  }
0x57: {  	v21 =	vmul.f32 v17, v17;
	v5 =	vld [tilespmem:$0x2180];
	v19 =	vadd.f32 $-1.000000000e+00, v4;
	v25 =	vmul.f32 v22, v17  }
0x58: {  	s25 =	simm.s32 $0x50;
	v23 =	vand.u32 $0xFF, v20;
	v20 =	vimm.f32 $0.0e+00;
	v4 =	vld [tilespmem:$0x2200];
	v22 =	vadd.f32 $1.424932330e-01, v18;
	v18 =	vmovc v16  }
.LBB2_3:
0x59: {  	v26 =	vmovc v16;
	v16 =	vmov v19;
	v19 =	vmul.f32 $7.037683580e-02, v19;
	v25 =	vadd.f32 $3.333333130e-01, v25  }
0x5a: {  	p0 =	sne.s32 s25, $0xA0;
	v28 =	vmul.f32 v21, v17;
	vm12 =	vmmov vm10;
	vm10 =	vmmov vm11  }
0x5b: {  	v23 =	vadd.s32 v24, v23;
	v22 =	vmul.f32 v22, v18  }
0x5c: {  	v23 =	vadd.s32 $0xFFFFFF81, v23;
	v19 =	vadd.f32 $-1.151461010e-01, v19;
	v24 =	vmul.f32 v25, v28  }
0x5d: {  	v23 =	vcvt.s32.f32 v23;
	v25 =	vand.u32 $0x7FFFFFFF, v13;
	v22 =	vadd.f32 $-1.666805740e-01, v22;
	v27 =	vpop (erf)  }
0x5e: {  	v21 =	vmul.f32 $5.000000000e-01, v21;
	v19 =	vmul.f32 v19, v16;
	v24 =	vadd.f32 v24, v17;
	v17 =	vmovc v18;
	v18 =	vmovc v16  }
0x5f: {  	v25 =	vsub.f32 $0.0e+00, v25;
	v27 =	vadd.f32 $1.000000000e+00, v27;
	v22 =	vmul.f32 v22, v17  }
0x60: {  	v23 =	vmul.f32 $6.931471820e-01, v23;
	v19 =	vadd.f32 $1.167699840e-01, v19;
	v21 =	vsub.f32 v24, v21  }
0x61: {  	v24 =	vmul.f32 $1.442695020e+00, v25;
	v25 =	vmax.f32 v11, $0.0e+00;
	v11 =	vmovc v10;
	v10 =	vmovc v12;
	v22 =	vadd.f32 $2.000071410e-01, v22  }
0x62: {  	v12 =	vmovc v9;
	v9 =	vmovc v13;
	v28 =	vand.u32 $0x7FFFFF, v27;
	v19 =	vmul.f32 v19, v18;
	v21 =	vadd.f32 v21, v23  }
0x63: {  	v13 =	vor.u32 $0x3F800000, v28;
	v22 =	vmul.f32 v22, v17;
	(erf) = vpow2.f32 v24  }
.Ltmp1:
0x64: {  	s26 =	sand.u32 $0x70, s25;
	s24 =	sadd.s32 $0x80, s24;
	v23 =	vmul.f32 $5.000000000e-01, v13;
	v19 =	vadd.f32 $-1.242014100e-01, v19;
	v21 =	vadd.f32 v21, v25;
	(pc) =	sbr.rel @p0 .LBB2_3-.Ltmp1, $4  }
0x65: {  	s28 =	sand.u32 $0x400, s24;
	vm11 =	vgt.f32 v13, $1.414213540e+00;
	v24 =	vshrl.u32 v15, $0x17;
	v15 =	vmovc v14;
	v14 =	vmovc v27;
	v22 =	vadd.f32 $-2.499999400e-01, v22  }
0x66: {  	s26 =	sor.u32 s26, s28;
	v23 =	vsel vm11, v23, v13;
	v27 =	vmul.f32 v19, v18;
	v20 =	vadd.f32 v21, v20  }
0x67: {  	v21 =	vmul.f32 v26, v17;
	v19 =	vadd.f32 $-1.000000000e+00, v23;
	v25 =	vmul.f32 v22, v17;
	v13 =	vld [tilespmem:s26+$0x0]  }
0x68: {  	s25 =	sadd.s32 $0x10, s25;
	v23 =	vand.u32 $0xFF, v24;
	v24 =	vsel vm12, $0x1, v1;
	v22 =	vadd.f32 $1.424932330e-01, v27  }
0x69: {  	_ =	sdelay $0x1  }
0x6a: {  	v26 =	vmul.f32 $7.037683580e-02, v19  }
0x6b: {  	v25 =	vadd.f32 $3.333333130e-01, v25;
	v27 =	vand.u32 $0x7FFFFFFF, v13  }
0x6c: {  	v28 =	vmul.f32 v21, v17;
	v26 =	vadd.f32 $-1.151461010e-01, v26;
	v27 =	vsub.f32 $0.0e+00, v27  }
0x6d: {  	v21 =	vmul.f32 $5.000000000e-01, v21;
	v22 =	vmul.f32 v22, v18  }
0x6e: {  	v23 =	vadd.s32 v24, v23;
	v24 =	vmul.f32 v25, v28;
	v27 =	vmul.f32 $1.442695020e+00, v27  }
0x6f: {  	v23 =	vadd.s32 $0xFFFFFF81, v23;
	v22 =	vadd.f32 $-1.666805740e-01, v22;
	v25 =	vmul.f32 v26, v19  }
0x70: {  	v23 =	vcvt.s32.f32 v23;
	v17 =	vadd.f32 v24, v17;
	v26 =	vpop (erf);
	(erf) = vpow2.f32 v27  }
0x71: {  	v22 =	vmul.f32 v22, v18;
	v24 =	vadd.f32 $1.167699840e-01, v25;
	v25 =	vadd.f32 $1.000000000e+00, v26  }
0x72: {  	v23 =	vmul.f32 $6.931471820e-01, v23;
	v17 =	vsub.f32 v17, v21  }
0x73: {  	v22 =	vadd.f32 $2.000071410e-01, v22;
	v21 =	vmul.f32 v24, v19;
	v24 =	vand.u32 $0x7FFFFF, v25  }
0x74: {  	v11 =	vmax.f32 v11, $0.0e+00;
	v17 =	vadd.f32 v17, v23;
	v24 =	vor.u32 $0x3F800000, v24  }
0x75: {  	v22 =	vmul.f32 v22, v18;
	v21 =	vadd.f32 $-1.242014100e-01, v21;
	v23 =	vmul.f32 $5.000000000e-01, v24  }
0x76: {  	vm12 =	vmmov vm10;
	v11 =	vadd.f32 v17, v11;
	vm10 =	vgt.f32 v24, $1.414213540e+00  }
0x77: {  	v17 =	vadd.f32 $-2.499999400e-01, v22;
	v21 =	vmul.f32 v21, v19;
	v22 =	vsel vm10, v23, v24  }
0x78: {  	v15 =	vshrl.u32 v15, $0x17;
	v16 =	vmul.f32 v16, v18;
	v22 =	vadd.f32 $-1.000000000e+00, v22  }
0x79: {  	v15 =	vand.u32 $0xFF, v15;
	v17 =	vmul.f32 v17, v18;
	v21 =	vadd.f32 $1.424932330e-01, v21;
	v23 =	vpop (erf)  }
0x7a: {  	v20 =	vadd.f32 v11, v20;
	v11 =	vmul.f32 $7.037683580e-02, v22;
	v23 =	vadd.f32 $1.000000000e+00, v23  }
0x7b: {  	v61 =	vmul.f32 v16, v18;
	v17 =	vadd.f32 $3.333333130e-01, v17;
	v21 =	vmul.f32 v21, v19  }
0x7c: {  	v16 =	vmul.f32 $5.000000000e-01, v16;
	v27 =	vadd.f32 $-1.151461010e-01, v11;
	v26 =	vand.u32 $0x7FFFFF, v23  }
0x7d: {  	v17 =	vmul.f32 v17, v61;
	v21 =	vadd.f32 $-1.666805740e-01, v21;
	v26 =	vor.u32 $0x3F800000, v26  }
0x7e: {  	v24 =	vsel vm12, $0x1, v1;
	v11 =	vld [tilespmem:s23+$0x900];
	v27 =	vmul.f32 v27, v22;
	v29 =	vmul.f32 $5.000000000e-01, v26  }
0x7f: {  	v15 =	vadd.s32 v24, v15;
	v21 =	vmul.f32 v21, v19;
	vm12 =	vgt.f32 v26, $1.414213540e+00  }
0x80: {  	v17 =	vadd.f32 v17, v18;
	v24 =	vsel vm12, v29, v26;
	v26 =	vadd.f32 $1.167699840e-01, v27  }
0x81: {  	vm11 =	vmmov vm11;
	v21 =	vadd.f32 $2.000071410e-01, v21;
	v18 =	vadd.f32 $-1.000000000e+00, v24  }
0x82: {  	v14 =	vshrl.u32 v14, $0x17;
	v16 =	vsub.f32 v17, v16;
	v24 =	vmul.f32 v26, v22  }
0x83: {  	v21 =	vmul.f32 v21, v19;
	v26 =	vand.u32 $0x7FFFFFFF, v11;
	v17 =	vmul.f32 $7.037683580e-02, v18  }
0x84: {  	vm11 =	vmmov vm11;
	v26 =	vsub.f32 $0.0e+00, v26;
	v24 =	vadd.f32 $-1.242014100e-01, v24  }
0x85: {  	v14 =	vand.u32 $0xFF, v14;
	v21 =	vadd.f32 $-2.499999400e-01, v21;
	v17 =	vadd.f32 $-1.151461010e-01, v17  }
0x86: {  	v15 =	vadd.s32 $0xFFFFFF81, v15;
	v26 =	vmul.f32 $1.442695020e+00, v26;
	v24 =	vmul.f32 v24, v22  }
0x87: {  	v27 =	vsel vm11, $0x1, v1;
	v21 =	vmul.f32 v21, v19;
	v17 =	vmul.f32 v17, v18  }
0x88: {  	(erf) = vpow2.f32 v26;
	v26 =	vmul.f32 v19, v19;
	v24 =	vadd.f32 $1.424932330e-01, v24  }
0x89: {  	v15 =	vcvt.s32.f32 v15;
	v14 =	vadd.s32 v27, v14;
	v17 =	vadd.f32 $1.167699840e-01, v17  }
0x8a: {  	v21 =	vadd.f32 $3.333333130e-01, v21;
	v27 =	vmul.f32 v26, v19;
	v24 =	vmul.f32 v24, v22  }
0x8b: {  	v62 =	vmax.f32 v10, $0.0e+00;
	v15 =	vmul.f32 $6.931471820e-01, v15;
	v10 =	vmul.f32 v17, v18  }
0x8c: {  	v17 =	vmul.f32 v21, v27;
	v21 =	vadd.f32 $-1.666805740e-01, v24  }
0x8d: {  	v15 =	vadd.f32 v16, v15;
	v14 =	vadd.s32 $0xFFFFFF81, v14;
	v16 =	vadd.f32 $-1.242014100e-01, v10  }
0x8e: {  	v17 =	vadd.f32 v17, v19;
	v19 =	vmul.f32 $5.000000000e-01, v26;
	v10 =	vld [tilespmem:s22+$0x900];
	v21 =	vmul.f32 v21, v22  }
0x8f: {  	v15 =	vadd.f32 v15, v62;
	v14 =	vcvt.s32.f32 v14  }
0x90: {  	v16 =	vmul.f32 v16, v18;
	v17 =	vsub.f32 v17, v19;
	v19 =	vadd.f32 $2.000071410e-01, v21  }
0x91: {  	v12 =	vmax.f32 v12, $0.0e+00;
	v25 =	vshrl.u32 v25, $0x17;
	v14 =	vmul.f32 $6.931471820e-01, v14  }
0x92: {  	v25 =	vand.u32 $0xFF, v25;
	v15 =	vadd.f32 v15, v20;
	v16 =	vadd.f32 $1.424932330e-01, v16  }
0x93: {  	v14 =	vadd.f32 v17, v14;
	v17 =	vmul.f32 v19, v22;
	v20 =	vand.u32 $0x7FFFFFFF, v10  }
0x94: {  	vm10 =	vmmov vm10;
	v16 =	vmul.f32 v16, v18;
	v20 =	vsub.f32 $0.0e+00, v20;
	v19 =	vpop (erf)  }
0x95: {  	vm13 =	vmmov vm10;
	v17 =	vadd.f32 $-2.499999400e-01, v17;
	v19 =	vadd.f32 $1.000000000e+00, v19  }
0x96: {  	v21 =	vmul.f32 v22, v22;
	v16 =	vadd.f32 $-1.666805740e-01, v16;
	v20 =	vmul.f32 $1.442695020e+00, v20  }
0x97: {  	v14 =	vadd.f32 v14, v12;
	v17 =	vmul.f32 v17, v22;
	v24 =	vand.u32 $0x7FFFFF, v19  }
0x98: {  	v16 =	vmul.f32 v16, v18;
	(erf) = vpow2.f32 v20;
	v24 =	vor.u32 $0x3F800000, v24  }
0x99: {  	v20 =	vsel vm13, $0x1, v1;
	v17 =	vadd.f32 $3.333333130e-01, v17;
	v26 =	vmul.f32 $5.000000000e-01, v24  }
0x9a: {  	v12 =	vadd.s32 v20, v25;
	vm10 =	vgt.f32 v24, $1.414213540e+00;
	v27 =	vadd.f32 $2.000071410e-01, v16  }
0x9b: {  	v12 =	vadd.s32 $0xFFFFFF81, v12;
	v16 =	vsel vm10, v26, v24;
	v24 =	vmul.f32 v21, v22  }
0x9c: {  	v23 =	vshrl.u32 v23, $0x17;
	v25 =	vcvt.s32.f32 v12;
	v12 =	vld [tilespmem:s21+$0x900];
	v16 =	vadd.f32 $-1.000000000e+00, v16  }
0x9d: {  	v23 =	vand.u32 $0xFF, v23;
	v20 =	vmul.f32 v27, v18;
	v17 =	vmul.f32 v17, v24  }
0x9e: {  	vm11 =	vmmov vm12;
	v14 =	vadd.f32 v14, v15;
	v24 =	vmul.f32 $7.037683580e-02, v16  }
0x9f: {  	vm11 =	vmmov vm11;
	v20 =	vadd.f32 $-2.499999400e-01, v20;
	v17 =	vadd.f32 v17, v22  }
0xa0: {  	v21 =	vmul.f32 $5.000000000e-01, v21;
	v26 =	vsel vm11, $0x1, v1;
	v22 =	vadd.f32 $-1.151461010e-01, v24  }
0xa1: {  	v23 =	vadd.s32 v26, v23;
	v20 =	vmul.f32 v20, v18;
	v63 =	vand.u32 $0x7FFFFFFF, v12  }
0xa2: {  	v24 =	vmul.f32 v18, v18;
	v26 =	vsub.f32 $0.0e+00, v63;
	v22 =	vmul.f32 v22, v16  }
0xa3: {  	v9 =	vmax.f32 v9, $0.0e+00;
	v21 =	vsub.f32 v17, v21;
	v20 =	vadd.f32 $3.333333130e-01, v20;
	v17 =	vpop (erf)  }
0xa4: {  	v27 =	vmul.f32 v24, v18;
	v17 =	vadd.f32 $1.000000000e+00, v17;
	v22 =	vadd.f32 $1.167699840e-01, v22  }
0xa5: {  	v25 =	vmul.f32 $6.931471820e-01, v25;
	v23 =	vadd.s32 $0xFFFFFF81, v23;
	v26 =	vmul.f32 $1.442695020e+00, v26  }
0xa6: {  	v20 =	vmul.f32 v20, v27;
	v27 =	vand.u32 $0x7FFFFF, v17;
	v22 =	vmul.f32 v22, v16  }
0xa7: {  	v21 =	vadd.f32 v21, v25;
	(erf) = vpow2.f32 v26;
	v27 =	vor.u32 $0x3F800000, v27  }
0xa8: {  	v20 =	vadd.f32 v20, v18;
	v18 =	vmul.f32 $5.000000000e-01, v27;
	v22 =	vadd.f32 $-1.242014100e-01, v22  }
0xa9: {  	v23 =	vcvt.s32.f32 v23;
	v24 =	vmul.f32 $5.000000000e-01, v24;
	vm11 =	vgt.f32 v27, $1.414213540e+00  }
0xaa: {  	v15 =	vadd.f32 v21, v9;
	v18 =	vsel vm11, v18, v27;
	v22 =	vmul.f32 v22, v16  }
0xab: {  	v23 =	vmul.f32 $6.931471820e-01, v23;
	v20 =	vsub.f32 v20, v24;
	v18 =	vadd.f32 $-1.000000000e+00, v18  }
0xac: {  	v22 =	vadd.f32 $1.424932330e-01, v22  }
0xad: {  	v9 =	vld [tilespmem:s19+$0x900];
	v14 =	vadd.f32 v15, v14;
	v20 =	vadd.f32 v20, v23;
	v21 =	vmul.f32 $7.037683580e-02, v18  }
0xae: {  	v13 =	vmax.f32 v13, $0.0e+00;
	v22 =	vmul.f32 v22, v16  }
0xaf: {  	v13 =	vadd.f32 v20, v13;
	v15 =	vadd.f32 $-1.151461010e-01, v21  }
0xb0: {  	v20 =	vadd.f32 $-1.666805740e-01, v22  }
0xb1: {  	v13 =	vadd.f32 v13, v14;
	v14 =	vpop (erf);
	v21 =	vmul.f32 v15, v18  }
0xb2: {  	v22 =	vand.u32 $0x7FFFFFFF, v9;
	v15 =	vadd.f32 $1.000000000e+00, v14;
	v20 =	vmul.f32 v20, v16  }
0xb3: {  	v14 =	vadd.f32 $1.167699840e-01, v21;
	v21 =	vsub.f32 $0.0e+00, v22  }
0xb4: {  	v19 =	vshrl.u32 v19, $0x17;
	vm10 =	vmmov vm10;
	v20 =	vadd.f32 $2.000071410e-01, v20  }
0xb5: {  	v22 =	vand.u32 $0x7FFFFF, v15;
	v14 =	vmul.f32 v14, v18;
	v21 =	vmul.f32 $1.442695020e+00, v21  }
0xb6: {  	vm12 =	vmmov vm10;
	v22 =	vor.u32 $0x3F800000, v22;
	v20 =	vmul.f32 v20, v16  }
0xb7: {  	v23 =	vmul.f32 $5.000000000e-01, v22;
	v14 =	vadd.f32 $-1.242014100e-01, v14;
	(erf) = vpow2.f32 v21  }
0xb8: {  	s19 =	simm.s32 $0x200;
	vm10 =	vmmov vm11;
	vm11 =	vgt.f32 v22, $1.414213540e+00;
	v24 =	vadd.f32 $-2.499999400e-01, v20  }
0xb9: {  	s31 =	sand.u32 $0x400, s19;
	v20 =	vsel vm11, v23, v22;
	v22 =	vmul.f32 v14, v18  }
0xba: {  	s20 =	sor.u32 s20, s31;
	v21 =	vmul.f32 v16, v16;
	v20 =	vadd.f32 $-1.000000000e+00, v20;
	v25 =	vmul.f32 v24, v16  }
0xbb: {  	v14 =	vld [tilespmem:s20+$0x900];
	s20 =	simm.s32 $0x50;
	v24 =	vsel vm12, $0x1, v1;
	v23 =	vadd.f32 $1.424932330e-01, v22;
	v22 =	vand.u32 $0xFF, v19;
	v19 =	vmovc v18  }
.LBB2_5:
0xbc: {  	v26 =	vmovc v18;
	v18 =	vmov v20;
	v20 =	vmul.f32 $7.037683580e-02, v20;
	v25 =	vadd.f32 $3.333333130e-01, v25  }
0xbd: {  	p0 =	sne.s32 s20, $0xA0;
	v28 =	vmul.f32 v21, v16;
	vm12 =	vmmov vm10;
	vm10 =	vmmov vm11  }
0xbe: {  	v22 =	vadd.s32 v24, v22;
	v23 =	vmul.f32 v23, v19  }
0xbf: {  	v22 =	vadd.s32 $0xFFFFFF81, v22;
	v20 =	vadd.f32 $-1.151461010e-01, v20;
	v24 =	vmul.f32 v25, v28  }
0xc0: {  	v22 =	vcvt.s32.f32 v22;
	v25 =	vand.u32 $0x7FFFFFFF, v14;
	v23 =	vadd.f32 $-1.666805740e-01, v23;
	v27 =	vpop (erf)  }
0xc1: {  	v21 =	vmul.f32 $5.000000000e-01, v21;
	v20 =	vmul.f32 v20, v18;
	v24 =	vadd.f32 v24, v16;
	v16 =	vmovc v19;
	v19 =	vmovc v18  }
0xc2: {  	v25 =	vsub.f32 $0.0e+00, v25;
	v27 =	vadd.f32 $1.000000000e+00, v27;
	v23 =	vmul.f32 v23, v16  }
0xc3: {  	v22 =	vmul.f32 $6.931471820e-01, v22;
	v20 =	vadd.f32 $1.167699840e-01, v20;
	v21 =	vsub.f32 v24, v21  }
0xc4: {  	v24 =	vmul.f32 $1.442695020e+00, v25;
	v25 =	vmax.f32 v11, $0.0e+00;
	v11 =	vmovc v10;
	v10 =	vmovc v12;
	v23 =	vadd.f32 $2.000071410e-01, v23  }
0xc5: {  	v12 =	vmovc v9;
	v9 =	vmovc v14;
	v28 =	vand.u32 $0x7FFFFF, v27;
	v20 =	vmul.f32 v20, v19;
	v21 =	vadd.f32 v21, v22  }
0xc6: {  	v14 =	vor.u32 $0x3F800000, v28;
	v22 =	vmul.f32 v23, v16;
	(erf) = vpow2.f32 v24  }
.Ltmp2:
0xc7: {  	s21 =	sand.u32 $0x70, s20;
	s19 =	sadd.s32 $0x80, s19;
	v23 =	vmul.f32 $5.000000000e-01, v14;
	v20 =	vadd.f32 $-1.242014100e-01, v20;
	v21 =	vadd.f32 v21, v25;
	(pc) =	sbr.rel @p0 .LBB2_5-.Ltmp2, $4  }
0xc8: {  	s22 =	sand.u32 $0x400, s19;
	vm11 =	vgt.f32 v14, $1.414213540e+00;
	v24 =	vshrl.u32 v17, $0x17;
	v17 =	vmovc v15;
	v15 =	vmovc v27;
	v22 =	vadd.f32 $-2.499999400e-01, v22  }
0xc9: {  	s21 =	sor.u32 s21, s22;
	v23 =	vsel vm11, v23, v14;
	v27 =	vmul.f32 v20, v19;
	v13 =	vadd.f32 v21, v13  }
0xca: {  	v21 =	vmul.f32 v26, v16;
	v20 =	vadd.f32 $-1.000000000e+00, v23;
	v25 =	vmul.f32 v22, v16;
	v14 =	vld [tilespmem:s21+$0x900]  }
0xcb: {  	s20 =	sadd.s32 $0x10, s20;
	v22 =	vand.u32 $0xFF, v24;
	v24 =	vsel vm12, $0x1, v1;
	v23 =	vadd.f32 $1.424932330e-01, v27  }
0xcc: {  	_ =	sdelay $0x1  }
0xcd: {  	v26 =	vmul.f32 $7.037683580e-02, v20  }
0xce: {  	v25 =	vadd.f32 $3.333333130e-01, v25;
	v27 =	vand.u32 $0x7FFFFFFF, v14  }
0xcf: {  	v28 =	vmul.f32 v21, v16;
	v26 =	vadd.f32 $-1.151461010e-01, v26;
	v27 =	vsub.f32 $0.0e+00, v27  }
0xd0: {  	v21 =	vmul.f32 $5.000000000e-01, v21;
	v23 =	vmul.f32 v23, v19  }
0xd1: {  	v22 =	vadd.s32 v24, v22;
	v24 =	vmul.f32 v25, v28;
	v27 =	vmul.f32 $1.442695020e+00, v27  }
0xd2: {  	v22 =	vadd.s32 $0xFFFFFF81, v22;
	v23 =	vadd.f32 $-1.666805740e-01, v23;
	v25 =	vmul.f32 v26, v20  }
0xd3: {  	v22 =	vcvt.s32.f32 v22;
	v16 =	vadd.f32 v24, v16;
	v26 =	vpop (erf);
	(erf) = vpow2.f32 v27  }
0xd4: {  	v23 =	vmul.f32 v23, v19;
	v24 =	vadd.f32 $1.167699840e-01, v25;
	v25 =	vadd.f32 $1.000000000e+00, v26  }
0xd5: {  	vm12 =	vmmov vm10;
	v22 =	vmul.f32 $6.931471820e-01, v22;
	v16 =	vsub.f32 v16, v21  }
0xd6: {  	v23 =	vadd.f32 $2.000071410e-01, v23;
	v21 =	vmul.f32 v24, v20;
	v24 =	vand.u32 $0x7FFFFF, v25  }
0xd7: {  	v11 =	vmax.f32 v11, $0.0e+00;
	v16 =	vadd.f32 v16, v22;
	v24 =	vor.u32 $0x3F800000, v24  }
0xd8: {  	v22 =	vmul.f32 v23, v19;
	v21 =	vadd.f32 $-1.242014100e-01, v21;
	v23 =	vmul.f32 $5.000000000e-01, v24  }
0xd9: {  	v18 =	vmul.f32 v18, v19;
	v11 =	vadd.f32 v16, v11;
	vm10 =	vgt.f32 v24, $1.414213540e+00  }
0xda: {  	v22 =	vadd.f32 $-2.499999400e-01, v22;
	v21 =	vmul.f32 v21, v20;
	v16 =	vsel vm10, v23, v24  }
0xdb: {  	v60 =	vmul.f32 v18, v19;
	v16 =	vadd.f32 $-1.000000000e+00, v16  }
0xdc: {  	v23 =	vshrl.u32 v17, $0x17;
	v22 =	vmul.f32 v22, v19;
	v21 =	vadd.f32 $1.424932330e-01, v21;
	v17 =	vpop (erf)  }
0xdd: {  	v11 =	vadd.f32 v11, v13;
	v13 =	vmul.f32 $7.037683580e-02, v16;
	v17 =	vadd.f32 $1.000000000e+00, v17  }
0xde: {  	s19 =	simm.s32 $0x0;
	v18 =	vmul.f32 $5.000000000e-01, v18;
	v22 =	vadd.f32 $3.333333130e-01, v22;
	v21 =	vmul.f32 v21, v20  }
0xdf: {  	s20 =	sand.u32 $0x70, s19;
	s19 =	sand.u32 $0x400, s19;
	v24 =	vsel vm12, $0x1, v1;
	v27 =	vadd.f32 $-1.151461010e-01, v13;
	v26 =	vand.u32 $0x7FFFFF, v17  }
0xe0: {  	s19 =	sor.u32 s20, s19;
	v22 =	vmul.f32 v22, v60;
	v21 =	vadd.f32 $-1.666805740e-01, v21;
	v26 =	vor.u32 $0x3F800000, v26  }
0xe1: {  	v23 =	vand.u32 $0xFF, v23;
	v13 =	vld [tilespmem:s19+$0x1200];
	v27 =	vmul.f32 v27, v16;
	v29 =	vmul.f32 $5.000000000e-01, v26  }
0xe2: {  	v23 =	vadd.s32 v24, v23;
	v21 =	vmul.f32 v21, v20;
	vm12 =	vgt.f32 v26, $1.414213540e+00  }
0xe3: {  	v19 =	vadd.f32 v22, v19;
	v24 =	vsel vm12, v29, v26;
	v26 =	vadd.f32 $1.167699840e-01, v27  }
0xe4: {  	v21 =	vadd.f32 $2.000071410e-01, v21;
	v22 =	vadd.f32 $-1.000000000e+00, v24  }
0xe5: {  	vm11 =	vmmov vm11;
	v18 =	vsub.f32 v19, v18;
	v24 =	vmul.f32 v26, v16  }
0xe6: {  	v21 =	vmul.f32 v21, v20;
	v26 =	vand.u32 $0x7FFFFFFF, v13;
	v19 =	vmul.f32 $7.037683580e-02, v22  }
0xe7: {  	v15 =	vshrl.u32 v15, $0x17;
	v26 =	vsub.f32 $0.0e+00, v26;
	v24 =	vadd.f32 $-1.242014100e-01, v24  }
0xe8: {  	vm11 =	vmmov vm11;
	v21 =	vadd.f32 $-2.499999400e-01, v21;
	v19 =	vadd.f32 $-1.151461010e-01, v19  }
0xe9: {  	v15 =	vand.u32 $0xFF, v15;
	v26 =	vmul.f32 $1.442695020e+00, v26;
	v24 =	vmul.f32 v24, v16  }
0xea: {  	v27 =	vsel vm11, $0x1, v1;
	v21 =	vmul.f32 v21, v20;
	v19 =	vmul.f32 v19, v22  }
0xeb: {  	(erf) = vpow2.f32 v26;
	v26 =	vmul.f32 v20, v20;
	v24 =	vadd.f32 $1.424932330e-01, v24  }
0xec: {  	v23 =	vadd.s32 $0xFFFFFF81, v23;
	v15 =	vadd.s32 v27, v15;
	v21 =	vadd.f32 $3.333333130e-01, v21  }
0xed: {  	v19 =	vadd.f32 $1.167699840e-01, v19;
	v27 =	vmul.f32 v26, v20;
	v24 =	vmul.f32 v24, v16  }
0xee: {  	v61 =	vmax.f32 v10, $0.0e+00;
	v23 =	vcvt.s32.f32 v23  }
0xef: {  	v10 =	vmul.f32 v19, v22;
	v19 =	vmul.f32 v21, v27;
	v21 =	vadd.f32 $-1.666805740e-01, v24  }
0xf0: {  	s24 =	simm.s32 $0x10;
	s25 =	simm.s32 $0x80;
	v12 =	vmax.f32 v12, $0.0e+00;
	v23 =	vmul.f32 $6.931471820e-01, v23  }
0xf1: {  	s20 =	sand.u32 $0x400, s25;
	s19 =	sand.u32 $0x70, s24;
	v19 =	vadd.f32 v19, v20;
	v20 =	vmul.f32 $5.000000000e-01, v26;
	v21 =	vmul.f32 v21, v16  }
0xf2: {  	s19 =	sor.u32 s19, s20;
	v18 =	vadd.f32 v18, v23;
	v15 =	vadd.s32 $0xFFFFFF81, v15;
	v23 =	vadd.f32 $-1.242014100e-01, v10  }
0xf3: {  	v15 =	vcvt.s32.f32 v15;
	v10 =	vld [tilespmem:s19+$0x1200];
	v19 =	vsub.f32 v19, v20;
	v20 =	vadd.f32 $2.000071410e-01, v21  }
0xf4: {  	v25 =	vshrl.u32 v25, $0x17;
	v18 =	vadd.f32 v18, v61;
	v23 =	vmul.f32 v23, v22  }
0xf5: {  	v9 =	vmax.f32 v9, $0.0e+00;
	v25 =	vand.u32 $0xFF, v25;
	v15 =	vmul.f32 $6.931471820e-01, v15  }
0xf6: {  	vm10 =	vmmov vm10;
	v18 =	vadd.f32 v18, v11;
	v11 =	vadd.f32 $1.424932330e-01, v23  }
0xf7: {  	vm13 =	vmmov vm10;
	v19 =	vadd.f32 v19, v15;
	v15 =	vmul.f32 v20, v16;
	v20 =	vpop (erf)  }
0xf8: {  	v21 =	vand.u32 $0x7FFFFFFF, v10;
	v11 =	vmul.f32 v11, v22;
	v20 =	vadd.f32 $1.000000000e+00, v20  }
0xf9: {  	v17 =	vshrl.u32 v17, $0x17;
	v21 =	vsub.f32 $0.0e+00, v21;
	v15 =	vadd.f32 $-2.499999400e-01, v15  }
0xfa: {  	v23 =	vmul.f32 v16, v16;
	v11 =	vadd.f32 $-1.666805740e-01, v11;
	v24 =	vand.u32 $0x7FFFFF, v20  }
0xfb: {  	v21 =	vmul.f32 $1.442695020e+00, v21;
	v15 =	vmul.f32 v15, v16;
	v24 =	vor.u32 $0x3F800000, v24  }
0xfc: {  	v17 =	vand.u32 $0xFF, v17;
	v11 =	vmul.f32 v11, v22;
	v26 =	vmul.f32 $5.000000000e-01, v24  }
0xfd: {  	v27 =	vmul.f32 v23, v16;
	(erf) = vpow2.f32 v21;
	vm10 =	vgt.f32 v24, $1.414213540e+00  }
0xfe: {  	v11 =	vadd.f32 $2.000071410e-01, v11;
	v24 =	vsel vm10, v26, v24;
	v26 =	vadd.f32 $3.333333130e-01, v15  }
0xff: {  	s26 =	simm.s32 $0x20;
	s28 =	simm.s32 $0x100;
	v12 =	vadd.f32 v19, v12;
	v21 =	vsel vm13, $0x1, v1;
	v15 =	vadd.f32 $-1.000000000e+00, v24  }
0x100: {  	s20 =	sand.u32 $0x400, s28;
	s19 =	sand.u32 $0x70, s26;
	v19 =	vadd.s32 v21, v25;
	v11 =	vmul.f32 v11, v22;
	v21 =	vmul.f32 v26, v27  }
0x101: {  	vm11 =	vmmov vm12;
	s19 =	sor.u32 s19, s20;
	v18 =	vadd.f32 v12, v18;
	v24 =	vmul.f32 $7.037683580e-02, v15  }
0x102: {  	vm11 =	vmmov vm11;
	v25 =	vadd.f32 $-2.499999400e-01, v11;
	v11 =	vld [tilespmem:s19+$0x1200];
	v16 =	vadd.f32 v21, v16  }
0x103: {  	v19 =	vadd.s32 $0xFFFFFF81, v19;
	v21 =	vmul.f32 $5.000000000e-01, v23;
	v23 =	vadd.f32 $-1.151461010e-01, v24  }
0x104: {  	v26 =	vsel vm11, $0x1, v1;
	v25 =	vmul.f32 v25, v22;
	v24 =	vmul.f32 v22, v22  }
0x105: {  	v19 =	vcvt.s32.f32 v19;
	v17 =	vadd.s32 v26, v17;
	v23 =	vmul.f32 v23, v15  }
0x106: {  	v21 =	vsub.f32 v16, v21;
	v25 =	vadd.f32 $3.333333130e-01, v25;
	v27 =	vmul.f32 v24, v22;
	v16 =	vpop (erf)  }
0x107: {  	v62 =	vand.u32 $0x7FFFFFFF, v11;
	v16 =	vadd.f32 $1.000000000e+00, v16;
	v23 =	vadd.f32 $1.167699840e-01, v23  }
0x108: {  	v19 =	vmul.f32 $6.931471820e-01, v19;
	v17 =	vadd.s32 $0xFFFFFF81, v17;
	v26 =	vsub.f32 $0.0e+00, v62  }
0x109: {  	v25 =	vmul.f32 v25, v27;
	v27 =	vand.u32 $0x7FFFFF, v16;
	v23 =	vmul.f32 v23, v15  }
0x10a: {  	v63 =	vcvt.s32.f32 v17;
	v26 =	vmul.f32 $1.442695020e+00, v26;
	v27 =	vor.u32 $0x3F800000, v27  }
0x10b: {  	v22 =	vadd.f32 v25, v22;
	v25 =	vmul.f32 $5.000000000e-01, v27;
	v23 =	vadd.f32 $-1.242014100e-01, v23  }
0x10c: {  	v19 =	vadd.f32 v21, v19;
	(erf) = vpow2.f32 v26;
	vm11 =	vgt.f32 v27, $1.414213540e+00  }
0x10d: {  	v24 =	vmul.f32 $5.000000000e-01, v24;
	v17 =	vsel vm11, v25, v27;
	v23 =	vmul.f32 v23, v15  }
0x10e: {  	s29 =	simm.s32 $0x30;
	s30 =	simm.s32 $0x180;
	v9 =	vadd.f32 v19, v9;
	v17 =	vadd.f32 $-1.000000000e+00, v17  }
0x10f: {  	s20 =	sand.u32 $0x400, s30;
	s19 =	sand.u32 $0x70, s29;
	v21 =	vsub.f32 v22, v24;
	v22 =	vmul.f32 $6.931471820e-01, v63;
	v23 =	vadd.f32 $1.424932330e-01, v23  }
0x110: {  	s19 =	sor.u32 s19, s20;
	v19 =	vmul.f32 $7.037683580e-02, v17  }
0x111: {  	v12 =	vld [tilespmem:s19+$0x1200];
	v9 =	vadd.f32 v9, v18;
	v21 =	vadd.f32 v21, v22;
	v22 =	vmul.f32 v23, v15  }
0x112: {  	v14 =	vmax.f32 v14, $0.0e+00;
	v18 =	vadd.f32 $-1.151461010e-01, v19  }
0x113: {  	v14 =	vadd.f32 v21, v14;
	v19 =	vadd.f32 $-1.666805740e-01, v22  }
0x114: {  	v21 =	vmul.f32 v18, v17  }
0x115: {  	v18 =	vadd.f32 v14, v9;
	v9 =	vpop (erf);
	v19 =	vmul.f32 v19, v15  }
0x116: {  	v22 =	vand.u32 $0x7FFFFFFF, v12;
	v14 =	vadd.f32 $1.000000000e+00, v9;
	v9 =	vadd.f32 $1.167699840e-01, v21  }
0x117: {  	v21 =	vsub.f32 $0.0e+00, v22;
	v19 =	vadd.f32 $2.000071410e-01, v19  }
0x118: {  	v22 =	vand.u32 $0x7FFFFF, v14;
	v9 =	vmul.f32 v9, v17  }
0x119: {  	v21 =	vmul.f32 $1.442695020e+00, v21;
	v22 =	vor.u32 $0x3F800000, v22;
	v19 =	vmul.f32 v19, v15  }
0x11a: {  	vm10 =	vmmov vm10;
	v23 =	vmul.f32 $5.000000000e-01, v22  }
0x11b: {  	v9 =	vadd.f32 $-1.242014100e-01, v9;
	(erf) = vpow2.f32 v21;
	v19 =	vadd.f32 $-2.499999400e-01, v19  }
0x11c: {  	s31 =	simm.s32 $0x40;
	vm12 =	vmmov vm10;
	s19 =	simm.s32 $0x200;
	vm10 =	vmmov vm11;
	vm11 =	vgt.f32 v22, $1.414213540e+00  }
0x11d: {  	s20 =	sand.u32 $0x70, s31;
	s21 =	sand.u32 $0x400, s19;
	v25 =	vshrl.u32 v20, $0x17;
	v20 =	vsel vm11, v23, v22;
	v22 =	vmul.f32 v9, v17  }
0x11e: {  	s20 =	sor.u32 s20, s21;
	v21 =	vmul.f32 v15, v15;
	v20 =	vadd.f32 $-1.000000000e+00, v20;
	v24 =	vmul.f32 v19, v15  }
0x11f: {  	v23 =	vand.u32 $0xFF, v25;
	v25 =	vsel vm12, $0x1, v1;
	v9 =	vld [tilespmem:s20+$0x1200];
	s20 =	simm.s32 $0x50;
	v22 =	vadd.f32 $1.424932330e-01, v22;
	v19 =	vmovc v17  }
.LBB2_7:
0x120: {  	v26 =	vmovc v17;
	v17 =	vmov v20;
	v20 =	vmul.f32 $7.037683580e-02, v20;
	v24 =	vadd.f32 $3.333333130e-01, v24  }
0x121: {  	p0 =	sne.s32 s20, $0xA0;
	v28 =	vmul.f32 v21, v15;
	vm12 =	vmmov vm10;
	vm10 =	vmmov vm11  }
0x122: {  	v23 =	vadd.s32 v25, v23;
	v22 =	vmul.f32 v22, v19  }
0x123: {  	v23 =	vadd.s32 $0xFFFFFF81, v23;
	v20 =	vadd.f32 $-1.151461010e-01, v20;
	v24 =	vmul.f32 v24, v28  }
0x124: {  	v23 =	vcvt.s32.f32 v23;
	v25 =	vand.u32 $0x7FFFFFFF, v9;
	v22 =	vadd.f32 $-1.666805740e-01, v22;
	v27 =	vpop (erf)  }
0x125: {  	v21 =	vmul.f32 $5.000000000e-01, v21;
	v20 =	vmul.f32 v20, v17;
	v24 =	vadd.f32 v24, v15;
	v15 =	vmovc v19;
	v19 =	vmovc v17  }
0x126: {  	v25 =	vsub.f32 $0.0e+00, v25;
	v27 =	vadd.f32 $1.000000000e+00, v27;
	v22 =	vmul.f32 v22, v15  }
0x127: {  	v23 =	vmul.f32 $6.931471820e-01, v23;
	v20 =	vadd.f32 $1.167699840e-01, v20;
	v21 =	vsub.f32 v24, v21  }
0x128: {  	v24 =	vmul.f32 $1.442695020e+00, v25;
	v25 =	vmax.f32 v13, $0.0e+00;
	v13 =	vmovc v10;
	v10 =	vmovc v11;
	v22 =	vadd.f32 $2.000071410e-01, v22  }
0x129: {  	v11 =	vmovc v12;
	v12 =	vmovc v9;
	v28 =	vand.u32 $0x7FFFFF, v27;
	v20 =	vmul.f32 v20, v19;
	v21 =	vadd.f32 v21, v23  }
0x12a: {  	v9 =	vor.u32 $0x3F800000, v28;
	v22 =	vmul.f32 v22, v15;
	(erf) = vpow2.f32 v24  }
.Ltmp3:
0x12b: {  	s21 =	sand.u32 $0x70, s20;
	s19 =	sadd.s32 $0x80, s19;
	v23 =	vmul.f32 $5.000000000e-01, v9;
	v20 =	vadd.f32 $-1.242014100e-01, v20;
	v21 =	vadd.f32 v21, v25;
	(pc) =	sbr.rel @p0 .LBB2_7-.Ltmp3, $4  }
0x12c: {  	s22 =	sand.u32 $0x400, s19;
	vm11 =	vgt.f32 v9, $1.414213540e+00;
	v25 =	vshrl.u32 v16, $0x17;
	v16 =	vmovc v14;
	v14 =	vmovc v27;
	v22 =	vadd.f32 $-2.499999400e-01, v22  }
0x12d: {  	s21 =	sor.u32 s21, s22;
	v23 =	vsel vm11, v23, v9;
	v27 =	vmul.f32 v20, v19;
	v18 =	vadd.f32 v21, v18  }
0x12e: {  	v21 =	vmul.f32 v26, v15;
	v20 =	vadd.f32 $-1.000000000e+00, v23;
	v24 =	vmul.f32 v22, v15;
	v9 =	vld [tilespmem:s21+$0x1200]  }
0x12f: {  	s20 =	sadd.s32 $0x10, s20;
	v23 =	vand.u32 $0xFF, v25;
	v25 =	vsel vm12, $0x1, v1;
	v22 =	vadd.f32 $1.424932330e-01, v27  }
0x130: {  	v26 =	vmul.f32 $7.037683580e-02, v20;
	v24 =	vadd.f32 $3.333333130e-01, v24  }
0x131: {  	v28 =	vmul.f32 v21, v15;
	v23 =	vadd.s32 v25, v23;
	v37 =	vmul.f32 $5.000000000e-01, v21  }
0x132: {  	vm10 =	vmmov vm10;
	v13 =	vmax.f32 v13, $0.0e+00;
	vm11 =	vmmov vm11  }
0x133: {  	v16 =	vshrl.u32 v16, $0x17;
	v17 =	vmul.f32 v17, v19;
	v53 =	vmin.f32 v8, $5.000000070e-02  }
0x134: {  	v54 =	vmul.f32 v5, v8;
	v55 =	vmin.f32 v5, $5.000000070e-02;
	v29 =	vmin.f32 v8, $1.000000010e-01  }
0x135: {  	v30 =	vmin.f32 v5, $1.000000010e-01;
	v31 =	vmin.f32 v8, $1.500000060e-01;
	v32 =	vmin.f32 v5, $1.500000060e-01  }
0x136: {  	v14 =	vshrl.u32 v14, $0x17;
	v61 =	vmul.f32 v20, v20;
	v10 =	vmax.f32 v10, $0.0e+00  }
0x137: {  	v11 =	vmax.f32 v11, $0.0e+00;
	v22 =	vmul.f32 v22, v19;
	v23 =	vadd.s32 $0xFFFFFF81, v23  }
0x138: {  	v16 =	vand.u32 $0xFF, v16;
	v45 =	vsel vm10, $0x1, v1;
	vm12 =	vmmov vm11  }
0x139: {  	v29 =	vmul.f32 v30, v29;
	v31 =	vmul.f32 v32, v31;
	v14 =	vand.u32 $0xFF, v14  }
0x13a: {  	v34 =	vadd.f32 $-1.151461010e-01, v26;
	v24 =	vmul.f32 v24, v28;
	v23 =	vcvt.s32.f32 v23  }
0x13b: {  	v47 =	vmul.f32 v17, v19;
	v16 =	vadd.s32 v45, v16;
	v17 =	vmul.f32 $5.000000000e-01, v17  }
0x13c: {  	v26 =	vmul.f32 v55, v53;
	v56 =	vadd.f32 $2.499999940e-03, v54;
	v27 =	vand.u32 $0x7FFFFFFF, v9  }
0x13d: {  	v57 =	vadd.f32 $9.999999770e-03, v54;
	v62 =	vsel vm12, $0x1, v1;
	v27 =	vsub.f32 $0.0e+00, v27  }
0x13e: {  	v63 =	vmul.f32 v61, v20;
	v22 =	vadd.f32 $-1.666805740e-01, v22;
	v16 =	vadd.s32 $0xFFFFFF81, v16  }
0x13f: {  	v36 =	vpop (erf);
	v14 =	vadd.s32 v62, v14;
	v25 =	vmul.f32 v34, v20;
	v35 =	vmul.f32 $1.442695020e+00, v27  }
0x140: {  	v24 =	vadd.f32 v24, v15;
	v15 =	vadd.f32 $1.000000000e+00, v36;
	v23 =	vmul.f32 $6.931471820e-01, v23  }
0x141: {  	v16 =	vcvt.s32.f32 v16;
	v28 =	vsub.f32 v56, v26;
	(erf) = vpow2.f32 v35  }
0x142: {  	v14 =	vadd.s32 $0xFFFFFF81, v14;
	v34 =	vmul.f32 $5.000000000e-01, v61;
	v22 =	vmul.f32 v22, v19  }
0x143: {  	v14 =	vcvt.s32.f32 v14;
	v25 =	vadd.f32 $1.167699840e-01, v25;
	v21 =	vsub.f32 v24, v37  }
0x144: {  	v38 =	vand.u32 $0x7FFFFF, v15;
	v16 =	vmul.f32 $6.931471820e-01, v16;
	v22 =	vadd.f32 $2.000071410e-01, v22  }
0x145: {  	v39 =	vor.u32 $0x3F800000, v38;
	v25 =	vmul.f32 v25, v20;
	v21 =	vadd.f32 v21, v23  }
0x146: {  	v30 =	vsub.f32 v57, v29;
	v24 =	vmul.f32 $5.000000000e-01, v39;
	v22 =	vmul.f32 v22, v19  }
0x147: {  	vm13 =	vgt.f32 v39, $1.414213540e+00;
	(erf) = vrcp.f32 v28;
	v13 =	vadd.f32 v21, v13  }
0x148: {  	v25 =	vadd.f32 $-1.242014100e-01, v25;
	v41 =	vsel vm13, v24, v39;
	v40 =	vadd.f32 $-2.499999400e-01, v22  }
0x149: {  	v14 =	vmul.f32 $6.931471820e-01, v14;
	v18 =	vadd.f32 v13, v18;
	v13 =	vadd.f32 $-1.000000000e+00, v41  }
0x14a: {  	v15 =	vshrl.u32 v15, $0x17;
	v42 =	vmul.f32 v25, v20;
	v21 =	vmul.f32 v40, v19;
	v44 =	vpop (erf)  }
0x14b: {  	v15 =	vand.u32 $0xFF, v15;
	v46 =	vmul.f32 $7.037683580e-02, v13;
	v23 =	vadd.f32 $1.000000000e+00, v44  }
0x14c: {  	vm11 =	vmmov vm13;
	v43 =	vadd.f32 $1.424932330e-01, v42;
	v21 =	vadd.f32 $3.333333130e-01, v21  }
0x14d: {  	(erf) = vrcp.f32 v30;
	v25 =	vadd.f32 $-1.151461010e-01, v46;
	v48 =	vand.u32 $0x7FFFFF, v23  }
0x14e: {  	v22 =	vmul.f32 v43, v20;
	v21 =	vmul.f32 v21, v47;
	v49 =	vor.u32 $0x3F800000, v48  }
0x14f: {  	vm11 =	vmmov vm11;
	v25 =	vmul.f32 v25, v13;
	v27 =	vmul.f32 $5.000000000e-01, v49  }
0x150: {  	v45 =	vmul.f32 v13, v13;
	v22 =	vadd.f32 $-1.666805740e-01, v22;
	vm10 =	vgt.f32 v49, $1.414213540e+00  }
0x151: {  	v30 =	vpop (erf);
	v50 =	vadd.f32 v21, v19;
	v51 =	vadd.f32 $1.167699840e-01, v25;
	v24 =	vsel vm10, v27, v49  }
0x152: {  	v47 =	vmul.f32 v45, v13;
	v37 =	vmul.f32 v30, v26;
	v24 =	vadd.f32 $-1.000000000e+00, v24  }
0x153: {  	v22 =	vmul.f32 v22, v20;
	v17 =	vsub.f32 v50, v17;
	v21 =	vmul.f32 v51, v13  }
0x154: {  	v48 =	vsel vm11, $0x1, v1;
	v27 =	vadd.f32 $2.250000090e-02, v54;
	v52 =	vmul.f32 $7.037683580e-02, v24  }
0x155: {  	v50 =	vshrl.u32 v23, $0x17;
	v22 =	vadd.f32 $2.000071410e-01, v22;
	v58 =	vadd.f32 $-1.242014100e-01, v21  }
0x156: {  	vm11 =	vgt.f32 v7, $0.0e+00;
	v27 =	vsub.f32 v27, v31;
	v25 =	vadd.f32 $-1.151461010e-01, v52  }
0x157: {  	v15 =	vadd.s32 v48, v15;
	v22 =	vmul.f32 v22, v20;
	v19 =	vmul.f32 v58, v13  }
0x158: {  	v16 =	vadd.f32 v17, v16;
	(erf) = vrcp.f32 v27;
	v60 =	vmul.f32 v25, v24  }
0x159: {  	vm10 =	vmmov vm10;
	v59 =	vadd.f32 $-2.499999400e-01, v22;
	v19 =	vadd.f32 $1.424932330e-01, v19  }
0x15a: {  	v49 =	vadd.s32 $0xFFFFFF81, v15;
	v15 =	vand.u32 $0xFF, v50;
	v22 =	vadd.f32 $1.167699840e-01, v60  }
0x15b: {  	vm10 =	vmmov vm10;
	v21 =	vmul.f32 v59, v20;
	v19 =	vmul.f32 v19, v13  }
0x15c: {  	v16 =	vadd.f32 v16, v10;
	v53 =	vsel vm10, $0x1, v1;
	v22 =	vmul.f32 v22, v24  }
0x15d: {  	vm10 =	vgt.f32 v6, $0.0e+00;
	v21 =	vadd.f32 $3.333333130e-01, v21;
	v32 =	vadd.f32 $-1.666805740e-01, v19  }
0x15e: {  	v16 =	vadd.f32 v16, v18;
	v51 =	vmul.f32 v24, v24;
	v22 =	vadd.f32 $-1.242014100e-01, v22  }
0x15f: {  	v58 =	vadd.s32 v53, v15;
	v21 =	vmul.f32 v21, v63;
	v17 =	vmul.f32 v32, v13  }
0x160: {  	v36 =	vpop (erf);
	vm10 =	vmand vm10, vm11;
	v18 =	vmul.f32 $1.300000000e+01, v6;
	v35 =	vmul.f32 v22, v24  }
0x161: {  	v33 =	vadd.f32 v21, v20;
	v17 =	vadd.f32 $2.000071410e-01, v17;
	v38 =	vpop (erf);
	v22 =	vmul.f32 v36, v29  }
0x162: {  	v15 =	vadd.s32 $0xFFFFFF81, v58;
	v39 =	vmul.f32 v38, v31;
	v21 =	vadd.f32 $1.424932330e-01, v35  }
0x163: {  	v19 =	vsub.f32 v33, v34;
	v17 =	vmul.f32 v17, v13;
	v40 =	vmax.f32 v37, v22  }
0x164: {  	vm12 =	vgt.f32 v22, v37;
	vm13 =	vgt.f32 v39, v40;
	v41 =	vmul.f32 v21, v24  }
0x165: {  	v17 =	vadd.f32 $-2.499999400e-01, v17;
	v10 =	vsel vm12, $0x1, v1;
	vm13 =	vmneg vm13  }
0x166: {  	v10 =	vnsel vm13, $0x2, v10;
	vm12 =	vmand vm13, vm12;
	v20 =	vadd.f32 $-1.666805740e-01, v41  }
0x167: {  	v14 =	vadd.f32 v19, v14;
	vm13 =	veq.s32 v10, $0x0;
	v42 =	vsel vm12, $0x3DCCCCCD, v2  }
0x168: {  	v17 =	vmul.f32 v17, v13;
	v43 =	vsel vm13, $0x3D4CCCCD, v42;
	v44 =	vmul.f32 v20, v24  }
0x169: {  	v52 =	vmul.f32 $5.000000000e-01, v45;
	v11 =	vadd.f32 v14, v11;
	(erf) = vrcp.f32 v43  }
0x16a: {  	v55 =	vmul.f32 v51, v24;
	v17 =	vadd.f32 $3.333333130e-01, v17;
	v46 =	vadd.f32 $2.000071410e-01, v44  }
0x16b: {  	v15 =	vcvt.s32.f32 v15;
	v21 =	vadd.f32 v11, v16;
	v11 =	vcvt.s32.f32 v49  }
0x16c: {  	v59 =	vmax.f32 v12, $0.0e+00;
	v17 =	vmul.f32 v17, v47;
	v14 =	vmul.f32 v46, v24  }
0x16d: {  	v58 =	vmax.f32 v9, $0.0e+00;
	v16 =	vmul.f32 $5.000000000e-01, v51;
	v49 =	vmul.f32 $6.931471820e-01, v15  }
0x16e: {  	vm12 =	vlt.f32 v6, $1.000000000e+00;
	v13 =	vadd.f32 v17, v13;
	v14 =	vadd.f32 $-2.499999400e-01, v14  }
0x16f: {  	v57 =	vmul.f32 $6.931471820e-01, v11;
	v32 =	vmul.u32 $0xA9, v10;
	vm10 =	vmand vm10, vm12  }
0x170: {  	vm12 =	vlt.f32 v7, $1.000000000e+00;
	v13 =	vsub.f32 v13, v52;
	v14 =	vmul.f32 v14, v24  }
0x171: {  	v15 =	vshll.u32 v10, $0x8;
	vm10 =	vmand vm12, vm10;
	vm12 =	vgt.f32 v8, $0.0e+00  }
0x172: {  	v20 =	vtrunc.f32 v18;
	v60 =	vadd.f32 v13, v57;
	v54 =	vpop (erf);
	v14 =	vadd.f32 $3.333333130e-01, v14  }
0x173: {  	v26 =	vcvt.f32.s32 v20;
	vm13 =	vlt.f32 v18, v20;
	v56 =	vmul.f32 v54, v8  }
0x174: {  	v28 =	vsel vm13, $0xFFFFFFFF, v1;
	v22 =	vadd.f32 v60, v59;
	v14 =	vmul.f32 v14, v55  }
0x175: {  	vm10 =	vmand vm12, vm10;
	v29 =	vadd.s32 v26, v28;
	v11 =	vadd.f32 $1.000000020e-16, v56  }
0x176: {  	vm14 =	vgt.s32 v29, $0x0;
	v21 =	vadd.f32 v22, v21;
	v61 =	vadd.f32 v14, v24  }
0x177: {  	v62 =	vand.u32 $0x7FFFFF, v11;
	v14 =	vmul.f32 $1.300000000e+01, v7;
	v11 =	vshrl.u32 v11, $0x17  }
0x178: {  	v8 =	vnsel vm14, $0x0, v29;
	v12 =	vor.u32 $0x3F800000, v62;
	v11 =	vand.u32 $0xFF, v11  }
0x179: {  	v63 =	vmul.f32 $5.000000000e-01, v12;
	vm11 =	vgt.f32 v12, $1.414213540e+00;
	v7 =	vtrunc.f32 v14  }
0x17a: {  	v34 =	vsub.f32 v61, v16;
	v16 =	vmul.u32 $0xA00, v10;
	vm12 =	vlt.f32 v14, v7  }
0x17b: {  	v24 =	vcvt.f32.s32 v7;
	v13 =	vsel vm11, v63, v12;
	v27 =	vsel vm12, $0xFFFFFFFF, v1  }
0x17c: {  	vm12 =	vgt.f32 v5, $0.0e+00;
	v5 =	vmul.f32 v54, v5;
	v53 =	vand.u32 $0x1800, v16  }
0x17d: {  	v56 =	vadd.f32 v34, v49;
	v16 =	vadd.s32 $0x800, v16;
	v12 =	vadd.f32 $-1.000000000e+00, v13  }
0x17e: {  	v6 =	vadd.s32 v24, v27;
	vm12 =	vmand vm12, vm10;
	v13 =	vmin.u32 v8, $0xC  }
0x17f: {  	v16 =	vand.u32 $0x3800, v16;
	vm13 =	vgt.s32 v6, $0x0;
	v25 =	vmul.f32 $7.037683580e-02, v12  }
0x180: {  	v33 =	vsel vm12, $0x1, v1;
	v17 =	vadd.f32 $1.000000020e-16, v5;
	v9 =	vadd.f32 v56, v58  }
0x181: {  	v6 =	vnsel vm13, $0x0, v6;
	v35 =	vbroadcast v33, $0x1;
	v7 =	vadd.f32 $-1.151461010e-01, v25  }
0x182: {  	v37 =	vbroadcast v33, $0x2;
	(v2sf) =	vpush v33, $0x9;
	v43 =	vbroadcast v33, $0x6  }
0x183: {  	v56 =	vmul.f32 v12, v12;
	v20 =	vmin.u32 v6, $0xC;
	v7 =	vmul.f32 v7, v12  }
0x184: {  	v38 =	vand.u32 $0x7FFFFF, v17;
	v9 =	vadd.f32 v9, v21;
	v31 =	vmul.u32 $0xD, v20  }
0x185: {  	v17 =	vshrl.u32 v17, $0x17;
	v5 =	vand.u32 $0x1, v35;
	v30 =	vadd.f32 $1.167699840e-01, v7  }
0x186: {  	v44 =	vand.u32 $0x1, v43;
	v20 =	vcvt.s32.f32 v20;
	v7 =	vadd.s32 v13, v31  }
0x187: {  	v17 =	vand.u32 $0xFF, v17;
	v8 =	vadd.s32 v7, v32;
	v6 =	vmul.f32 v30, v12  }
0x188: {  	vm10 =	veq.s32 v5, $0x1;
	v36 =	vbroadcast v8, $0x1;
	v39 =	vbroadcast v8, $0x2  }
0x189: {  	v5 =	vand.u32 $0x1, v37;
	v40 =	vbroadcast v8, $0x3;
	v41 =	vbroadcast v8, $0x4  }
0x18a: {  	v52 =	vshll.u32 v7, $0x3;
	v42 =	vbroadcast v8, $0x5;
	v45 =	vbroadcast v8, $0x7  }
0x18b: {  	v46 =	vbroadcast v8, $0x8;
	v47 =	vbroadcast v8, $0x9;
	v63 =	vmul.u32 $0x5, v8  }
0x18c: {  	v6 =	vadd.f32 $-1.242014100e-01, v6;
	vm13 =	veq.s32 v8, v36;
	vm14 =	veq.s32 v8, v39  }
0x18d: {  	vm10 =	vmand vm10, vm13;
	vm13 =	veq.s32 v5, $0x1;
	v5 =	vbroadcast v33, $0x3  }
0x18e: {  	vm15 =	veq.s32 v8, v40;
	vm10 =	vmand vm10, vm0;
	vm13 =	vmand vm13, vm14  }
0x18f: {  	v50 =	vmul.f32 v6, v12;
	v6 =	vand.u32 $0xC00, v52;
	v5 =	vand.u32 $0x1, v5  }
0x190: {  	vm13 =	vmand vm13, vm1;
	v16 =	vadd.s32 v6, v16;
	vm14 =	veq.s32 v5, $0x1  }
0x191: {  	v5 =	vbroadcast v33, $0x4;
	v26 =	vadd.f32 $1.424932330e-01, v50;
	vm14 =	vmand vm14, vm15  }
0x192: {  	vm10 =	vmor vm10, vm13;
	vm15 =	veq.s32 v8, v41;
	vm13 =	vmand vm14, vm2  }
0x193: {  	v5 =	vand.u32 $0x1, v5;
	v59 =	vmul.f32 v26, v12;
	v26 =	vsel vm11, $0x1, v1  }
0x194: {  	vm11 =	vlt.u32 v4, $0x5;
	vm14 =	veq.s32 v5, $0x1;
	v5 =	vbroadcast v33, $0x5  }
0x195: {  	vm10 =	vmor vm13, vm10;
	vm11 =	vmand vm11, vm12;
	v11 =	vadd.s32 v26, v11  }
0x196: {  	vm13 =	vmand vm14, vm15;
	vm15 =	veq.s32 v8, v42;
	v61 =	vadd.f32 $-1.666805740e-01, v59  }
0x197: {  	v23 =	vsel vm11, $0x1, v1;
	v11 =	vadd.s32 $0xFFFFFF81, v11;
	v5 =	vand.u32 $0x1, v5  }
0x198: {  	vm13 =	vmand vm13, vm3;
	vm14 =	veq.s32 v5, $0x1;
	v5 =	vbroadcast v8, $0x6  }
0x199: {  	v37 =	vbroadcast v23, $0x2;
	vm10 =	vmor vm13, vm10;
	vm13 =	vmand vm14, vm15  }
0x19a: {  	vm14 =	veq.s32 v44, $0x1;
	vm15 =	veq.s32 v8, v5;
	v5 =	vbroadcast v33, $0x7  }
0x19b: {  	v40 =	vbroadcast v23, $0x3;
	vm13 =	vmand vm13, vm4;
	vm14 =	vmand vm14, vm15  }
0x19c: {  	vm10 =	vmor vm13, vm10;
	vm15 =	veq.s32 v8, v45;
	v5 =	vand.u32 $0x1, v5  }
0x19d: {  	vm13 =	vmand vm14, vm5;
	vm14 =	veq.s32 v5, $0x1;
	v5 =	vbroadcast v33, $0x8  }
0x19e: {  	v42 =	vbroadcast v23, $0x4;
	vm10 =	vmor vm13, vm10;
	vm13 =	vmand vm14, vm15  }
0x19f: {  	s19 =	spop (v2sf);
	vm14 =	veq.s32 v8, v46;
	vm13 =	vmand vm13, vm6;
	v5 =	vand.u32 $0x1, v5  }
0x1a0: {  	p0 =	sne.s32 s19, $0x0;
	vm15 =	vmmov vm8;
	vm10 =	vmor vm13, vm10;
	vm13 =	veq.s32 v5, $0x1  }
0x1a1: {  	vm15 =	vmneg @p0 vm15;
	vm13 =	vmand vm13, vm14;
	vm14 =	veq.s32 v8, v47  }
0x1a2: {  	v50 =	vbroadcast v23, $0x7;
	vm13 =	vmand vm13, vm7;
	vm14 =	vmand vm15, vm14  }
0x1a3: {  	v5 =	vor.u32 $0x3F800000, v38;
	vm10 =	vmor vm13, vm10;
	vm14 =	vmand vm14, vm9  }
0x1a4: {  	v11 =	vcvt.s32.f32 v11;
	v48 =	vmul.f32 $5.000000000e-01, v5;
	vm10 =	vmor vm14, vm10  }
0x1a5: {  	(v2sf) =	vpush v23, $0x9;
	vm13 =	vgt.f32 v5, $1.414213540e+00;
	vm10 =	vmneg vm10  }
0x1a6: {  	v22 =	vmul.f32 v61, v12;
	v5 =	vsel vm13, v48, v5;
	vm10 =	vmand vm12, vm10  }
0x1a7: {  	v24 =	vadd.f32 $-1.000000000e+00, v5;
	v5 =	vand.u32 $0x7F, v7;
	v51 =	vsel vm10, $0x3F800000, v1  }
0x1a8: {  	v44 =	vbroadcast v23, $0x5;
	v7 =	vadd.s32 v6, v53;
	v55 =	vor.u32 v15, v5;
	(xrf2) =	vadd.scan.msk.f32 $0xffff, v51  }
0x1a9: {  	v28 =	vand.u32 $0x1, v37;
	v11 =	vmul.f32 $6.931471820e-01, v11;
	v19 =	vor.u32 v7, v55  }
0x1aa: {  	v22 =	vadd.f32 $2.000071410e-01, v22;
	v46 =	vand.u32 $0x1, v44;
	v29 =	vsel vm13, $0x1, v1  }
0x1ab: {  	v47 =	vbroadcast v23, $0x6;
	v53 =	vcvt.s32.f32 v13;
	v17 =	vadd.s32 v29, v17  }
0x1ac: {  	v13 =	vmul.u32 $0xA, v10;
	vm12 =	vgt.s32 v4, $0x0;
	v17 =	vadd.s32 $0xFFFFFF81, v17  }
0x1ad: {  	v15 =	vor.u32 v15, v16;
	v54 =	vmul.f32 $7.037683580e-02, v24;
	v4 =	vnsel vm12, $0x0, v4  }
0x1ae: {  	v21 =	vsub.f32 v18, v53;
	v10 =	vadd.s32 $0x5, v13;
	v53 =	vadd.s32 $0x2, v13;
	v7 =	vld.idx.msk [tilespmem:v19+s2+$0x0], $0xffff  }
0x1af: {  	v15 =	vor.u32 v5, v15;
	v8 =	vmin.u32 v4, $0x4;
	v4 =	vbroadcast v23, $0x1  }
0x1b0: {  	v58 =	vshll.u32 v10, $0x8;
	v57 =	vadd.f32 $-1.151461010e-01, v54;
	v25 =	vadd.s32 v8, v63  }
0x1b1: {  	v54 =	vmul.f32 v22, v12;
	v8 =	vadd.s32 v8, v10;
	v34 =	vbroadcast v25, $0x1  }
0x1b2: {  	v4 =	vand.u32 $0x1, v4;
	v39 =	vbroadcast v25, $0x2;
	v41 =	vbroadcast v25, $0x3;
	v35, _, _ =	vpop (xrf2)  }
0x1b3: {  	vm12 =	veq.s32 v4, $0x1;
	v36 =	vand.u32 $0x7FFFFFFF, v7;
	v4 =	vbroadcast v35, $0xF  }
0x1b4: {  	v43 =	vbroadcast v25, $0x4;
	v45 =	vbroadcast v25, $0x5;
	v30 =	vsub.f32 $0.0e+00, v36  }
0x1b5: {  	v49 =	vbroadcast v25, $0x6;
	v51 =	vbroadcast v25, $0x7;
	v38 =	vadd.f32 $1.000000020e-16, v4  }
0x1b6: {  	v60 =	vmul.f32 v57, v24;
	v18 =	vadd.f32 $-2.499999400e-01, v54;
	v30 =	vmul.f32 $1.442695020e+00, v30  }
0x1b7: {  	v54 =	vadd.s32 $0x7, v13;
	vm13 =	veq.s32 v25, v34;
	(erf) = vrcp.f32 v38  }
0x1b8: {  	vm14 =	veq.s32 v25, v39;
	vm15 =	veq.s32 v25, v41;
	(erf) = vpow2.f32 v30  }
0x1b9: {  	v34 =	vshll.u32 v10, $0x7;
	v19 =	vor.u32 $0x80, v19;
	v62 =	vadd.f32 $1.167699840e-01, v60  }
0x1ba: {  	vm12 =	vmand vm12, vm13;
	vm13 =	veq.s32 v28, $0x1;
	v28 =	vand.u32 $0x1, v40  }
0x1bb: {  	v34 =	vand.u32 $0x380, v34;
	v18 =	vmul.f32 v18, v12;
	vm13 =	vmand vm13, vm14  }
0x1bc: {  	vm12 =	vmand vm12, vm0;
	vm14 =	veq.s32 v28, $0x1;
	vm13 =	vmand vm13, vm1  }
0x1bd: {  	v32 =	vmul.f32 v62, v24;
	vm12 =	vmor vm12, vm13;
	vm13 =	vmand vm14, vm15  }
0x1be: {  	v28 =	vand.u32 $0x1, v42;
	vm14 =	veq.s32 v25, v43;
	vm13 =	vmand vm13, vm2  }
0x1bf: {  	v33 =	vadd.f32 $-1.242014100e-01, v32;
	vm12 =	vmor vm13, vm12;
	vm13 =	veq.s32 v28, $0x1  }
0x1c0: {  	vm15 =	veq.s32 v25, v45;
	v28 =	vand.u32 $0x1, v47;
	vm13 =	vmand vm13, vm14;
	v30 =	vpop (erf)  }
0x1c1: {  	v27 =	vmul.f32 v33, v24;
	vm14 =	veq.s32 v46, $0x1;
	vm13 =	vmand vm13, vm3;
	v48 =	vpop (erf)  }
0x1c2: {  	vm14 =	vmand vm14, vm15;
	vm15 =	veq.s32 v25, v51;
	v31 =	vadd.f32 $1.000000000e+00, v48  }
0x1c3: {  	v27 =	vadd.f32 $1.424932330e-01, v27;
	vm12 =	vmor vm13, vm12;
	vm13 =	vmand vm14, vm4  }
0x1c4: {  	vm14 =	veq.s32 v25, v49;
	vm12 =	vmor vm13, vm12;
	v33 =	vand.u32 $0x7FFFFF, v31  }
0x1c5: {  	vm13 =	veq.s32 v28, $0x1;
	v28 =	vand.u32 $0x1, v50;
	v33 =	vor.u32 $0x3F800000, v33  }
0x1c6: {  	vm13 =	vmand vm13, vm14;
	vm14 =	veq.s32 v28, $0x1;
	v52 =	vmul.f32 $5.000000000e-01, v33  }
0x1c7: {  	v27 =	vmul.f32 v27, v24;
	vm14 =	vmand vm14, vm15;
	vm15 =	vgt.f32 v33, $1.414213540e+00  }
0x1c8: {  	v40 =	vadd.s32 $0x6, v13;
	v28 =	vsel vm15, v52, v33;
	v33 =	vand.u32 $0x3800, v58  }
0x1c9: {  	v42 =	vbroadcast v23, $0x8;
	v55 =	vadd.f32 $-1.666805740e-01, v27;
	v33 =	vadd.s32 v6, v33  }
0x1ca: {  	v62 =	vmul.f32 v24, v24;
	v43 =	vbroadcast v25, $0x8;
	v33 =	vor.u32 v34, v33  }
0x1cb: {  	v45 =	vbroadcast v25, $0x9;
	v19 =	vld.idx.msk [tilespmem:v19+s2+$0x0], $0xffff;
	v22 =	vmul.f32 v55, v24;
	v33 =	vor.u32 v5, v33  }
0x1cc: {  	v18 =	vadd.f32 $3.333333130e-01, v18;
	v63 =	vmul.f32 v62, v24;
	v35 =	vmul.f32 v56, v12  }
0x1cd: {  	v26 =	vmul.f32 $5.000000000e-01, v62;
	v22 =	vadd.f32 $2.000071410e-01, v22;
	v28 =	vadd.f32 $-1.000000000e+00, v28  }
0x1ce: {  	v41 =	vshll.u32 v40, $0x8;
	v36 =	vcvt.s32.f32 v17;
	v18 =	vmul.f32 v18, v35  }
0x1cf: {  	v44 =	vand.u32 $0x1, v42;
	v59 =	vmul.f32 v22, v24;
	v57 =	vmul.f32 $7.037683580e-02, v28  }
0x1d0: {  	v17 =	vshll.u32 v40, $0x7;
	v19 =	vsub.f32 v19, v21;
	v12 =	vadd.f32 v18, v12;
	v18 =	vld.idx.msk [tilespmem:v33+s2+$0x0], $0xffff  }
0x1d1: {  	v17 =	vand.u32 $0x300, v17;
	v60 =	vadd.f32 $-2.499999400e-01, v59;
	v32 =	vadd.f32 $-1.151461010e-01, v57  }
0x1d2: {  	vm13 =	vmand vm13, vm5;
	v19 =	vmul.f32 v19, v19;
	v27 =	vmul.f32 $5.000000000e-01, v56  }
0x1d3: {  	v22 =	vsub.f32 v14, v20;
	v14 =	vmul.f32 v60, v24;
	v32 =	vmul.f32 v32, v28  }
0x1d4: {  	vm12 =	vmor vm13, vm12;
	vm13 =	vmand vm14, vm6;
	vm14 =	veq.s32 v25, v43  }
0x1d5: {  	v14 =	vadd.f32 $3.333333130e-01, v14;
	v32 =	vadd.f32 $1.167699840e-01, v32;
	v34 =	vand.u32 $0x7FFFFFFF, v18  }
0x1d6: {  	v56 =	vshll.u32 v54, $0x8;
	vm12 =	vmor vm13, vm12;
	v35 =	vsub.f32 $0.0e+00, v34  }
0x1d7: {  	vm13 =	veq.s32 v44, $0x1;
	v14 =	vmul.f32 v14, v63;
	v61 =	vmul.f32 v32, v28  }
0x1d8: {  	v12 =	vsub.f32 v12, v27;
	vm14 =	vmand vm13, vm14;
	v39 =	vmul.f32 $1.442695020e+00, v35  }
0x1d9: {  	vm13 =	veq.s32 v25, v45;
	v14 =	vadd.f32 v14, v24;
	v20 =	vadd.f32 $-1.242014100e-01, v61  }
0x1da: {  	v24 =	vadd.f32 v12, v11;
	v12 =	vand.u32 $0x3800, v41;
	(erf) = vpow2.f32 v39  }
0x1db: {  	v27 =	vshll.u32 v53, $0x7;
	v12 =	vadd.s32 v6, v12;
	v20 =	vmul.f32 v20, v28  }
0x1dc: {  	v25 =	vmax.f32 v7, $0.0e+00;
	v27 =	vand.u32 $0x300, v27;
	v12 =	vor.u32 v17, v12  }
0x1dd: {  	vm14 =	vmand vm14, vm7;
	v12 =	vor.u32 v5, v12;
	v20 =	vadd.f32 $1.424932330e-01, v20  }
0x1de: {  	vm12 =	vmor vm14, vm12;
	v48 =	vsub.f32 $5.070000000e+02, v4;
	v46 =	vshrl.u32 v31, $0x17  }
0x1df: {  	v49 =	vsel vm15, $0x1, v1;
	v58 =	vshll.u32 v53, $0x8;
	v20 =	vmul.f32 v20, v28  }
0x1e0: {  	v11 =	vmul.f32 $6.931471820e-01, v36;
	v60 =	vand.u32 $0x3800, v58;
	v37 =	vsub.f32 v14, v26  }
0x1e1: {  	v47 =	vmul.f32 v28, v28;
	v17 =	vand.u32 $0xFF, v46;
	v38 =	vadd.f32 $-1.666805740e-01, v20  }
0x1e2: {  	v36 =	vadd.s32 $0x9, v13;
	v17 =	vadd.s32 v49, v17;
	v11 =	vadd.f32 v37, v11;
	v20 =	vld.idx.msk [tilespmem:v12+s2+$0x0], $0xffff  }
0x1e3: {  	v51 =	vmul.f32 v47, v28;
	v17 =	vadd.s32 $0xFFFFFF81, v17;
	v14 =	vmul.f32 v38, v28;
	v50 =	vpop (erf)  }
0x1e4: {  	v23 =	vmul.f32 $5.000000000e-01, v47;
	v37 =	vadd.s32 $0x3, v13;
	v29 =	vadd.f32 $1.000000000e+00, v50  }
0x1e5: {  	v13 =	vadd.s32 $0x4, v13;
	v31 =	vshll.u32 v37, $0x7;
	v14 =	vadd.f32 $2.000071410e-01, v14  }
0x1e6: {  	v17 =	vcvt.s32.f32 v17;
	v32 =	vand.u32 $0x3800, v56;
	v52 =	vand.u32 $0x7FFFFF, v29  }
0x1e7: {  	v57 =	vand.u32 $0x7FFFFFFF, v20;
	v14 =	vmul.f32 v14, v28;
	v26 =	vor.u32 $0x3F800000, v52  }
0x1e8: {  	v32 =	vadd.s32 v6, v32;
	v33 =	vsub.f32 $0.0e+00, v57;
	v55 =	vmul.f32 $5.000000000e-01, v26  }
0x1e9: {  	v12 =	vmul.f32 v30, v48;
	v14 =	vadd.f32 $-2.499999400e-01, v14;
	vm15 =	vgt.f32 v26, $1.414213540e+00  }
0x1ea: {  	v30 =	vshll.u32 v54, $0x7;
	v59 =	vmul.f32 $1.442695020e+00, v33;
	v26 =	vsel vm15, v55, v26  }
0x1eb: {  	v30 =	vand.u32 $0x380, v30;
	v14 =	vmul.f32 v14, v28;
	v26 =	vadd.f32 $-1.000000000e+00, v26  }
0x1ec: {  	v31 =	vand.u32 $0x380, v31;
	v30 =	vor.u32 v30, v32;
	(erf) = vpow2.f32 v59  }
0x1ed: {  	v30 =	vor.u32 v5, v30;
	v14 =	vadd.f32 $3.333333130e-01, v14;
	v61 =	vmul.f32 $7.037683580e-02, v26  }
0x1ee: {  	v17 =	vmul.f32 $6.931471820e-01, v17;
	v39 =	vshll.u32 v37, $0x8;
	v38 =	vshll.u32 v36, $0x8  }
0x1ef: {  	v15 =	vld.idx.msk [tilespmem:v15+s2+$0x0], $0xffff;
	v32 =	vand.u32 $0x3800, v38;
	v14 =	vmul.f32 v14, v51;
	v62 =	vadd.f32 $-1.151461010e-01, v61  }
0x1f0: {  	v18 =	vmax.f32 v18, $0.0e+00;
	v41 =	vand.u32 $0x3800, v39;
	v32 =	vadd.s32 v6, v32  }
0x1f1: {  	v28 =	vadd.f32 v14, v28;
	v14 =	vadd.s32 v6, v60;
	v63 =	vmul.f32 v62, v26  }
0x1f2: {  	v20 =	vmax.f32 v20, $0.0e+00;
	v57 =	vshrl.u32 v29, $0x17;
	v27 =	vor.u32 v27, v14;
	v14 =	vld.idx.msk [tilespmem:v30+s2+$0x0], $0xffff  }
0x1f3: {  	v46 =	vsel vm15, $0x1, v1;
	v30 =	vshll.u32 v36, $0x7;
	v16 =	vadd.f32 $1.167699840e-01, v63  }
0x1f4: {  	v36 =	vand.u32 $0x7FFFFFFF, v15;
	v27 =	vor.u32 v5, v27;
	v30 =	vand.u32 $0x380, v30  }
0x1f5: {  	v36 =	vsub.f32 $0.0e+00, v36;
	v30 =	vor.u32 v30, v32;
	v42 =	vpop (erf);
	v16 =	vmul.f32 v16, v26  }
0x1f6: {  	v23 =	vsub.f32 v28, v23;
	v30 =	vor.u32 v5, v30;
	v33 =	vadd.f32 $1.000000000e+00, v42  }
0x1f7: {  	v61 =	vmul.f32 v26, v26;
	v40 =	vand.u32 $0x7FFFFFFF, v14;
	v16 =	vadd.f32 $-1.242014100e-01, v16  }
0x1f8: {  	v32 =	vadd.s32 v6, v41;
	v43 =	vand.u32 $0x7FFFFF, v33;
	v34 =	vsub.f32 $0.0e+00, v40  }
0x1f9: {  	v31 =	vor.u32 v31, v32;
	v32 =	vor.u32 $0x3F800000, v43;
	v16 =	vmul.f32 v16, v26  }
0x1fa: {  	v17 =	vadd.f32 v23, v17;
	v27 =	vld.idx.msk [tilespmem:v27+s2+$0x0], $0xffff;
	v45 =	vmul.f32 $5.000000000e-01, v32;
	v34 =	vmul.f32 $1.442695020e+00, v34  }
0x1fb: {  	v47 =	vmul.f32 $1.442695020e+00, v36;
	vm15 =	vgt.f32 v32, $1.414213540e+00;
	v44 =	vadd.f32 $1.424932330e-01, v16;
	v16 =	vld.idx.msk [tilespmem:v30+s2+$0x0], $0xffff  }
0x1fc: {  	v17 =	vadd.f32 v17, v25;
	v32 =	vsel vm15, v45, v32;
	(erf) = vpow2.f32 v34  }
0x1fd: {  	v62 =	vmul.f32 v61, v26;
	v31 =	vor.u32 v5, v31;
	v28 =	vadd.f32 $-1.000000000e+00, v32  }
0x1fe: {  	v33 =	vshrl.u32 v33, $0x17;
	v7 =	vsub.f32 v17, v7;
	(erf) = vpow2.f32 v47  }
0x1ff: {  	v14 =	vmax.f32 v14, $0.0e+00;
	v59 =	vsel vm15, $0x1, v1;
	v49 =	vmul.f32 $7.037683580e-02, v28  }
0x200: {  	v7 =	vmul.f32 v7, v12;
	v22 =	vsub.f32 v27, v22;
	v50 =	vand.u32 $0x7FFFFFFF, v16  }
0x201: {  	v27 =	vand.u32 $0xFF, v57;
	v53 =	vadd.f32 $-1.151461010e-01, v49;
	v52 =	vsub.f32 $0.0e+00, v50  }
0x202: {  	v7 =	vsub.f32 v7, v17;
	v27 =	vadd.s32 v46, v27;
	v34 =	vmul.f32 v44, v26  }
0x203: {  	v51 =	vld.idx.msk [tilespmem:v31+s2+$0x0], $0xffff;
	v27 =	vadd.s32 $0xFFFFFF81, v27;
	v23 =	vmul.f32 v53, v28;
	v31 =	vmul.f32 $1.442695020e+00, v52  }
0x204: {  	v22 =	vmul.f32 v22, v22;
	v27 =	vcvt.s32.f32 v27;
	v48 =	vadd.f32 $-1.666805740e-01, v34  }
0x205: {  	v30 =	vmul.f32 $5.000000000e-01, v61;
	v23 =	vadd.f32 $1.167699840e-01, v23;
	v54 =	vpop (erf);
	(erf) = vpow2.f32 v31  }
0x206: {  	v19 =	vadd.f32 v22, v19;
	v27 =	vmul.f32 $6.931471820e-01, v27;
	v21 =	vmul.f32 v48, v26  }
0x207: {  	v50 =	vmul.f32 v28, v28;
	v25 =	vadd.f32 $1.000000000e+00, v54;
	v23 =	vmul.f32 v23, v28;
	v60 =	vpop (erf)  }
0x208: {  	v54 =	vand.u32 $0xFF, v33;
	v21 =	vadd.f32 $2.000071410e-01, v21;
	v29 =	vadd.f32 $1.000000000e+00, v60  }
0x209: {  	v53 =	vmul.f32 v50, v28;
	v56 =	vand.u32 $0x7FFFFF, v25;
	v23 =	vadd.f32 $-1.242014100e-01, v23  }
0x20a: {  	v55 =	vmul.f32 v21, v26;
	v21 =	vsub.f32 v51, v24;
	v24 =	vor.u32 $0x3F800000, v56  }
0x20b: {  	v25 =	vshrl.u32 v25, $0x17;
	v32 =	vand.u32 $0x7FFFFF, v29;
	v58 =	vmul.f32 $5.000000000e-01, v24  }
0x20c: {  	vm15 =	vgt.f32 v24, $1.414213540e+00;
	v23 =	vmul.f32 v23, v28;
	v32 =	vor.u32 $0x3F800000, v32  }
0x20d: {  	v22 =	vadd.f32 $-2.499999400e-01, v55;
	v36 =	vsel vm15, $0x1, v1;
	v37 =	vmul.f32 $5.000000000e-01, v32  }
0x20e: {  	v24 =	vsel vm15, v58, v24;
	v23 =	vadd.f32 $1.424932330e-01, v23;
	vm15 =	vgt.f32 v32, $1.414213540e+00;
	v38 =	vpop (erf)  }
0x20f: {  	v58 =	vmul.f32 $5.000000000e-01, v50;
	v22 =	vmul.f32 v22, v26;
	v38 =	vadd.f32 $1.000000000e+00, v38  }
0x210: {  	v24 =	vadd.f32 $-1.000000000e+00, v24;
	v32 =	vsel vm15, v37, v32;
	v23 =	vmul.f32 v23, v28  }
0x211: {  	v32 =	vadd.f32 $-1.000000000e+00, v32;
	v22 =	vadd.f32 $3.333333130e-01, v22;
	v41 =	vand.u32 $0x7FFFFF, v38  }
0x212: {  	v63 =	vmul.f32 $7.037683580e-02, v24;
	v61 =	vmul.f32 v24, v24;
	v42 =	vor.u32 $0x3F800000, v41  }
0x213: {  	v39 =	vsel vm15, $0x1, v1;
	v22 =	vmul.f32 v22, v62;
	v44 =	vmul.f32 $5.000000000e-01, v42  }
0x214: {  	v43 =	vmul.f32 $7.037683580e-02, v32;
	v35 =	vadd.f32 $-1.151461010e-01, v63;
	vm15 =	vgt.f32 v42, $1.414213540e+00  }
0x215: {  	v23 =	vadd.f32 $-1.666805740e-01, v23;
	v22 =	vadd.f32 v22, v26;
	v26 =	vsel vm15, v44, v42  }
0x216: {  	v40 =	vmul.f32 v35, v24;
	v35 =	vadd.f32 $-1.151461010e-01, v43;
	v26 =	vadd.f32 $-1.000000000e+00, v26  }
0x217: {  	v62 =	vand.u32 $0xFF, v25;
	v33 =	vmul.f32 v61, v24;
	v23 =	vmul.f32 v23, v28  }
0x218: {  	v34 =	vadd.f32 $1.167699840e-01, v40;
	v35 =	vmul.f32 v35, v32;
	v47 =	vmul.f32 $7.037683580e-02, v26  }
0x219: {  	v23 =	vadd.f32 $2.000071410e-01, v23;
	v22 =	vsub.f32 v22, v30;
	v30 =	vadd.s32 v59, v54  }
0x21a: {  	v34 =	vmul.f32 v34, v24;
	v46 =	vadd.f32 $1.167699840e-01, v35;
	v35 =	vadd.f32 $-1.151461010e-01, v47  }
0x21b: {  	v59 =	vshll.u32 v13, $0x8;
	v13 =	vshll.u32 v13, $0x7;
	v40 =	vshrl.u32 v29, $0x17  }
0x21c: {  	v23 =	vmul.f32 v23, v28;
	v34 =	vadd.f32 $-1.242014100e-01, v34;
	v35 =	vmul.f32 v35, v26  }
0x21d: {  	v56 =	vadd.s32 $0xFFFFFF81, v30;
	v31 =	vand.u32 $0x3800, v59;
	v49 =	vmul.f32 v46, v32  }
0x21e: {  	v22 =	vadd.f32 v22, v27;
	v45 =	vmul.f32 v34, v24;
	v55 =	vadd.f32 $1.167699840e-01, v35  }
0x21f: {  	v13 =	vand.u32 $0x300, v13;
	v23 =	vadd.f32 $-2.499999400e-01, v23;
	v52 =	vadd.f32 $-1.242014100e-01, v49  }
0x220: {  	v43 =	vsel vm15, $0x1, v1;
	v48 =	vadd.f32 $1.424932330e-01, v45;
	v57 =	vmul.f32 v55, v26  }
0x221: {  	v18 =	vadd.f32 v22, v18;
	v42 =	vshrl.u32 v38, $0x17;
	v27 =	vmul.f32 v52, v32  }
0x222: {  	vm15 =	vmmov vm8;
	v51 =	vmul.f32 v48, v24;
	v30 =	vadd.f32 $-1.242014100e-01, v57  }
0x223: {  	v46 =	vshll.u32 v8, $0x8;
	v8 =	vshll.u32 v8, $0x7;
	v27 =	vadd.f32 $1.424932330e-01, v27  }
0x224: {  	v23 =	vmul.f32 v23, v28;
	v22 =	vadd.f32 $-1.666805740e-01, v51;
	v30 =	vmul.f32 v30, v26  }
0x225: {  	v8 =	vand.u32 $0x380, v8;
	v34 =	vadd.s32 v6, v31;
	v27 =	vmul.f32 v27, v32  }
0x226: {  	v23 =	vadd.f32 $3.333333130e-01, v23;
	v22 =	vmul.f32 v22, v24;
	v60 =	vadd.f32 $1.424932330e-01, v30  }
0x227: {  	v41 =	vmul.f32 v26, v26;
	v45 =	vmul.f32 $4.000000000e+00, v4;
	v27 =	vadd.f32 $-1.666805740e-01, v27  }
0x228: {  	v23 =	vmul.f32 v23, v53;
	v22 =	vadd.f32 $2.000071410e-01, v22;
	v63 =	vmul.f32 v60, v26  }
0x229: {  	v13 =	vor.u32 v13, v34;
	v44 =	vmul.f32 v41, v26;
	v27 =	vmul.f32 v27, v32  }
0x22a: {  	v47 =	vmul.f32 $5.000000000e+00, v4;
	v22 =	vmul.f32 v22, v24;
	v25 =	vadd.f32 $-1.666805740e-01, v63  }
0x22b: {  	v23 =	vadd.f32 v23, v28;
	v28 =	vcvt.s32.f32 v56;
	v27 =	vadd.f32 $2.000071410e-01, v27  }
0x22c: {  	v10 =	vadd.f32 $1.000000000e-30, v45;
	v22 =	vadd.f32 $-2.499999400e-01, v22;
	v25 =	vmul.f32 v25, v26  }
0x22d: {  	v23 =	vsub.f32 v23, v58;
	v28 =	vmul.f32 $6.931471820e-01, v28;
	v27 =	vmul.f32 v27, v32  }
0x22e: {  	v48 =	vmul.f32 v21, v21;
	v22 =	vmul.f32 v22, v24;
	v25 =	vadd.f32 $2.000071410e-01, v25  }
0x22f: {  	(erf) = vrcp.f32 v10;
	v23 =	vadd.f32 v23, v28;
	v27 =	vadd.f32 $-2.499999400e-01, v27  }
0x230: {  	v35 =	vmul.f32 v32, v32;
	v22 =	vadd.f32 $3.333333130e-01, v22;
	v25 =	vmul.f32 v25, v26  }
0x231: {  	v20 =	vadd.f32 v23, v20;
	v23 =	vadd.s32 v36, v62;
	v27 =	vmul.f32 v27, v32  }
0x232: {  	v23 =	vadd.s32 $0xFFFFFF81, v23;
	v22 =	vmul.f32 v22, v33;
	v25 =	vadd.f32 $-2.499999400e-01, v25  }
0x233: {  	v36 =	vmul.f32 v35, v32;
	v23 =	vcvt.s32.f32 v23;
	v27 =	vadd.f32 $3.333333130e-01, v27  }
0x234: {  	v30 =	vmul.f32 $5.000000000e-01, v61;
	v22 =	vadd.f32 v22, v24;
	v25 =	vmul.f32 v25, v26  }
0x235: {  	v13 =	vor.u32 v5, v13;
	v51 =	vmul.f32 $5.000000000e-01, v41;
	v37 =	vmul.f32 v27, v36  }
0x236: {  	v23 =	vmul.f32 $6.931471820e-01, v23;
	v22 =	vsub.f32 v22, v30;
	v25 =	vadd.f32 $3.333333130e-01, v25  }
0x237: {  	v18 =	vadd.f32 v20, v18;
	v24 =	vmul.f32 $5.000000000e-01, v35;
	v20 =	vadd.f32 v37, v32  }
0x238: {  	v22 =	vadd.f32 v22, v23;
	v23 =	vand.u32 $0xFF, v40;
	v25 =	vmul.f32 v25, v44  }
0x239: {  	v20 =	vsub.f32 v20, v24;
	v24 =	vand.u32 $0xFF, v42;
	v23 =	vadd.s32 v39, v23  }
0x23a: {  	v23 =	vadd.s32 $0xFFFFFF81, v23;
	v25 =	vadd.f32 v25, v26;
	v26 =	vand.u32 $0x7FFFF800, v46  }
0x23b: {  	s31 =	spop (v2sf);
	v13 =	vld.idx.msk [tilespmem:v13+s2+$0x0], $0xffff;
	v24 =	vadd.s32 v43, v24;
	v23 =	vcvt.s32.f32 v23;
	v6 =	vadd.s32 v6, v26  }
0x23c: {  	p0 =	sne.s32 s31, $0x0;
	v50 =	vadd.s32 $0xFFFFFF81, v24;
	v6 =	vor.u32 v8, v6;
	v8 =	vadd.f32 $1.000000000e-30, v47  }
0x23d: {  	vm15 =	vmneg @p0 vm15;
	v49 =	vmul.f32 $6.931471820e-01, v23;
	v23 =	vcvt.s32.f32 v50  }
0x23e: {  	v14 =	vadd.f32 v22, v14;
	v5 =	vor.u32 v5, v6;
	(erf) = vrcp.f32 v8  }
0x23f: {  	v52 =	vadd.f32 v20, v49;
	v54 =	vmul.f32 $6.931471820e-01, v23;
	v53 =	vsub.f32 v25, v51  }
0x240: {  	v56 =	vmax.f32 v15, $0.0e+00;
	v11 =	vsub.f32 v13, v11;
	v55 =	vadd.f32 v14, v18  }
0x241: {  	vm13 =	vmand vm15, vm13;
	v6 =	vadd.f32 v52, v56;
	v8 =	vadd.f32 v53, v54  }
0x242: {  	vm13 =	vmand vm13, vm9;
	v10 =	vadd.f32 v48, v19;
	v57 =	vmax.f32 v16, $0.0e+00  }
0x243: {  	v11 =	vmul.f32 v11, v11;
	v6 =	vadd.f32 v6, v55;
	v8 =	vadd.f32 v8, v57;
	v5 =	vld.idx.msk [tilespmem:v5+s2+$0x0], $0xffff  }
0x244: {  	v7 =	vnsel vm10, $0x0, v7;
	v59 =	vadd.f32 v3, v9;
	vm12 =	vmor vm13, vm12  }
0x245: {  	vm12 =	vmneg vm12;
	v58 =	vpop (erf);
	v10 =	vadd.f32 v11, v10;
	v6 =	vadd.f32 v8, v6  }
0x246: {  	v7 =	vadd.f32 v7, v59;
	vm11 =	vmand vm11, vm12;
	v61 =	vmul.f32 $5.000000000e+00, v58  }
0x247: {  	v60 =	vnsel vm10, $0x0, v10;
	v6 =	vnsel vm10, $0x0, v6;
	vm10 =	vgt.f32 v4, $0.0e+00;
	v4 =	vpop (erf)  }
0x248: {  	v62 =	vnsel vm10, $0x0, v61;
	v5 =	vnsel vm11, $0x0, v5;
	v4 =	vadd.f32 v4, v4  }
0x249: {  	s18 =	sadd.s32 $0x1, s18;
	v7 =	vmul.f32 $3.944773230e-03, v7;
	v8 =	vmul.f32 v60, v62;
	v5 =	vsub.f32 v6, v5  }
0x24a: {  	p0 =	sne.s32 s18, $0x4;
	v4 =	vnsel vm10, $0x0, v4  }
.Ltmp4:
0x24b: {  	v63 =	vadd.f32 v7, v8;
	v4 =	vmul.f32 v5, v4;
	(pc) =	sbr.rel @p0 .LBB2_2-.Ltmp4, $3  }
0x24c: {  	_ = 	snop  }
0x24d: {  	v4 =	vadd.f32 v4, v63;
	_ =	sdelay $0x1  }
0x24e: {  	v0 =	vadd.f32 v4, v0  }
0x24f: {  	_ = 	snop  }
0x250: {  	v0 =	vmul.f32 $1.562500000e-02, v0;
	_ =	sdelay $0x1  }
0x251: {  	s2 =	simm.s32 $0x0;
	s3 =	simm.s32 $0x2280;
	s31 =	simm.s32 $0x1;
	[tilespmem:$0x2280] =	vst v0  }
0x252: {  	[hbm4b:s10+s2] =	stream.linear.scatter [tilespmem:s3], [sflag:$0x1], $0x80, $0x38;
	[tilespmem:$0x2300] =	vst v63  }
0x253: {  	_ =	swait.ge [sflag:s31], $0x80  }
0x254: {  	[sflag:s31] =	ssyncset.done $0x0  }
0x255: {  	[sflag:s31] =	ssyncadd.s32 $0xFFFFFF80  }
.LBB2_10:
0x256: {  	_ =	sfence.sel $0x180000  }
0x257: {  	[bflag:$0x0] =	sbarrier.arrive $0xFFFF  }
0x258: {  	p0 =	sne.s32 s1, $0x0;
	_ =	strace $0x90000047  }
0x259: {  	s0 =	sadd.s32 @!p0 $0x100000, s0;
	[bflag:$0x2] =	sbarrier.arrive $0xFFFF  }
0x25a: {  	[sflag:s0] =	ssyncadd.tile.s32 @!p0 $0x1;
	_ =	shalt  }
.Lfunc_end2:
_tile_overlayer_lowered:
.L_overlay_start_2:
0x25b: {  	(tag) =	ssettag $0x2  }
0x25c: {  	s0 =	rddreg [dreg:$0x0];
	s2 =	stileid.u32  }
0x25d: {  	s1 =	rddreg [dreg:$0x1];
	p0 =	sne.s32 s2, $0x0  }
0x25e: {  	s3 =	rddreg [dreg:$0x2];
	[bflag:$0x3] =	sbarrier.arrive $0xFFFF;
	s2 =	simm.s32 @!p0 $0x1C01  }
0x25f: {  	[timem:s3], [sflag:s2] =	dma.local @!p0 [hbm:s0], s1  }
0x260: {  	s0 =	simm.s32 @!p0 $0x1  }
0x261: {  	_ =	swait.ge @!p0 [sflag:s0], s1  }
0x262: {  	s1 =	ssub.s32 @!p0 $0x0, s1;
	[sflag:s0] =	ssyncset.done @!p0 $0x0  }
0x263: {  	[sflag:s0] =	ssyncadd.s32 @!p0 s1  }
0x264: {  	[bflag:$0x3] =	sbarrier.arrive $0xFFFF  }
0x265: {  	_ =	shalt  }

// kernel: kernel.7.cloned.1.call-start
scs
__scs_entry_jumppad:
0x0: {  	(pc) =	sbr.rel $0x88, $3  }
0x1: {  	(tag) =	ssettag $0x0;
	lr =	simm.s32 $0x1  }
0x2: {  	[smem:$0x3F9E] =	sst lr;
	_ =	strace $0xD0000000  }
0x3: {  	_ = 	snop  }
0x4: {  	_ = 	snop  }
0x5: {  	_ = 	snop  }
0x6: {  	_ = 	snop  }
0x7: {  	_ = 	snop  }
__scs_overlays_trampoline_lowered:
0x8: {  	[smem:$0x3FAD] =	sst s0  }
0x9: {  	[smem:$0x3FAE] =	sst s1  }
0xa: {  	[smem:$0x3FAF] =	sst s2  }
0xb: {  	[smem:$0x3FB0] =	sst s3  }
0xc: {  	[smem:$0x3FB1] =	sst s4  }
0xd: {  	[smem:$0x3FB2] =	sst s5  }
0xe: {  	[smem:$0x3FB3] =	sst s6  }
0xf: {  	[smem:$0x3FB4] =	sst s7  }
0x10: {  	[smem:$0x3FB5] =	sst s8  }
0x11: {  	[smem:$0x3FB6] =	sst s9;
	s0 =	simm.s32 @!p0 $0x0  }
0x12: {  	s1 =	sld [smem:$0x3F9C];
	s0 =	simm.s32 @p0 $0x1  }
0x13: {  	[smem:$0x3FB7] =	sst s0;
	s0 =	simm.s32 @!p1 $0x0  }
0x14: {  	s2 =	sld [smem:$0x3F9B];
	s0 =	simm.s32 @p1 $0x1  }
0x15: {  	[smem:$0x3FB8] =	sst s0;
	s0 =	simm.s32 @!p2 $0x0  }
0x16: {  	s3 =	sld [smem:$0x3FDB];
	s0 =	simm.s32 @p2 $0x1  }
0x17: {  	s4 =	simm.s32 $0x1BF5;
	[smem:$0x3FBA] =	sst s0  }
0x18: {  	s0 =	sld [smem:$0x3F9D];
	_ =	swait.ge [sflag:s4], $0x0  }
0x19: {  	s7 =	sld [smem:$0x3F9E]  }
0x1a: {  	s8 =	sadd.s32 $0xFFFFE003, lr  }
0x1b: {  	s9 =	sadd.s32 $0xFFFFFEF7, lr;
	s5 =	simm.s32 $0xFFFFFFFF;
	p2 =	slt.u32 s8, $0xFFFFF086  }
0x1c: {  	p1 =	slt.u32 s9, $0xF7A;
	s5 =	simm.s32 @!p2 $0x0  }
0x1d: {  	s5 =	simm.s32 @p1 $0x1;
	p0 =	seq.s32 s7, s2  }
0x1e: {  	s7 =	smul.u32 @!p0 $0xF7A, s2;
	p2 =	seq.s32 @!p0 s5, $0x0  }
0x1f: {  	s9 =	smul.u32 $0xF7A, s1;
	s8 =	simm.s32 @!p0 $0x1BF5;
	p2 =	por !p2, p0  }
0x20: {  	[sflag:s8] =	ssyncset.s32 @!p0 $0xFFFFF086;
	s6 =	sadd.s32 @!p0 s3, s7;
	s7 =	simm.s32 @!p0 $0x108  }
0x21: {  	s3 =	sadd.s32 s3, s9;
	s6 =	sadd.s32 @!p0 $0x88, s6;
	s7 =	simm.s32 @p2 $0x1082  }
0x22: {  	[simem:s7], [sflag:s8] =	dma.local @!p0 [hbm:s6], $0xF7A  }
0x23: {  	s9 =	sor.u32 $0xD0000000, s2;
	s6 =	simm.s32 $0x108;
	_ =	swait.ge @!p0 [sflag:s8], $0x0  }
0x24: {  	s3 =	sadd.s32 $0x88, s3;
	s6 =	simm.s32 @!p1 $0x1082;
	[sflag:s4] =	ssyncset.s32 $0xFFFFF086  }
0x25: {  	[simem:s6], [sflag:s4] =	dma.local [hbm:s3], $0xF7A  }
0x26: {  	[smem:$0x3F9E] =	sst s1;
	(tag) =	ssettag s2;
	_ =	strace s9  }
0x27: {  	s1 =	sld [smem:$0x3FAE]  }
0x28: {  	s2 =	sld [smem:$0x3FAF]  }
0x29: {  	s4 =	sld [smem:$0x3FB1]  }
0x2a: {  	p0 =	seq.s32 s5, $0x0;
	s5 =	sld [smem:$0x3FB2]  }
0x2b: {  	s6 =	sld [smem:$0x3FB3]  }
0x2c: {  	s7 =	sld [smem:$0x3FB4]  }
0x2d: {  	s3 =	simm.s32 $0x108;
	s8 =	sld [smem:$0x3FB5]  }
0x2e: {  	s3 =	simm.s32 @!p0 $0x1082;
	s9 =	sld [smem:$0x3FB6]  }
0x2f: {  	lr =	sadd.s32 s0, s3;
	s0 =	sld [smem:$0x3FAD]  }
0x30: {  	s3 =	sld [smem:$0x3FB0]  }
0x31: {  	[smem:$0x3FB9] =	sst s10  }
0x32: {  	s10 =	sld [smem:$0x3FB7];
	_ =	sdelay $0x3  }
0x33: {  	p0 =	seq.s32 s10, $0x1;
	s10 =	sld [smem:$0x3FB9];
	_ =	sdelay $0x3  }
0x34: {  	[smem:$0x3FB9] =	sst s10  }
0x35: {  	s10 =	sld [smem:$0x3FB8];
	_ =	sdelay $0x3  }
0x36: {  	p1 =	seq.s32 s10, $0x1;
	s10 =	sld [smem:$0x3FB9];
	_ =	sdelay $0x3  }
0x37: {  	[smem:$0x3FB9] =	sst s10  }
0x38: {  	s10 =	sld [smem:$0x3FBA]  }
0x39: {  	_ = 	snop;
	(pc) =	sbr.ind lr, $3  }
0x3a: {  	_ = 	snop  }
0x3b: {  	_ = 	snop  }
0x3c: {  	p2 =	seq.s32 s10, $0x1;
	s10 =	sld [smem:$0x3FB9]  }
0x3d: {  	_ =	shalt  }
0x3e: {  	_ =	shalt  }
0x3f: {  	_ =	shalt  }
0x40: {  	_ =	shalt  }
0x41: {  	_ =	shalt  }
0x42: {  	_ =	shalt  }
0x43: {  	_ =	shalt  }
0x44: {  	_ =	shalt  }
0x45: {  	_ =	shalt  }
0x46: {  	_ =	shalt  }
0x47: {  	_ =	shalt  }
0x48: {  	_ =	shalt  }
0x49: {  	_ =	shalt  }
0x4a: {  	_ =	shalt  }
0x4b: {  	_ =	shalt  }
0x4c: {  	_ =	shalt  }
0x4d: {  	_ =	shalt  }
0x4e: {  	_ =	shalt  }
0x4f: {  	_ =	shalt  }
0x50: {  	_ =	shalt  }
0x51: {  	_ =	shalt  }
0x52: {  	_ =	shalt  }
0x53: {  	_ =	shalt  }
0x54: {  	_ =	shalt  }
0x55: {  	_ =	shalt  }
0x56: {  	_ =	shalt  }
0x57: {  	_ =	shalt  }
0x58: {  	_ =	shalt  }
0x59: {  	_ =	shalt  }
0x5a: {  	_ =	shalt  }
0x5b: {  	_ =	shalt  }
0x5c: {  	_ =	shalt  }
0x5d: {  	_ =	shalt  }
0x5e: {  	_ =	shalt  }
0x5f: {  	_ =	shalt  }
0x60: {  	_ =	shalt  }
0x61: {  	_ =	shalt  }
0x62: {  	_ =	shalt  }
0x63: {  	_ =	shalt  }
0x64: {  	_ =	shalt  }
0x65: {  	_ =	shalt  }
0x66: {  	_ =	shalt  }
0x67: {  	_ =	shalt  }
0x68: {  	_ =	shalt  }
0x69: {  	_ =	shalt  }
0x6a: {  	_ =	shalt  }
0x6b: {  	_ =	shalt  }
0x6c: {  	_ =	shalt  }
0x6d: {  	_ =	shalt  }
0x6e: {  	_ =	shalt  }
0x6f: {  	_ =	shalt  }
0x70: {  	_ =	shalt  }
0x71: {  	_ =	shalt  }
0x72: {  	_ =	shalt  }
0x73: {  	_ =	shalt  }
0x74: {  	_ =	shalt  }
0x75: {  	_ =	shalt  }
0x76: {  	_ =	shalt  }
0x77: {  	_ =	shalt  }
0x78: {  	_ =	shalt  }
0x79: {  	_ =	shalt  }
0x7a: {  	_ =	shalt  }
0x7b: {  	_ =	shalt  }
0x7c: {  	_ =	shalt  }
0x7d: {  	_ =	shalt  }
0x7e: {  	_ =	shalt  }
0x7f: {  	_ =	shalt  }
0x80: {  	_ =	shalt  }
0x81: {  	_ =	shalt  }
0x82: {  	_ =	shalt  }
0x83: {  	_ =	shalt  }
0x84: {  	_ =	shalt  }
0x85: {  	_ =	shalt  }
0x86: {  	_ =	shalt  }
0x87: {  	_ =	shalt  }
.Lfunc_end0:
.L_simem_size_0:
called_computation.1_lowered:
.L_overlay_start_0:
0x88: {  	s2 =	sld [smem:$0x3FD9]  }
0x89: {  	s3 =	sld [smem:$0x3FFE];
	_ =	sdelay $0x1  }
0x8a: {  	s1 =	srdreg.scid  }
0x8b: {  	s0 =	sand.u32 $0x1, s1  }
0x8c: {  	s17 =	sshll.u32 s0, $0xA;
	s2 =	sadd.s32 s3, s2  }
0x8d: {  	s2 =	sadd.s32 s2, s17  }
0x8e: {  	[smem:$0x3FC5] =	sst s2  }
0x8f: {  	_ = 	snop  }
0x90: {  	s2 =	sld [smem:$0x3FD0];
	(tm) =	ssettm $0x1  }
0x91: {  	s18 =	sld [smem:$0x3FFB];
	_ =	sdelay $0x3  }
0x92: {  	_ =	strace s18  }
0x93: {  	s3 =	sld [smem:$0x3FFC];
	_ =	sdelay $0x3  }
0x94: {  	_ =	strace s3  }
0x95: {  	s3 =	sld [smem:$0x3FFD];
	_ =	sdelay $0x3  }
0x96: {  	_ =	strace s3  }
0x97: {  	_ =	strace $0x8FFFFFFF  }
0x98: {  	s19 =	sld [smem:$0x3FDB];
	_ =	sdelay $0x1  }
0x99: {  	s4 =	simm.s32 $_scs_section_size  }
0x9a: {  	s5 =	simm.s32 $_size__tile_overlayer_lowered;
	s6 =	simm.s32 $_tile_overlayer_lowered  }
0x9b: {  	s22 =	simm.s32 $0x1BFF;
	s21 =	sshll.u32 s6, $0x1;
	s3 =	sadd.s32 s4, s19  }
0x9c: {  	s7 =	simm.s32 $0x0;
	s20 =	sshll.u32 s5, $0x1;
	s5 =	sadd.s32 s21, s3  }
0x9d: {  	[timem:s7], [sflag:s22] =	dma.local [hbm:s5], s20  }
0x9e: {  	_ =	swait.ge [sflag:s22], s20  }
0x9f: {  	s4 =	ssub.s32 $0x0, s20;
	[sflag:s22] =	ssyncset.done $0x0  }
0xa0: {  	[sflag:s22] =	ssyncadd.s32 s4;
	_ =	sdelay $0x1  }
0xa1: {  	s23 =	simm.s32 $0x1B8B  }
0xa2: {  	_ =	swait.ge [sflag:s23], $0x1  }
0xa3: {  	[sflag:s23] =	ssyncset.done $0x0  }
0xa4: {  	s25 =	simm.s32 $0x1B8E;
	s24 =	sld [smem:$0x3FFE];
	[sflag:s23] =	ssyncadd.s32 $0xFFFFFFFF  }
0xa5: {  	s26 =	simm.s32 $execute0_lowered;
	[smem:$0x3FD2] =	sst s25  }
0xa6: {  	s5 =	sshll.u32 s26, $0x1;
	_ =	strace $0x80000049;
	[dreg:$0x1] =	wrdreg $0xFFFFFFFF  }
0xa7: {  	s28 =	simm.s32 $_size_execute0_lowered;
	s3 =	sadd.s32 s3, s5;
	[dreg:$0x0] =	wrdreg $0x0  }
0xa8: {  	s5 =	sshll.u32 s28, $0x1;
	[dreg:$0x2] =	wrdreg s3  }
0xa9: {  	[dreg:$0x3] =	wrdreg s5  }
0xaa: {  	[dreg:$0x4] =	wrdreg $0xC0  }
0xab: {  	_ =	task [dreg:s7], $0x5FFFF  }
0xac: {  	[dreg:$0x1] =	wrdreg $0xFFFFFFFF  }
0xad: {  	[dreg:$0x0] =	wrdreg $0x60  }
0xae: {  	[dreg:$0x2] =	wrdreg s24  }
0xaf: {  	[dreg:$0x3] =	wrdreg s2  }
0xb0: {  	[dreg:$0x4] =	wrdreg $0x9  }
0xb1: {  	_ =	task.clear_ibuf [dreg:s7], $0x5FFFF;
	_ =	strace $0x90000049  }
0xb2: {  	s29 =	simm.s32 $0x9;
	_ =	strace $0x8000004B  }
0xb3: {  	_ =	swait.ge [sflag:s29], $0x1  }
0xb4: {  	[sflag:s29] =	ssyncadd.s32 $0xFFFFFFFF  }
0xb5: {  	_ =	strace $0x9000004B  }
0xb6: {  	_ =	sfence  }
0xb7: {  	s30 =	sld [smem:$0x0];
	_ =	sdelay $0x2  }
0xb8: {  	s31 =	sshll.u32 s1, $0xD;
	s1 =	sshrl.u32 s1, $0x2  }
0xb9: {  	s3 =	sand.u32 $0x4000, s31;
	s1 =	sadd.s32 s1, s30  }
0xba: {  	s0 =	sor.u32 s3, s0;
	s1 =	sshll.u32 s1, $0x11  }
0xbb: {  	s0 =	sor.u32 s1, s0  }
0xbc: {  	s0 =	sadd.s32 $0x8F2B, s0  }
0xbd: {  	[sflag:s0] =	ssyncadd.remote.s32 $0x1  }
0xbe: {  	_ =	sfence.sel $0xFFFF  }
0xbf: {  	[dreg:$0x0] =	wrdreg $0xFFFFFFFF;
	(pc) =	sbr.abs _section_cstart, $3  }
0xc0: {  	[dreg:$0x1] =	wrdreg $0xFFFFFFFF  }
0xc1: {  	_ =	task.clear_ibuf [dreg:s7], $0x2FFFF;
	_ =	strace $0x9FFFFFFF  }
0xc2: {  	(tm) =	ssettm $0x7FFFFFFF  }
0xc3: {  	_ =	shalt  }
tec
execute0_lowered:
.L_overlay_start_1:
0x0: {  	(tag) =	ssettag $0x1  }
0x1: {  	s0 =	srdreg.scid  }
0x2: {  	s6 =	sand.u32 $0x1, s0;
	s0 =	stileid.u32  }
0x3: {  	s4 =	sor.u32 s0, s6  }
0x4: {  	p0 =	sne.s32 s4, $0x0  }
.Ltmp0:
0x5: {  	_ = 	snop;
	(pc) =	sbr.rel @p0 .LBB2_4-.Ltmp0, $4  }
0x6: {  	_ = 	snop  }
0x7: {  	s3 =	rddreg [dreg:$0x0]  }
0x8: {  	s2 =	rddreg [dreg:$0x1]  }
0x9: {  	s1 =	rddreg [dreg:$0x2];
	_ =	strace $0x8000004A  }
0xa: {  	s4 =	sadd.s32 $0x12200, s3;
	s5 =	simm.s32 $0x0;
	s3 =	simm.s32 $0x1  }
0xb: {  	[tilespmem:s5], [sflag:$0x1] =	stream.linear.gather [hbm4b:s4+s5], $0x800, $0x38;
	[tilespmem:$0x880] =	vst v63  }
0xc: {  	_ =	swait.ge [sflag:s3], $0x800  }
0xd: {  	[sflag:s3] =	ssyncset.done $0x0  }
0xe: {  	[sflag:s3] =	ssyncadd.s32 $0xFFFFF800  }
0xf: {  	v0 =	vld [tilespmem:$0x0]  }
0x10: {  	v1 =	vld [tilespmem:$0x80];
	_ =	sdelay $0x1  }
0x11: {  	v2 =	vld [tilespmem:$0x100];
	_ =	sdelay $0x1  }
0x12: {  	v3 =	vld [tilespmem:$0x180]  }
0x13: {  	v0 =	vadd.f32 v1, v0  }
0x14: {  	v52 =	vld [tilespmem:$0x200]  }
0x15: {  	v0 =	vadd.f32 v2, v0  }
0x16: {  	v53 =	vld [tilespmem:$0x280]  }
0x17: {  	v0 =	vadd.f32 v3, v0  }
0x18: {  	v54 =	vld [tilespmem:$0x300]  }
0x19: {  	v0 =	vadd.f32 v52, v0  }
0x1a: {  	v55 =	vld [tilespmem:$0x380]  }
0x1b: {  	v0 =	vadd.f32 v53, v0  }
0x1c: {  	v56 =	vld [tilespmem:$0x400]  }
0x1d: {  	v0 =	vadd.f32 v54, v0  }
0x1e: {  	v57 =	vld [tilespmem:$0x480]  }
0x1f: {  	v0 =	vadd.f32 v55, v0  }
0x20: {  	v58 =	vld [tilespmem:$0x500]  }
0x21: {  	v0 =	vadd.f32 v56, v0  }
0x22: {  	v59 =	vld [tilespmem:$0x580]  }
0x23: {  	v0 =	vadd.f32 v57, v0  }
0x24: {  	v60 =	vld [tilespmem:$0x600]  }
0x25: {  	v0 =	vadd.f32 v58, v0  }
0x26: {  	v61 =	vld [tilespmem:$0x680]  }
0x27: {  	v0 =	vadd.f32 v59, v0  }
0x28: {  	v62 =	vld [tilespmem:$0x700]  }
0x29: {  	v0 =	vadd.f32 v60, v0  }
0x2a: {  	v63 =	vld [tilespmem:$0x780]  }
0x2b: {  	v0 =	vadd.f32 v61, v0;
	_ =	sdelay $0x1  }
0x2c: {  	v0 =	vadd.f32 v62, v0;
	_ =	sdelay $0x1  }
0x2d: {  	v0 =	vadd.f32 v63, v0;
	_ =	sdelay $0x1  }
0x2e: {  	(xrf2) =	vadd.scan.msk.f32 $0xffff, v0;
	_ =	sdelay $0x7  }
0x2f: {  	s6 =	ssub.s32 $0x2, s6  }
0x30: {  	s7 =	sshrl.u32 s6, $0x1  }
0x31: {  	s7 =	ssub.s32 s6, s7;
	v0, _, _ =	vpop (xrf2)  }
0x32: {  	p0 =	sne.s32 s7, $0x1;
	v0 =	vbroadcast v0, $0xF  }
.Ltmp1:
0x33: {  	vm0 =	vmmov $0x1;
	(pc) =	sbr.rel @!p0 .LBB2_3-.Ltmp1, $4  }
0x34: {  	v0 =	vnsel vm0, $0x0, v0  }
0x35: {  	s6 =	simm.s32 $0x800;
	[tilespmem:$0x800] =	vst v0  }
0x36: {  	[hbm4b:s2+s5] =	stream.linear.scatter [tilespmem:s6], [sflag:$0x1], $0x80, $0x38;
	[tilespmem:$0x880] =	vst v63  }
0x37: {  	s7 =	sadd.s32 $0xFFFFFFFF, s7;
	_ =	swait.ge [sflag:s3], $0x80  }
.LBB2_2:
0x38: {  	p0 =	sne.s32 s7, $0x1;
	s7 =	sadd.s32 $0xFFFFFFFF, s7;
	[sflag:s3] =	ssyncset.done $0x0  }
0x39: {  	[sflag:s3] =	ssyncadd.s32 $0xFFFFFF80  }
0x3a: {  	[tilespmem:s5], [sflag:$0x1] =	stream.linear.gather [hbm4b:s4+s5], $0x800, $0x38;
	[tilespmem:$0x880] =	vst v63  }
0x3b: {  	_ =	swait.ge [sflag:s3], $0x800  }
0x3c: {  	[sflag:s3] =	ssyncset.done $0x0  }
0x3d: {  	[sflag:s3] =	ssyncadd.s32 $0xFFFFF800  }
0x3e: {  	v0 =	vld [tilespmem:$0x0]  }
0x3f: {  	v1 =	vld [tilespmem:$0x80]  }
0x40: {  	v2 =	vld [tilespmem:$0x100];
	_ =	sdelay $0x1  }
0x41: {  	v3 =	vld [tilespmem:$0x180];
	_ =	sdelay $0x1  }
0x42: {  	v0 =	vadd.f32 v1, v0;
	v1 =	vld [tilespmem:$0x200];
	_ =	sdelay $0x1  }
0x43: {  	v0 =	vadd.f32 v2, v0;
	v2 =	vld [tilespmem:$0x280];
	_ =	sdelay $0x1  }
0x44: {  	v0 =	vadd.f32 v3, v0;
	v3 =	vld [tilespmem:$0x300];
	_ =	sdelay $0x1  }
0x45: {  	v0 =	vadd.f32 v1, v0;
	v1 =	vld [tilespmem:$0x380];
	_ =	sdelay $0x1  }
0x46: {  	v0 =	vadd.f32 v2, v0;
	v2 =	vld [tilespmem:$0x400];
	_ =	sdelay $0x1  }
0x47: {  	v0 =	vadd.f32 v3, v0;
	v3 =	vld [tilespmem:$0x480];
	_ =	sdelay $0x1  }
0x48: {  	v0 =	vadd.f32 v1, v0;
	v1 =	vld [tilespmem:$0x500];
	_ =	sdelay $0x1  }
0x49: {  	v0 =	vadd.f32 v2, v0;
	v2 =	vld [tilespmem:$0x580];
	_ =	sdelay $0x1  }
0x4a: {  	v0 =	vadd.f32 v3, v0;
	v3 =	vld [tilespmem:$0x600];
	_ =	sdelay $0x1  }
0x4b: {  	v0 =	vadd.f32 v1, v0;
	v1 =	vld [tilespmem:$0x680];
	_ =	sdelay $0x1  }
0x4c: {  	v0 =	vadd.f32 v2, v0;
	v2 =	vld [tilespmem:$0x700];
	_ =	sdelay $0x1  }
0x4d: {  	v0 =	vadd.f32 v3, v0;
	v3 =	vld [tilespmem:$0x780];
	_ =	sdelay $0x1  }
0x4e: {  	v0 =	vadd.f32 v1, v0;
	_ =	sdelay $0x1  }
0x4f: {  	v0 =	vadd.f32 v2, v0;
	_ =	sdelay $0x1  }
0x50: {  	v0 =	vadd.f32 v3, v0;
	_ =	sdelay $0x1  }
0x51: {  	(xrf2) =	vadd.scan.msk.f32 $0xffff, v0;
	_ =	sdelay $0x9  }
0x52: {  	v0, _, _ =	vpop (xrf2)  }
0x53: {  	v0 =	vbroadcast v0, $0xF  }
.Ltmp2:
0x54: {  	(pc) =	sbr.rel @p0 .LBB2_2-.Ltmp2, $4  }
0x55: {  	v0 =	vnsel vm0, $0x0, v0  }
0x56: {  	[tilespmem:$0x800] =	vst v0  }
0x57: {  	[hbm4b:s2+s5] =	stream.linear.scatter [tilespmem:s6], [sflag:$0x1], $0x80, $0x38;
	[tilespmem:$0x880] =	vst v63  }
0x58: {  	_ =	swait.ge [sflag:s3], $0x80  }
.LBB2_3:
0x59: {  	[sflag:s3] =	ssyncset.done $0x0  }
0x5a: {  	[sflag:s3] =	ssyncadd.s32 $0xFFFFFF80  }
.LBB2_4:
0x5b: {  	_ =	sfence.sel $0x180000  }
0x5c: {  	[bflag:$0x0] =	sbarrier.arrive $0xFFFF  }
0x5d: {  	p0 =	sne.s32 s0, $0x0;
	_ =	strace $0x9000004A  }
0x5e: {  	s0 =	sadd.s32 @!p0 $0x100000, s1;
	[bflag:$0x2] =	sbarrier.arrive $0xFFFF  }
0x5f: {  	[sflag:s0] =	ssyncadd.tile.s32 @!p0 $0x1;
	_ =	shalt  }
.Lfunc_end2:
_tile_overlayer_lowered:
.L_overlay_start_2:
0x60: {  	(tag) =	ssettag $0x2  }
0x61: {  	s0 =	rddreg [dreg:$0x0];
	s2 =	stileid.u32  }
0x62: {  	s1 =	rddreg [dreg:$0x1];
	p0 =	sne.s32 s2, $0x0  }
0x63: {  	s3 =	rddreg [dreg:$0x2];
	[bflag:$0x3] =	sbarrier.arrive $0xFFFF;
	s2 =	simm.s32 @!p0 $0x1C01  }
0x64: {  	[timem:s3], [sflag:s2] =	dma.local @!p0 [hbm:s0], s1  }
0x65: {  	s0 =	simm.s32 @!p0 $0x1  }
0x66: {  	_ =	swait.ge @!p0 [sflag:s0], s1  }
0x67: {  	s1 =	ssub.s32 @!p0 $0x0, s1;
	[sflag:s0] =	ssyncset.done @!p0 $0x0  }
0x68: {  	[sflag:s0] =	ssyncadd.s32 @!p0 s1  }
0x69: {  	[bflag:$0x3] =	sbarrier.arrive $0xFFFF  }
0x6a: {  	_ =	shalt  }

</sc_bundles>
